<compile_context>
chip_gen: v7x
topology: tpu7x:2x2x1
jax: 0.10.2.dev20260603
libtpu: 0.0.44.dev20260713+nightly
codegen_flags: <defaults>
</compile_context>

<pallas_src>
import functools

import jax
import jax.numpy as jnp
from jax import lax
from jax.experimental import pallas as pl
from jax.experimental.pallas import tpu as pltpu
from jax.experimental.pallas import tpu_sc as plsc

N = 10000
E = 320000
HID = 64
NH = 2
DH = HID // NH


BQ = 400


def _attn_body(q_ref, kt_ref, v_ref, o_ref):
    q = q_ref[0].astype(jnp.bfloat16)
    kt = kt_ref[0].astype(jnp.bfloat16)
    v = v_ref[0].astype(jnp.bfloat16)
    s = jnp.dot(q, kt, preferred_element_type=jnp.float32)
    p = jnp.exp2(s)
    o_ref[0] = jnp.dot(p.astype(jnp.bfloat16), v,
                       preferred_element_type=jnp.float32)


DV = DH + 1


def _attention(q, k, v):
    kt = jnp.swapaxes(k, 1, 2)
    q = q * jnp.float32(1.4426950408889634 / (DH ** 0.5))
    v1 = jnp.concatenate([v, jnp.ones((NH, N, 1), jnp.float32)], axis=2)
    o = pl.pallas_call(
        _attn_body,
        grid=(NH, N // BQ),
        in_specs=[
            pl.BlockSpec((1, BQ, DH), lambda h, i: (h, i, 0)),
            pl.BlockSpec((1, DH, N), lambda h, i: (h, 0, 0)),
            pl.BlockSpec((1, N, DV), lambda h, i: (h, 0, 0)),
        ],
        out_specs=pl.BlockSpec((1, BQ, DV), lambda h, i: (h, i, 0)),
        out_shape=jax.ShapeDtypeStruct((NH, N, DV), jnp.float32),
    )(q, kt, v1)
    return o[:, :, :DH] / o[:, :, DH:]



CHUNK = 128
NCHUNK = E // CHUNK
NWORK = 32
TMAX = -(-NCHUNK // NWORK)
RBASE = 624
RLEN = 128
RCOPIES = 5


def _edge_body(write_ehat, av_hbm, bh_hbm, ce_hbm, src_hbm, dst_hbm,
               nd_hbm, ehat_hbm,
               si_v, di_v, av_v, bh_v, ce_v, nd_sp, sem):
    c = lax.axis_index("c")
    s = lax.axis_index("s")
    w = s * 2 + c
    zero = jnp.zeros((16,), jnp.float32)

    def _zero_buf(r, _):
        for j in range(8):
            av_v[r, pl.ds(16 * j, 16)] = zero
        return 0

    lax.fori_loop(0, RLEN, _zero_buf, 0)
    for k in range(RCOPIES):
        pltpu.sync_copy(av_v.at[pl.ds(0, RLEN)],
                        nd_sp.at[pl.ds(s * RBASE + k * RLEN, RLEN)])
    plsc.subcore_barrier()

    def _chunk(t, _):
        chunk = w + t * NWORK

        @pl.when(chunk < NCHUNK)
        def _():
            base = chunk * CHUNK
            pltpu.sync_copy(src_hbm.at[pl.ds(base, CHUNK)], si_v)
            pltpu.sync_copy(dst_hbm.at[pl.ds(base, CHUNK)], di_v)
            cp_av = pltpu.async_copy(av_hbm.at[si_v], av_v, sem)
            cp_bh = pltpu.async_copy(bh_hbm.at[di_v], bh_v, sem)
            cp_ce = pltpu.async_copy(ce_hbm.at[pl.ds(base, CHUNK)], ce_v, sem)
            cp_av.wait()
            cp_bh.wait()
            cp_ce.wait()

            def _row(r, _):
                for j in range(4):
                    a = av_v[r, pl.ds(16 * j, 16)]
                    vv = av_v[r, pl.ds(64 + 16 * j, 16)]
                    b = bh_v[r, pl.ds(16 * j, 16)]
                    cc = ce_v[r, pl.ds(16 * j, 16)]
                    ehat = a + b + cc
                    if write_ehat:
                        ce_v[r, pl.ds(16 * j, 16)] = ehat
                    sg = 1.0 / (1.0 + jnp.exp(-ehat))
                    av_v[r, pl.ds(64 + 16 * j, 16)] = sg
                    av_v[r, pl.ds(16 * j, 16)] = sg * vv
                return 0

            lax.fori_loop(0, CHUNK, _row, 0)

            if write_ehat:
                pltpu.sync_copy(ce_v, ehat_hbm.at[pl.ds(base, CHUNK)])
            pltpu.sync_copy(av_v, nd_sp.at[di_v], add=True)
        return 0

    lax.fori_loop(0, TMAX, _chunk, 0)
    plsc.subcore_barrier()

    for k in range(RCOPIES):
        r0 = s * RBASE + k * RLEN
        pltpu.sync_copy(nd_sp.at[pl.ds(r0, RLEN)], av_v.at[pl.ds(0, RLEN)])
        pltpu.sync_copy(av_v.at[pl.ds(0, RLEN)],
                        nd_hbm.at[c, pl.ds(r0, RLEN)])


def _edge_call(write_ehat):
    out_type = [jax.ShapeDtypeStruct((2, N, 2 * HID), jnp.float32)]
    if write_ehat:
        out_type.append(jax.ShapeDtypeStruct((E, HID), jnp.float32))
    body = functools.partial(_edge_body, write_ehat)
    if not write_ehat:
        def body(av, bh, ce, src, dst, nd, *rest):
            return _edge_body(False, av, bh, ce, src, dst, nd, None, *rest)
    return pl.kernel(
        body,
        mesh=plsc.VectorSubcoreMesh(core_axis_name="c", subcore_axis_name="s"),
        out_type=out_type,
        scratch_types=[
            pltpu.VMEM((CHUNK,), jnp.int32),
            pltpu.VMEM((CHUNK,), jnp.int32),
            pltpu.VMEM((CHUNK, 2 * HID), jnp.float32),
            pltpu.VMEM((CHUNK, 2 * HID), jnp.float32),
            pltpu.VMEM((CHUNK, HID), jnp.float32),
            pltpu.VMEM_SHARED((N + 8, 2 * HID), jnp.float32),
            pltpu.SemaphoreType.DMA,
        ],
    )


def _edge_stage(Ah, Bh, Vh, Ce, src, dst, write_ehat):
    av = jnp.concatenate([Ah, Vh], axis=1)
    bb = jnp.concatenate([Bh, Bh], axis=1)
    outs = _edge_call(write_ehat)(av, bb, Ce, src, dst)
    nd = outs[0][0] + outs[0][1]
    num = nd[:, :HID]
    den = nd[:, HID:] + 1e-6
    return num, den, (outs[1] if write_ehat else None)


def _ln(x):
    m = jnp.mean(x, axis=-1, keepdims=True)
    v = jnp.var(x, axis=-1, keepdims=True)
    return (x - m) / jnp.sqrt(v + 1e-5)


def kernel(x, pos_enc, edge_attr, edge_index, Wn, Wp, b0, We, be, A, B, Cc, U, V, Wq, Wk, Wv, Wo, W1, b1, W2, b2, P1, pb1, P2, pb2, P3, pb3):
    L = A.shape[0]
    src = edge_index[0]
    dst = edge_index[1]
    h = x @ Wn + pos_enc @ Wp + b0
    e = edge_attr @ We + be
    for l in range(L):
        Ah = h @ A[l]
        Bh = h @ B[l]
        Vh = h @ V[l]
        Ce = e @ Cc[l]
        last = (l + 1 == L)
        num, den, e_hat = _edge_stage(Ah, Bh, Vh, Ce, src, dst,
                                      write_ehat=not last)
        q = jnp.transpose((h @ Wq[l]).reshape(N, NH, DH), (1, 0, 2))
        k = jnp.transpose((h @ Wk[l]).reshape(N, NH, DH), (1, 0, 2))
        v = jnp.transpose((h @ Wv[l]).reshape(N, NH, DH), (1, 0, 2))
        o = _attention(q, k, v)
        h_attn = jnp.transpose(o, (1, 0, 2)).reshape(N, HID) @ Wo[l]
        h_local = h @ U[l] + num / den
        if not last:
            e = _ln(e + e_hat)
        h = _ln(h + h_local) + _ln(h + h_attn)
        h = _ln(h + jax.nn.relu(h @ W1[l] + b1[l]) @ W2[l] + b2[l])
    hg = jnp.sum(h, axis=0, keepdims=True)
    z = jax.nn.relu(hg @ P1 + pb1)
    z = jax.nn.relu(z @ P2 + pb2)
    return z @ P3 + pb3

# --- scband reference (transcript-rebuilt; emitter-appended) ---
"""Pipeline reference for scband-graph-gpsmodel-63874753626519 (READ-ONLY COPY).

The authoritative reference and input builder live on the scoring server;
editing this copy changes nothing except your own understanding.
"""

import jax, jax.numpy as jnp
import numpy as np

N = 10000
E = 320000
DF = 128
DE = 4
HID = 64
PE = 8
L = 2
NH = 2
DH = HID // NH
OUT = 1


def _ln(x):
    m = jnp.mean(x, axis=-1, keepdims=True)
    v = jnp.var(x, axis=-1, keepdims=True)
    return (x - m) / jnp.sqrt(v + 1e-5)


def _forward(x, pos_enc, edge_attr, Wn, Wp, b0, We, be, A, B, Cc, U, V, Wq, Wk, Wv, Wo, W1, b1, W2, b2, P1, pb1, P2, pb2, P3, pb3, edge_index):
    src = edge_index[0]
    dst = edge_index[1]
    # FeatureEncoder: node feats + Laplacian PE -> hidden; edge feats -> hidden
    h = x @ Wn + pos_enc @ Wp + b0
    e = edge_attr @ We + be
    for l in range(L):
        # local GNN: GatedGCN-style message passing (updates h and e)
        Ah = h @ A[l]
        Bh = h @ B[l]
        Ce = e @ Cc[l]
        e_hat = Ah[src] + Bh[dst] + Ce
        sigma = jax.nn.sigmoid(e_hat)
        Vh = h @ V[l]
        num = jnp.zeros((N, HID), dtype=h.dtype).at[dst].add(sigma * Vh[src])
        den = jnp.zeros((N, HID), dtype=h.dtype).at[dst].add(sigma) + 1e-6
        h_local = h @ U[l] + num / den
        e = _ln(e + e_hat)
        # global attention: full multi-head self-attention over all nodes
        q = (h @ Wq[l]).reshape(N, NH, DH)
        k = (h @ Wk[l]).reshape(N, NH, DH)
        v = (h @ Wv[l]).reshape(N, NH, DH)
        scores = jnp.einsum('nhd,mhd->hnm', q, k) / jnp.sqrt(jnp.float32(DH))
        attn = jax.nn.softmax(scores, axis=-1)
        h_attn = jnp.einsum('hnm,mhd->nhd', attn, v).reshape(N, HID) @ Wo[l]
        # GPS combine: residual + LN on each branch, then FFN block
        h = _ln(h + h_local) + _ln(h + h_attn)
        h = _ln(h + jax.nn.relu(h @ W1[l] + b1[l]) @ W2[l] + b2[l])
    # SumPooling over the (single) graph, then MLP predictor
    hg = jnp.sum(h, axis=0, keepdims=True)
    z = jax.nn.relu(hg @ P1 + pb1)
    z = jax.nn.relu(z @ P2 + pb2)
    return z @ P3 + pb3


def setup_inputs(seed: int = 0):
    key = jax.random.key(seed)
    ks = jax.random.split(key, 30)

    def w(i, shape, scale):
        return jax.random.normal(ks[i], shape, dtype=jnp.float32) * scale

    inp = {}
    inp['x'] = w(0, (N, DF), 1.0)
    inp['pos_enc'] = w(1, (N, PE), 1.0)
    inp['edge_attr'] = w(2, (E, DE), 1.0)
    inp['edge_index'] = jax.random.randint(ks[3], (2, E), 0, N, dtype=jnp.int32)
    inp['Wn'] = w(4, (DF, HID), DF ** -0.5)
    inp['Wp'] = w(5, (PE, HID), PE ** -0.5)
    inp['b0'] = jnp.zeros((HID,), dtype=jnp.float32)
    inp['We'] = w(6, (DE, HID), DE ** -0.5)
    inp['be'] = jnp.zeros((HID,), dtype=jnp.float32)
    s = HID ** -0.5
    inp['A'] = w(7, (L, HID, HID), s)
    inp['B'] = w(8, (L, HID, HID), s)
    inp['Cc'] = w(9, (L, HID, HID), s)
    inp['U'] = w(10, (L, HID, HID), s)
    inp['V'] = w(11, (L, HID, HID), s)
    inp['Wq'] = w(12, (L, HID, HID), s)
    inp['Wk'] = w(13, (L, HID, HID), s)
    inp['Wv'] = w(14, (L, HID, HID), s)
    inp['Wo'] = w(15, (L, HID, HID), s)
    inp['W1'] = w(16, (L, HID, 2 * HID), s)
    inp['b1'] = jnp.zeros((L, 2 * HID), dtype=jnp.float32)
    inp['W2'] = w(17, (L, 2 * HID, HID), (2 * HID) ** -0.5)
    inp['b2'] = jnp.zeros((L, HID), dtype=jnp.float32)
    inp['P1'] = w(18, (HID, HID // 2), s)
    inp['pb1'] = jnp.zeros((HID // 2,), dtype=jnp.float32)
    inp['P2'] = w(19, (HID // 2, HID // 4), (HID // 2) ** -0.5)
    inp['pb2'] = jnp.zeros((HID // 4,), dtype=jnp.float32)
    inp['P3'] = w(20, (HID // 4, OUT), (HID // 4) ** -0.5)
    inp['pb3'] = jnp.zeros((OUT,), dtype=jnp.float32)
    return inp


def reference(x, pos_enc, edge_attr, edge_index, Wn, Wp, b0, We, be, A, B, Cc, U, V, Wq, Wk, Wv, Wo, W1, b1, W2, b2, P1, pb1, P2, pb2, P3, pb3):
    return _forward(x, pos_enc, edge_attr, Wn, Wp, b0, We, be, A, B, Cc, U, V, Wq, Wk, Wv, Wo, W1, b1, W2, b2, P1, pb1, P2, pb2, P3, pb3, edge_index)

if __name__ == "__main__":
    import jax
    _d = setup_inputs()
    print(jax.jit(kernel)(*tuple(_d.values())))

</pallas_src>

<mosaic_0001>
#map = affine_map<(d0, d1) -> (0, 0)>
#map1 = affine_map<(d0, d1) -> (0)>
#map2 = affine_map<(d0, d1) -> (0, 0, 0)>
module attributes {stable_mosaic.version = 14 : i64} {
  func.func @_edge_body(%arg0: i32, %arg1: i32, %arg2: memref<10000x128xf32, #tpu.memory_space<hbm>>, %arg3: memref<10000x128xf32, #tpu.memory_space<hbm>>, %arg4: memref<320000x64xf32, #tpu.memory_space<hbm>>, %arg5: memref<320000xi32, #tpu.memory_space<hbm>>, %arg6: memref<320000xi32, #tpu.memory_space<hbm>>, %arg7: memref<2x10000x128xf32, #tpu.memory_space<hbm>>, %arg8: memref<320000x64xf32, #tpu.memory_space<hbm>>, %arg9: memref<128xi32, #tpu.memory_space<vmem>>, %arg10: memref<128xi32, #tpu.memory_space<vmem>>, %arg11: memref<128x128xf32, #tpu.memory_space<vmem>>, %arg12: memref<128x128xf32, #tpu.memory_space<vmem>>, %arg13: memref<128x64xf32, #tpu.memory_space<vmem>>, %arg14: memref<10008x128xf32, #tpu.memory_space<vmem_shared>>, %arg15: memref<!tpu.dma_semaphore, #tpu.memory_space<semaphore_mem>>) attributes {dimension_semantics = [#tpu.dimension_semantics<core_parallel>, #tpu.dimension_semantics<subcore_parallel>], iteration_bounds = array<i64: 2, 16>, scalar_prefetch = 0 : i64, scratch_operands = 7 : i64, tpu.core_type = #tpu.core_type<sc_vector_subcore>, window_params = [{transform_indices = #map}, {transform_indices = #map}, {transform_indices = #map}, {transform_indices = #map1}, {transform_indices = #map1}, {transform_indices = #map2}, {transform_indices = #map}]} {
    %mul3A = arith.constant 2 : i32
    %mul3A_0 = arith.muli %arg1, %mul3A : i32
    %add3A = arith.addi %mul3A_0, %arg0 : i32
    %broadcast_in_dim3A = arith.constant 0.000000e+00 : f32
    %broadcast_in_dim3A_1 = vector.broadcast %broadcast_in_dim3A : f32 to vector<16xf32>
    %scan3A = arith.constant 0 : i32
    %scan3A_2 = arith.constant 0 : i32
    %scan3A_3 = arith.constant 128 : i32
    %scan3A_4 = arith.addi %scan3A_2, %scan3A_3 : i32
    %scan3A_5 = arith.constant 1 : i32
    %scan3A_6 = scf.for %scan3A_56 = %scan3A_2 to %scan3A_4 step %scan3A_5 iter_args(%scan3A_57 = %scan3A) -> (i32)  : i32 {
      %swap3A = arith.index_cast %scan3A_56 : i32 to index
      %swap3A_58 = arith.constant 0 : index
      %swap3A_59 = tpu.vector_load %arg11[%swap3A, %swap3A_58] {strides = array<i32>} : memref<128x128xf32, #tpu.memory_space<vmem>>, vector<1x16xf32>,
      %swap3A_60 = vector.shape_cast %swap3A_59 : vector<1x16xf32> to vector<16xf32>
      %swap3A_61 = vector.shape_cast %broadcast_in_dim3A_1 : vector<16xf32> to vector<1x16xf32>
      tpu.vector_store %arg11[%swap3A, %swap3A_58], %swap3A_61 {strides = array<i32>} : memref<128x128xf32, #tpu.memory_space<vmem>>, vector<1x16xf32>,
      %swap3A_62 = arith.index_cast %scan3A_56 : i32 to index
      %swap3A_63 = arith.constant 16 : index
      %swap3A_64 = tpu.vector_load %arg11[%swap3A_62, %swap3A_63] {strides = array<i32>} : memref<128x128xf32, #tpu.memory_space<vmem>>, vector<1x16xf32>,
      %swap3A_65 = vector.shape_cast %swap3A_64 : vector<1x16xf32> to vector<16xf32>
      %swap3A_66 = vector.shape_cast %broadcast_in_dim3A_1 : vector<16xf32> to vector<1x16xf32>
      tpu.vector_store %arg11[%swap3A_62, %swap3A_63], %swap3A_66 {strides = array<i32>} : memref<128x128xf32, #tpu.memory_space<vmem>>, vector<1x16xf32>,
      %swap3A_67 = arith.index_cast %scan3A_56 : i32 to index
      %swap3A_68 = arith.constant 32 : index
      %swap3A_69 = tpu.vector_load %arg11[%swap3A_67, %swap3A_68] {strides = array<i32>} : memref<128x128xf32, #tpu.memory_space<vmem>>, vector<1x16xf32>,
      %swap3A_70 = vector.shape_cast %swap3A_69 : vector<1x16xf32> to vector<16xf32>
      %swap3A_71 = vector.shape_cast %broadcast_in_dim3A_1 : vector<16xf32> to vector<1x16xf32>
      tpu.vector_store %arg11[%swap3A_67, %swap3A_68], %swap3A_71 {strides = array<i32>} : memref<128x128xf32, #tpu.memory_space<vmem>>, vector<1x16xf32>,
      %swap3A_72 = arith.index_cast %scan3A_56 : i32 to index
      %swap3A_73 = arith.constant 48 : index
      %swap3A_74 = tpu.vector_load %arg11[%swap3A_72, %swap3A_73] {strides = array<i32>} : memref<128x128xf32, #tpu.memory_space<vmem>>, vector<1x16xf32>,
      %swap3A_75 = vector.shape_cast %swap3A_74 : vector<1x16xf32> to vector<16xf32>
      %swap3A_76 = vector.shape_cast %broadcast_in_dim3A_1 : vector<16xf32> to vector<1x16xf32>
      tpu.vector_store %arg11[%swap3A_72, %swap3A_73], %swap3A_76 {strides = array<i32>} : memref<128x128xf32, #tpu.memory_space<vmem>>, vector<1x16xf32>,
      %swap3A_77 = arith.index_cast %scan3A_56 : i32 to index
      %swap3A_78 = arith.constant 64 : index
      %swap3A_79 = tpu.vector_load %arg11[%swap3A_77, %swap3A_78] {strides = array<i32>} : memref<128x128xf32, #tpu.memory_space<vmem>>, vector<1x16xf32>,
      %swap3A_80 = vector.shape_cast %swap3A_79 : vector<1x16xf32> to vector<16xf32>
      %swap3A_81 = vector.shape_cast %broadcast_in_dim3A_1 : vector<16xf32> to vector<1x16xf32>
      tpu.vector_store %arg11[%swap3A_77, %swap3A_78], %swap3A_81 {strides = array<i32>} : memref<128x128xf32, #tpu.memory_space<vmem>>, vector<1x16xf32>,
      %swap3A_82 = arith.index_cast %scan3A_56 : i32 to index
      %swap3A_83 = arith.constant 80 : index
      %swap3A_84 = tpu.vector_load %arg11[%swap3A_82, %swap3A_83] {strides = array<i32>} : memref<128x128xf32, #tpu.memory_space<vmem>>, vector<1x16xf32>,
      %swap3A_85 = vector.shape_cast %swap3A_84 : vector<1x16xf32> to vector<16xf32>
      %swap3A_86 = vector.shape_cast %broadcast_in_dim3A_1 : vector<16xf32> to vector<1x16xf32>
      tpu.vector_store %arg11[%swap3A_82, %swap3A_83], %swap3A_86 {strides = array<i32>} : memref<128x128xf32, #tpu.memory_space<vmem>>, vector<1x16xf32>,
      %swap3A_87 = arith.index_cast %scan3A_56 : i32 to index
      %swap3A_88 = arith.constant 96 : index
      %swap3A_89 = tpu.vector_load %arg11[%swap3A_87, %swap3A_88] {strides = array<i32>} : memref<128x128xf32, #tpu.memory_space<vmem>>, vector<1x16xf32>,
      %swap3A_90 = vector.shape_cast %swap3A_89 : vector<1x16xf32> to vector<16xf32>
      %swap3A_91 = vector.shape_cast %broadcast_in_dim3A_1 : vector<16xf32> to vector<1x16xf32>
      tpu.vector_store %arg11[%swap3A_87, %swap3A_88], %swap3A_91 {strides = array<i32>} : memref<128x128xf32, #tpu.memory_space<vmem>>, vector<1x16xf32>,
      %swap3A_92 = arith.index_cast %scan3A_56 : i32 to index
      %swap3A_93 = arith.constant 112 : index
      %swap3A_94 = tpu.vector_load %arg11[%swap3A_92, %swap3A_93] {strides = array<i32>} : memref<128x128xf32, #tpu.memory_space<vmem>>, vector<1x16xf32>,
      %swap3A_95 = vector.shape_cast %swap3A_94 : vector<1x16xf32> to vector<16xf32>
      %swap3A_96 = vector.shape_cast %broadcast_in_dim3A_1 : vector<16xf32> to vector<1x16xf32>
      tpu.vector_store %arg11[%swap3A_92, %swap3A_93], %swap3A_96 {strides = array<i32>} : memref<128x128xf32, #tpu.memory_space<vmem>>, vector<1x16xf32>,
      %scan3A_97 = arith.constant 0 : i32
      scf.yield %scan3A_97 : i32
    }
    %scan3A_7 = arith.constant 128 : i32
    %mul3A_8 = arith.constant 624 : i32
    %mul3A_9 = arith.muli %arg1, %mul3A_8 : i32
    %add3A_10 = arith.constant 0 : i32
    %add3A_11 = arith.addi %mul3A_9, %add3A_10 : i32
    "tpu.region"() ({
      %run_scoped3A = tpu.sem_alloc : memref<!tpu.dma_semaphore, #tpu.memory_space<semaphore_mem>>
      %dma_start3A = arith.constant 0 : i32
      %dma_start3A_56 = arith.constant 0 : i32
      %dma_start3A_57 = tpu.memref_slice %arg11[%dma_start3A, %dma_start3A_56] : memref<128x128xf32, #tpu.memory_space<vmem>> -> memref<128x128xf32, #tpu.memory_space<vmem>>
      %dma_start3A_58 = arith.constant 0 : i32
      %dma_start3A_59 = tpu.memref_slice %arg14[%add3A_11, %dma_start3A_58] : memref<10008x128xf32, #tpu.memory_space<vmem_shared>> -> memref<128x128xf32, #tpu.memory_space<vmem_shared>>
      %dma_start3A_60 = arith.constant 0 : i32
      %dma_start3A_61 = tpu.memref_slice %arg14[%add3A_11, %dma_start3A_60] : memref<10008x128xf32, #tpu.memory_space<vmem_shared>> -> memref<128x128xf32, #tpu.memory_space<vmem_shared>>
      %dma_start3A_62 = arith.constant 0 : i32
      %dma_start3A_63 = arith.constant 0 : i32
      %dma_start3A_64 = tpu.memref_slice %arg11[%dma_start3A_62, %dma_start3A_63] : memref<128x128xf32, #tpu.memory_space<vmem>> -> memref<128x128xf32, #tpu.memory_space<vmem>>
      tpu.enqueue_dma source(%dma_start3A_64 : memref<128x128xf32, #tpu.memory_space<vmem>>) target(%dma_start3A_61 : memref<128x128xf32, #tpu.memory_space<vmem_shared>>) target_semaphore(%run_scoped3A : memref<!tpu.dma_semaphore, #tpu.memory_space<semaphore_mem>>)
      %dma_wait3A = arith.constant 0 : i32
      %dma_wait3A_65 = arith.constant 0 : i32
      %dma_wait3A_66 = tpu.memref_slice %arg11[%dma_wait3A, %dma_wait3A_65] : memref<128x128xf32, #tpu.memory_space<vmem>> -> memref<128x128xf32, #tpu.memory_space<vmem>>
      %dma_wait3A_67 = arith.constant 0 : i32
      %dma_wait3A_68 = tpu.memref_slice %arg14[%add3A_11, %dma_wait3A_67] : memref<10008x128xf32, #tpu.memory_space<vmem_shared>> -> memref<128x128xf32, #tpu.memory_space<vmem_shared>>
      %dma_wait3A_69 = arith.constant 0 : i32
      %dma_wait3A_70 = tpu.memref_slice %arg14[%add3A_11, %dma_wait3A_69] : memref<10008x128xf32, #tpu.memory_space<vmem_shared>> -> memref<128x128xf32, #tpu.memory_space<vmem_shared>>
      %dma_wait3A_71 = arith.constant 0 : i32
      %dma_wait3A_72 = arith.constant 0 : i32
      %dma_wait3A_73 = tpu.memref_slice %arg11[%dma_wait3A_71, %dma_wait3A_72] : memref<128x128xf32, #tpu.memory_space<vmem>> -> memref<128x128xf32, #tpu.memory_space<vmem>>
      tpu.wait_dma2 semaphore(%run_scoped3A : memref<!tpu.dma_semaphore, #tpu.memory_space<semaphore_mem>>) src(%dma_wait3A_73 : memref<128x128xf32, #tpu.memory_space<vmem>>) dst(%dma_wait3A_70 : memref<128x128xf32, #tpu.memory_space<vmem_shared>>)
      tpu.yield
    }) : () -> ()
    %mul3A_12 = arith.constant 624 : i32
    %mul3A_13 = arith.muli %arg1, %mul3A_12 : i32
    %add3A_14 = arith.constant 128 : i32
    %add3A_15 = arith.addi %mul3A_13, %add3A_14 : i32
    "tpu.region"() ({
      %run_scoped3A = tpu.sem_alloc : memref<!tpu.dma_semaphore, #tpu.memory_space<semaphore_mem>>
      %dma_start3A = arith.constant 0 : i32
      %dma_start3A_56 = arith.constant 0 : i32
      %dma_start3A_57 = tpu.memref_slice %arg11[%dma_start3A, %dma_start3A_56] : memref<128x128xf32, #tpu.memory_space<vmem>> -> memref<128x128xf32, #tpu.memory_space<vmem>>
      %dma_start3A_58 = arith.constant 0 : i32
      %dma_start3A_59 = tpu.memref_slice %arg14[%add3A_15, %dma_start3A_58] : memref<10008x128xf32, #tpu.memory_space<vmem_shared>> -> memref<128x128xf32, #tpu.memory_space<vmem_shared>>
      %dma_start3A_60 = arith.constant 0 : i32
      %dma_start3A_61 = tpu.memref_slice %arg14[%add3A_15, %dma_start3A_60] : memref<10008x128xf32, #tpu.memory_space<vmem_shared>> -> memref<128x128xf32, #tpu.memory_space<vmem_shared>>
      %dma_start3A_62 = arith.constant 0 : i32
      %dma_start3A_63 = arith.constant 0 : i32
      %dma_start3A_64 = tpu.memref_slice %arg11[%dma_start3A_62, %dma_start3A_63] : memref<128x128xf32, #tpu.memory_space<vmem>> -> memref<128x128xf32, #tpu.memory_space<vmem>>
      tpu.enqueue_dma source(%dma_start3A_64 : memref<128x128xf32, #tpu.memory_space<vmem>>) target(%dma_start3A_61 : memref<128x128xf32, #tpu.memory_space<vmem_shared>>) target_semaphore(%run_scoped3A : memref<!tpu.dma_semaphore, #tpu.memory_space<semaphore_mem>>)
      %dma_wait3A = arith.constant 0 : i32
      %dma_wait3A_65 = arith.constant 0 : i32
      %dma_wait3A_66 = tpu.memref_slice %arg11[%dma_wait3A, %dma_wait3A_65] : memref<128x128xf32, #tpu.memory_space<vmem>> -> memref<128x128xf32, #tpu.memory_space<vmem>>
      %dma_wait3A_67 = arith.constant 0 : i32
      %dma_wait3A_68 = tpu.memref_slice %arg14[%add3A_15, %dma_wait3A_67] : memref<10008x128xf32, #tpu.memory_space<vmem_shared>> -> memref<128x128xf32, #tpu.memory_space<vmem_shared>>
      %dma_wait3A_69 = arith.constant 0 : i32
      %dma_wait3A_70 = tpu.memref_slice %arg14[%add3A_15, %dma_wait3A_69] : memref<10008x128xf32, #tpu.memory_space<vmem_shared>> -> memref<128x128xf32, #tpu.memory_space<vmem_shared>>
      %dma_wait3A_71 = arith.constant 0 : i32
      %dma_wait3A_72 = arith.constant 0 : i32
      %dma_wait3A_73 = tpu.memref_slice %arg11[%dma_wait3A_71, %dma_wait3A_72] : memref<128x128xf32, #tpu.memory_space<vmem>> -> memref<128x128xf32, #tpu.memory_space<vmem>>
      tpu.wait_dma2 semaphore(%run_scoped3A : memref<!tpu.dma_semaphore, #tpu.memory_space<semaphore_mem>>) src(%dma_wait3A_73 : memref<128x128xf32, #tpu.memory_space<vmem>>) dst(%dma_wait3A_70 : memref<128x128xf32, #tpu.memory_space<vmem_shared>>)
      tpu.yield
    }) : () -> ()
    %mul3A_16 = arith.constant 624 : i32
    %mul3A_17 = arith.muli %arg1, %mul3A_16 : i32
    %add3A_18 = arith.constant 256 : i32
    %add3A_19 = arith.addi %mul3A_17, %add3A_18 : i32
    "tpu.region"() ({
      %run_scoped3A = tpu.sem_alloc : memref<!tpu.dma_semaphore, #tpu.memory_space<semaphore_mem>>
      %dma_start3A = arith.constant 0 : i32
      %dma_start3A_56 = arith.constant 0 : i32
      %dma_start3A_57 = tpu.memref_slice %arg11[%dma_start3A, %dma_start3A_56] : memref<128x128xf32, #tpu.memory_space<vmem>> -> memref<128x128xf32, #tpu.memory_space<vmem>>
      %dma_start3A_58 = arith.constant 0 : i32
      %dma_start3A_59 = tpu.memref_slice %arg14[%add3A_19, %dma_start3A_58] : memref<10008x128xf32, #tpu.memory_space<vmem_shared>> -> memref<128x128xf32, #tpu.memory_space<vmem_shared>>
      %dma_start3A_60 = arith.constant 0 : i32
      %dma_start3A_61 = tpu.memref_slice %arg14[%add3A_19, %dma_start3A_60] : memref<10008x128xf32, #tpu.memory_space<vmem_shared>> -> memref<128x128xf32, #tpu.memory_space<vmem_shared>>
      %dma_start3A_62 = arith.constant 0 : i32
      %dma_start3A_63 = arith.constant 0 : i32
      %dma_start3A_64 = tpu.memref_slice %arg11[%dma_start3A_62, %dma_start3A_63] : memref<128x128xf32, #tpu.memory_space<vmem>> -> memref<128x128xf32, #tpu.memory_space<vmem>>
      tpu.enqueue_dma source(%dma_start3A_64 : memref<128x128xf32, #tpu.memory_space<vmem>>) target(%dma_start3A_61 : memref<128x128xf32, #tpu.memory_space<vmem_shared>>) target_semaphore(%run_scoped3A : memref<!tpu.dma_semaphore, #tpu.memory_space<semaphore_mem>>)
      %dma_wait3A = arith.constant 0 : i32
      %dma_wait3A_65 = arith.constant 0 : i32
      %dma_wait3A_66 = tpu.memref_slice %arg11[%dma_wait3A, %dma_wait3A_65] : memref<128x128xf32, #tpu.memory_space<vmem>> -> memref<128x128xf32, #tpu.memory_space<vmem>>
      %dma_wait3A_67 = arith.constant 0 : i32
      %dma_wait3A_68 = tpu.memref_slice %arg14[%add3A_19, %dma_wait3A_67] : memref<10008x128xf32, #tpu.memory_space<vmem_shared>> -> memref<128x128xf32, #tpu.memory_space<vmem_shared>>
      %dma_wait3A_69 = arith.constant 0 : i32
      %dma_wait3A_70 = tpu.memref_slice %arg14[%add3A_19, %dma_wait3A_69] : memref<10008x128xf32, #tpu.memory_space<vmem_shared>> -> memref<128x128xf32, #tpu.memory_space<vmem_shared>>
      %dma_wait3A_71 = arith.constant 0 : i32
      %dma_wait3A_72 = arith.constant 0 : i32
      %dma_wait3A_73 = tpu.memref_slice %arg11[%dma_wait3A_71, %dma_wait3A_72] : memref<128x128xf32, #tpu.memory_space<vmem>> -> memref<128x128xf32, #tpu.memory_space<vmem>>
      tpu.wait_dma2 semaphore(%run_scoped3A : memref<!tpu.dma_semaphore, #tpu.memory_space<semaphore_mem>>) src(%dma_wait3A_73 : memref<128x128xf32, #tpu.memory_space<vmem>>) dst(%dma_wait3A_70 : memref<128x128xf32, #tpu.memory_space<vmem_shared>>)
      tpu.yield
    }) : () -> ()
    %mul3A_20 = arith.constant 624 : i32
    %mul3A_21 = arith.muli %arg1, %mul3A_20 : i32
    %add3A_22 = arith.constant 384 : i32
    %add3A_23 = arith.addi %mul3A_21, %add3A_22 : i32
    "tpu.region"() ({
      %run_scoped3A = tpu.sem_alloc : memref<!tpu.dma_semaphore, #tpu.memory_space<semaphore_mem>>
      %dma_start3A = arith.constant 0 : i32
      %dma_start3A_56 = arith.constant 0 : i32
      %dma_start3A_57 = tpu.memref_slice %arg11[%dma_start3A, %dma_start3A_56] : memref<128x128xf32, #tpu.memory_space<vmem>> -> memref<128x128xf32, #tpu.memory_space<vmem>>
      %dma_start3A_58 = arith.constant 0 : i32
      %dma_start3A_59 = tpu.memref_slice %arg14[%add3A_23, %dma_start3A_58] : memref<10008x128xf32, #tpu.memory_space<vmem_shared>> -> memref<128x128xf32, #tpu.memory_space<vmem_shared>>
      %dma_start3A_60 = arith.constant 0 : i32
      %dma_start3A_61 = tpu.memref_slice %arg14[%add3A_23, %dma_start3A_60] : memref<10008x128xf32, #tpu.memory_space<vmem_shared>> -> memref<128x128xf32, #tpu.memory_space<vmem_shared>>
      %dma_start3A_62 = arith.constant 0 : i32
      %dma_start3A_63 = arith.constant 0 : i32
      %dma_start3A_64 = tpu.memref_slice %arg11[%dma_start3A_62, %dma_start3A_63] : memref<128x128xf32, #tpu.memory_space<vmem>> -> memref<128x128xf32, #tpu.memory_space<vmem>>
      tpu.enqueue_dma source(%dma_start3A_64 : memref<128x128xf32, #tpu.memory_space<vmem>>) target(%dma_start3A_61 : memref<128x128xf32, #tpu.memory_space<vmem_shared>>) target_semaphore(%run_scoped3A : memref<!tpu.dma_semaphore, #tpu.memory_space<semaphore_mem>>)
      %dma_wait3A = arith.constant 0 : i32
      %dma_wait3A_65 = arith.constant 0 : i32
      %dma_wait3A_66 = tpu.memref_slice %arg11[%dma_wait3A, %dma_wait3A_65] : memref<128x128xf32, #tpu.memory_space<vmem>> -> memref<128x128xf32, #tpu.memory_space<vmem>>
      %dma_wait3A_67 = arith.constant 0 : i32
      %dma_wait3A_68 = tpu.memref_slice %arg14[%add3A_23, %dma_wait3A_67] : memref<10008x128xf32, #tpu.memory_space<vmem_shared>> -> memref<128x128xf32, #tpu.memory_space<vmem_shared>>
      %dma_wait3A_69 = arith.constant 0 : i32
      %dma_wait3A_70 = tpu.memref_slice %arg14[%add3A_23, %dma_wait3A_69] : memref<10008x128xf32, #tpu.memory_space<vmem_shared>> -> memref<128x128xf32, #tpu.memory_space<vmem_shared>>
      %dma_wait3A_71 = arith.constant 0 : i32
      %dma_wait3A_72 = arith.constant 0 : i32
      %dma_wait3A_73 = tpu.memref_slice %arg11[%dma_wait3A_71, %dma_wait3A_72] : memref<128x128xf32, #tpu.memory_space<vmem>> -> memref<128x128xf32, #tpu.memory_space<vmem>>
      tpu.wait_dma2 semaphore(%run_scoped3A : memref<!tpu.dma_semaphore, #tpu.memory_space<semaphore_mem>>) src(%dma_wait3A_73 : memref<128x128xf32, #tpu.memory_space<vmem>>) dst(%dma_wait3A_70 : memref<128x128xf32, #tpu.memory_space<vmem_shared>>)
      tpu.yield
    }) : () -> ()
    %mul3A_24 = arith.constant 624 : i32
    %mul3A_25 = arith.muli %arg1, %mul3A_24 : i32
    %add3A_26 = arith.constant 512 : i32
    %add3A_27 = arith.addi %mul3A_25, %add3A_26 : i32
    "tpu.region"() ({
      %run_scoped3A = tpu.sem_alloc : memref<!tpu.dma_semaphore, #tpu.memory_space<semaphore_mem>>
      %dma_start3A = arith.constant 0 : i32
      %dma_start3A_56 = arith.constant 0 : i32
      %dma_start3A_57 = tpu.memref_slice %arg11[%dma_start3A, %dma_start3A_56] : memref<128x128xf32, #tpu.memory_space<vmem>> -> memref<128x128xf32, #tpu.memory_space<vmem>>
      %dma_start3A_58 = arith.constant 0 : i32
      %dma_start3A_59 = tpu.memref_slice %arg14[%add3A_27, %dma_start3A_58] : memref<10008x128xf32, #tpu.memory_space<vmem_shared>> -> memref<128x128xf32, #tpu.memory_space<vmem_shared>>
      %dma_start3A_60 = arith.constant 0 : i32
      %dma_start3A_61 = tpu.memref_slice %arg14[%add3A_27, %dma_start3A_60] : memref<10008x128xf32, #tpu.memory_space<vmem_shared>> -> memref<128x128xf32, #tpu.memory_space<vmem_shared>>
      %dma_start3A_62 = arith.constant 0 : i32
      %dma_start3A_63 = arith.constant 0 : i32
      %dma_start3A_64 = tpu.memref_slice %arg11[%dma_start3A_62, %dma_start3A_63] : memref<128x128xf32, #tpu.memory_space<vmem>> -> memref<128x128xf32, #tpu.memory_space<vmem>>
      tpu.enqueue_dma source(%dma_start3A_64 : memref<128x128xf32, #tpu.memory_space<vmem>>) target(%dma_start3A_61 : memref<128x128xf32, #tpu.memory_space<vmem_shared>>) target_semaphore(%run_scoped3A : memref<!tpu.dma_semaphore, #tpu.memory_space<semaphore_mem>>)
      %dma_wait3A = arith.constant 0 : i32
      %dma_wait3A_65 = arith.constant 0 : i32
      %dma_wait3A_66 = tpu.memref_slice %arg11[%dma_wait3A, %dma_wait3A_65] : memref<128x128xf32, #tpu.memory_space<vmem>> -> memref<128x128xf32, #tpu.memory_space<vmem>>
      %dma_wait3A_67 = arith.constant 0 : i32
      %dma_wait3A_68 = tpu.memref_slice %arg14[%add3A_27, %dma_wait3A_67] : memref<10008x128xf32, #tpu.memory_space<vmem_shared>> -> memref<128x128xf32, #tpu.memory_space<vmem_shared>>
      %dma_wait3A_69 = arith.constant 0 : i32
      %dma_wait3A_70 = tpu.memref_slice %arg14[%add3A_27, %dma_wait3A_69] : memref<10008x128xf32, #tpu.memory_space<vmem_shared>> -> memref<128x128xf32, #tpu.memory_space<vmem_shared>>
      %dma_wait3A_71 = arith.constant 0 : i32
      %dma_wait3A_72 = arith.constant 0 : i32
      %dma_wait3A_73 = tpu.memref_slice %arg11[%dma_wait3A_71, %dma_wait3A_72] : memref<128x128xf32, #tpu.memory_space<vmem>> -> memref<128x128xf32, #tpu.memory_space<vmem>>
      tpu.wait_dma2 semaphore(%run_scoped3A : memref<!tpu.dma_semaphore, #tpu.memory_space<semaphore_mem>>) src(%dma_wait3A_73 : memref<128x128xf32, #tpu.memory_space<vmem>>) dst(%dma_wait3A_70 : memref<128x128xf32, #tpu.memory_space<vmem_shared>>)
      tpu.yield
    }) : () -> ()
    %barrier3A = arith.constant 0 : index
    tpu.barrier barrier_id(%barrier3A)
    %scan3A_28 = arith.constant 0 : i32
    %scan3A_29 = arith.constant 0 : i32
    %scan3A_30 = arith.constant 79 : i32
    %scan3A_31 = arith.addi %scan3A_29, %scan3A_30 : i32
    %scan3A_32 = arith.constant 1 : i32
    %scan3A_33 = scf.for %scan3A_56 = %scan3A_29 to %scan3A_31 step %scan3A_32 iter_args(%scan3A_57 = %scan3A_28) -> (i32)  : i32 {
      %mul3A_58 = arith.constant 32 : i32
      %mul3A_59 = arith.muli %scan3A_56, %mul3A_58 : i32
      %add3A_60 = arith.addi %add3A, %mul3A_59 : i32
      %lt3A = arith.constant 2500 : i32
      %lt3A_61 = arith.cmpi slt, %add3A_60, %lt3A : i32
      %convert_element_type3A = arith.extui %lt3A_61 : i1 to i32
      %cond3A = arith.constant 0 : i32
      %cond3A_62 = arith.cmpi ne, %convert_element_type3A, %cond3A : i32
      scf.if %cond3A_62 {
        %mul3A_64 = arith.constant 128 : i32
        %mul3A_65 = arith.muli %add3A_60, %mul3A_64 : i32
        "tpu.region"() ({
          %run_scoped3A = tpu.sem_alloc : memref<!tpu.dma_semaphore, #tpu.memory_space<semaphore_mem>>
          %dma_start3A_91 = tpu.memref_slice %arg5[%mul3A_65] : memref<320000xi32, #tpu.memory_space<hbm>> -> memref<128xi32, #tpu.memory_space<hbm>>
          %dma_start3A_92 = tpu.memref_slice %arg5[%mul3A_65] : memref<320000xi32, #tpu.memory_space<hbm>> -> memref<128xi32, #tpu.memory_space<hbm>>
          tpu.enqueue_dma source(%dma_start3A_92 : memref<128xi32, #tpu.memory_space<hbm>>) target(%arg9 : memref<128xi32, #tpu.memory_space<vmem>>) target_semaphore(%run_scoped3A : memref<!tpu.dma_semaphore, #tpu.memory_space<semaphore_mem>>)
          %dma_wait3A_93 = tpu.memref_slice %arg5[%mul3A_65] : memref<320000xi32, #tpu.memory_space<hbm>> -> memref<128xi32, #tpu.memory_space<hbm>>
          %dma_wait3A_94 = tpu.memref_slice %arg5[%mul3A_65] : memref<320000xi32, #tpu.memory_space<hbm>> -> memref<128xi32, #tpu.memory_space<hbm>>
          tpu.wait_dma2 semaphore(%run_scoped3A : memref<!tpu.dma_semaphore, #tpu.memory_space<semaphore_mem>>) src(%dma_wait3A_94 : memref<128xi32, #tpu.memory_space<hbm>>) dst(%arg9 : memref<128xi32, #tpu.memory_space<vmem>>)
          tpu.yield
        }) : () -> ()
        "tpu.region"() ({
          %run_scoped3A = tpu.sem_alloc : memref<!tpu.dma_semaphore, #tpu.memory_space<semaphore_mem>>
          %dma_start3A_91 = tpu.memref_slice %arg6[%mul3A_65] : memref<320000xi32, #tpu.memory_space<hbm>> -> memref<128xi32, #tpu.memory_space<hbm>>
          %dma_start3A_92 = tpu.memref_slice %arg6[%mul3A_65] : memref<320000xi32, #tpu.memory_space<hbm>> -> memref<128xi32, #tpu.memory_space<hbm>>
          tpu.enqueue_dma source(%dma_start3A_92 : memref<128xi32, #tpu.memory_space<hbm>>) target(%arg10 : memref<128xi32, #tpu.memory_space<vmem>>) target_semaphore(%run_scoped3A : memref<!tpu.dma_semaphore, #tpu.memory_space<semaphore_mem>>)
          %dma_wait3A_93 = tpu.memref_slice %arg6[%mul3A_65] : memref<320000xi32, #tpu.memory_space<hbm>> -> memref<128xi32, #tpu.memory_space<hbm>>
          %dma_wait3A_94 = tpu.memref_slice %arg6[%mul3A_65] : memref<320000xi32, #tpu.memory_space<hbm>> -> memref<128xi32, #tpu.memory_space<hbm>>
          tpu.wait_dma2 semaphore(%run_scoped3A : memref<!tpu.dma_semaphore, #tpu.memory_space<semaphore_mem>>) src(%dma_wait3A_94 : memref<128xi32, #tpu.memory_space<hbm>>) dst(%arg10 : memref<128xi32, #tpu.memory_space<vmem>>)
          tpu.yield
        }) : () -> ()
        %dma_start3A = arith.constant 0 : i32
        %dma_start3A_66 = arith.constant 0 : i32
        %dma_start3A_67 = tpu.memref_slice %arg2[%dma_start3A, %dma_start3A_66] : memref<10000x128xf32, #tpu.memory_space<hbm>> -> memref<10000x128xf32, #tpu.memory_space<hbm>>
        tpu.enqueue_indirect_dma source(%dma_start3A_67 : memref<10000x128xf32, #tpu.memory_space<hbm>>) target(%arg11 : memref<128x128xf32, #tpu.memory_space<vmem>>) offsets(%arg9 : memref<128xi32, #tpu.memory_space<vmem>>) semaphore(%arg15 : memref<!tpu.dma_semaphore, #tpu.memory_space<semaphore_mem>>)
        %dma_start3A_68 = arith.constant 0 : i32
        %dma_start3A_69 = arith.constant 0 : i32
        %dma_start3A_70 = tpu.memref_slice %arg3[%dma_start3A_68, %dma_start3A_69] : memref<10000x128xf32, #tpu.memory_space<hbm>> -> memref<10000x128xf32, #tpu.memory_space<hbm>>
        tpu.enqueue_indirect_dma source(%dma_start3A_70 : memref<10000x128xf32, #tpu.memory_space<hbm>>) target(%arg12 : memref<128x128xf32, #tpu.memory_space<vmem>>) offsets(%arg10 : memref<128xi32, #tpu.memory_space<vmem>>) semaphore(%arg15 : memref<!tpu.dma_semaphore, #tpu.memory_space<semaphore_mem>>)
        %dma_start3A_71 = arith.constant 0 : i32
        %dma_start3A_72 = tpu.memref_slice %arg4[%mul3A_65, %dma_start3A_71] : memref<320000x64xf32, #tpu.memory_space<hbm>> -> memref<128x64xf32, #tpu.memory_space<hbm>>
        %dma_start3A_73 = arith.constant 0 : i32
        %dma_start3A_74 = tpu.memref_slice %arg4[%mul3A_65, %dma_start3A_73] : memref<320000x64xf32, #tpu.memory_space<hbm>> -> memref<128x64xf32, #tpu.memory_space<hbm>>
        tpu.enqueue_dma source(%dma_start3A_74 : memref<128x64xf32, #tpu.memory_space<hbm>>) target(%arg13 : memref<128x64xf32, #tpu.memory_space<vmem>>) target_semaphore(%arg15 : memref<!tpu.dma_semaphore, #tpu.memory_space<semaphore_mem>>)
        %dma_wait3A = arith.constant 0 : i32
        %dma_wait3A_75 = arith.constant 0 : i32
        %dma_wait3A_76 = tpu.memref_slice %arg2[%dma_wait3A, %dma_wait3A_75] : memref<10000x128xf32, #tpu.memory_space<hbm>> -> memref<10000x128xf32, #tpu.memory_space<hbm>>
        tpu.wait_indirect_dma semaphore(%arg15 : memref<!tpu.dma_semaphore, #tpu.memory_space<semaphore_mem>>) src(%dma_wait3A_76 : memref<10000x128xf32, #tpu.memory_space<hbm>>) dst(%arg11 : memref<128x128xf32, #tpu.memory_space<vmem>>)
        %dma_wait3A_77 = arith.constant 0 : i32
        %dma_wait3A_78 = arith.constant 0 : i32
        %dma_wait3A_79 = tpu.memref_slice %arg3[%dma_wait3A_77, %dma_wait3A_78] : memref<10000x128xf32, #tpu.memory_space<hbm>> -> memref<10000x128xf32, #tpu.memory_space<hbm>>
        tpu.wait_indirect_dma semaphore(%arg15 : memref<!tpu.dma_semaphore, #tpu.memory_space<semaphore_mem>>) src(%dma_wait3A_79 : memref<10000x128xf32, #tpu.memory_space<hbm>>) dst(%arg12 : memref<128x128xf32, #tpu.memory_space<vmem>>)
        %dma_wait3A_80 = arith.constant 0 : i32
        %dma_wait3A_81 = tpu.memref_slice %arg4[%mul3A_65, %dma_wait3A_80] : memref<320000x64xf32, #tpu.memory_space<hbm>> -> memref<128x64xf32, #tpu.memory_space<hbm>>
        %dma_wait3A_82 = arith.constant 0 : i32
        %dma_wait3A_83 = tpu.memref_slice %arg4[%mul3A_65, %dma_wait3A_82] : memref<320000x64xf32, #tpu.memory_space<hbm>> -> memref<128x64xf32, #tpu.memory_space<hbm>>
        tpu.wait_dma2 semaphore(%arg15 : memref<!tpu.dma_semaphore, #tpu.memory_space<semaphore_mem>>) src(%dma_wait3A_83 : memref<128x64xf32, #tpu.memory_space<hbm>>) dst(%arg13 : memref<128x64xf32, #tpu.memory_space<vmem>>)
        %scan3A_84 = arith.constant 0 : i32
        %scan3A_85 = arith.constant 0 : i32
        %scan3A_86 = arith.constant 128 : i32
        %scan3A_87 = arith.addi %scan3A_85, %scan3A_86 : i32
        %scan3A_88 = arith.constant 1 : i32
        %scan3A_89 = scf.for %scan3A_91 = %scan3A_85 to %scan3A_87 step %scan3A_88 iter_args(%scan3A_92 = %scan3A_84) -> (i32)  : i32 {
          %get3A = arith.index_cast %scan3A_91 : i32 to index
          %get3A_93 = arith.constant 0 : index
          %get3A_94 = tpu.vector_load %arg11[%get3A, %get3A_93] {strides = array<i32>} : memref<128x128xf32, #tpu.memory_space<vmem>>, vector<1x16xf32>,
          %get3A_95 = vector.shape_cast %get3A_94 : vector<1x16xf32> to vector<16xf32>
          %get3A_96 = arith.index_cast %scan3A_91 : i32 to index
          %get3A_97 = arith.constant 64 : index
          %get3A_98 = tpu.vector_load %arg11[%get3A_96, %get3A_97] {strides = array<i32>} : memref<128x128xf32, #tpu.memory_space<vmem>>, vector<1x16xf32>,
          %get3A_99 = vector.shape_cast %get3A_98 : vector<1x16xf32> to vector<16xf32>
          %get3A_100 = arith.index_cast %scan3A_91 : i32 to index
          %get3A_101 = arith.constant 0 : index
          %get3A_102 = tpu.vector_load %arg12[%get3A_100, %get3A_101] {strides = array<i32>} : memref<128x128xf32, #tpu.memory_space<vmem>>, vector<1x16xf32>,
          %get3A_103 = vector.shape_cast %get3A_102 : vector<1x16xf32> to vector<16xf32>
          %get3A_104 = arith.index_cast %scan3A_91 : i32 to index
          %get3A_105 = arith.constant 0 : index
          %get3A_106 = tpu.vector_load %arg13[%get3A_104, %get3A_105] {strides = array<i32>} : memref<128x64xf32, #tpu.memory_space<vmem>>, vector<1x16xf32>,
          %get3A_107 = vector.shape_cast %get3A_106 : vector<1x16xf32> to vector<16xf32>
          %add3A_108 = arith.addf %get3A_95, %get3A_103 : vector<16xf32>
          %add3A_109 = arith.addf %add3A_108, %get3A_107 : vector<16xf32>
          %swap3A = arith.index_cast %scan3A_91 : i32 to index
          %swap3A_110 = arith.constant 0 : index
          %swap3A_111 = tpu.vector_load %arg13[%swap3A, %swap3A_110] {strides = array<i32>} : memref<128x64xf32, #tpu.memory_space<vmem>>, vector<1x16xf32>,
          %swap3A_112 = vector.shape_cast %swap3A_111 : vector<1x16xf32> to vector<16xf32>
          %swap3A_113 = vector.shape_cast %add3A_109 : vector<16xf32> to vector<1x16xf32>
          tpu.vector_store %arg13[%swap3A, %swap3A_110], %swap3A_113 {strides = array<i32>} : memref<128x64xf32, #tpu.memory_space<vmem>>, vector<1x16xf32>,
          %neg3A = arith.constant 0.000000e+00 : f32
          %neg3A_114 = vector.broadcast %neg3A : f32 to vector<16xf32>
          %neg3A_115 = arith.subf %neg3A_114, %add3A_109 : vector<16xf32>
          %exp3A = math.exp %neg3A_115 : vector<16xf32>
          %add3A_116 = arith.constant 1.000000e+00 : f32
          %add3A_117 = vector.broadcast %add3A_116 : f32 to vector<16xf32>
          %add3A_118 = arith.addf %add3A_117, %exp3A : vector<16xf32>
          %div3A = arith.constant 1.000000e+00 : f32
          %div3A_119 = vector.broadcast %div3A : f32 to vector<16xf32>
          %div3A_120 = arith.divf %div3A_119, %add3A_118 : vector<16xf32>
          %swap3A_121 = arith.index_cast %scan3A_91 : i32 to index
          %swap3A_122 = arith.constant 64 : index
          %swap3A_123 = tpu.vector_load %arg11[%swap3A_121, %swap3A_122] {strides = array<i32>} : memref<128x128xf32, #tpu.memory_space<vmem>>, vector<1x16xf32>,
          %swap3A_124 = vector.shape_cast %swap3A_123 : vector<1x16xf32> to vector<16xf32>
          %swap3A_125 = vector.shape_cast %div3A_120 : vector<16xf32> to vector<1x16xf32>
          tpu.vector_store %arg11[%swap3A_121, %swap3A_122], %swap3A_125 {strides = array<i32>} : memref<128x128xf32, #tpu.memory_space<vmem>>, vector<1x16xf32>,
          %mul3A_126 = arith.mulf %div3A_120, %get3A_99 : vector<16xf32>
          %swap3A_127 = arith.index_cast %scan3A_91 : i32 to index
          %swap3A_128 = arith.constant 0 : index
          %swap3A_129 = tpu.vector_load %arg11[%swap3A_127, %swap3A_128] {strides = array<i32>} : memref<128x128xf32, #tpu.memory_space<vmem>>, vector<1x16xf32>,
          %swap3A_130 = vector.shape_cast %swap3A_129 : vector<1x16xf32> to vector<16xf32>
          %swap3A_131 = vector.shape_cast %mul3A_126 : vector<16xf32> to vector<1x16xf32>
          tpu.vector_store %arg11[%swap3A_127, %swap3A_128], %swap3A_131 {strides = array<i32>} : memref<128x128xf32, #tpu.memory_space<vmem>>, vector<1x16xf32>,
          %get3A_132 = arith.index_cast %scan3A_91 : i32 to index
          %get3A_133 = arith.constant 16 : index
          %get3A_134 = tpu.vector_load %arg11[%get3A_132, %get3A_133] {strides = array<i32>} : memref<128x128xf32, #tpu.memory_space<vmem>>, vector<1x16xf32>,
          %get3A_135 = vector.shape_cast %get3A_134 : vector<1x16xf32> to vector<16xf32>
          %get3A_136 = arith.index_cast %scan3A_91 : i32 to index
          %get3A_137 = arith.constant 80 : index
          %get3A_138 = tpu.vector_load %arg11[%get3A_136, %get3A_137] {strides = array<i32>} : memref<128x128xf32, #tpu.memory_space<vmem>>, vector<1x16xf32>,
          %get3A_139 = vector.shape_cast %get3A_138 : vector<1x16xf32> to vector<16xf32>
          %get3A_140 = arith.index_cast %scan3A_91 : i32 to index
          %get3A_141 = arith.constant 16 : index
          %get3A_142 = tpu.vector_load %arg12[%get3A_140, %get3A_141] {strides = array<i32>} : memref<128x128xf32, #tpu.memory_space<vmem>>, vector<1x16xf32>,
          %get3A_143 = vector.shape_cast %get3A_142 : vector<1x16xf32> to vector<16xf32>
          %get3A_144 = arith.index_cast %scan3A_91 : i32 to index
          %get3A_145 = arith.constant 16 : index
          %get3A_146 = tpu.vector_load %arg13[%get3A_144, %get3A_145] {strides = array<i32>} : memref<128x64xf32, #tpu.memory_space<vmem>>, vector<1x16xf32>,
          %get3A_147 = vector.shape_cast %get3A_146 : vector<1x16xf32> to vector<16xf32>
          %add3A_148 = arith.addf %get3A_135, %get3A_143 : vector<16xf32>
          %add3A_149 = arith.addf %add3A_148, %get3A_147 : vector<16xf32>
          %swap3A_150 = arith.index_cast %scan3A_91 : i32 to index
          %swap3A_151 = arith.constant 16 : index
          %swap3A_152 = tpu.vector_load %arg13[%swap3A_150, %swap3A_151] {strides = array<i32>} : memref<128x64xf32, #tpu.memory_space<vmem>>, vector<1x16xf32>,
          %swap3A_153 = vector.shape_cast %swap3A_152 : vector<1x16xf32> to vector<16xf32>
          %swap3A_154 = vector.shape_cast %add3A_149 : vector<16xf32> to vector<1x16xf32>
          tpu.vector_store %arg13[%swap3A_150, %swap3A_151], %swap3A_154 {strides = array<i32>} : memref<128x64xf32, #tpu.memory_space<vmem>>, vector<1x16xf32>,
          %neg3A_155 = arith.constant 0.000000e+00 : f32
          %neg3A_156 = vector.broadcast %neg3A_155 : f32 to vector<16xf32>
          %neg3A_157 = arith.subf %neg3A_156, %add3A_149 : vector<16xf32>
          %exp3A_158 = math.exp %neg3A_157 : vector<16xf32>
          %add3A_159 = arith.constant 1.000000e+00 : f32
          %add3A_160 = vector.broadcast %add3A_159 : f32 to vector<16xf32>
          %add3A_161 = arith.addf %add3A_160, %exp3A_158 : vector<16xf32>
          %div3A_162 = arith.constant 1.000000e+00 : f32
          %div3A_163 = vector.broadcast %div3A_162 : f32 to vector<16xf32>
          %div3A_164 = arith.divf %div3A_163, %add3A_161 : vector<16xf32>
          %swap3A_165 = arith.index_cast %scan3A_91 : i32 to index
          %swap3A_166 = arith.constant 80 : index
          %swap3A_167 = tpu.vector_load %arg11[%swap3A_165, %swap3A_166] {strides = array<i32>} : memref<128x128xf32, #tpu.memory_space<vmem>>, vector<1x16xf32>,
          %swap3A_168 = vector.shape_cast %swap3A_167 : vector<1x16xf32> to vector<16xf32>
          %swap3A_169 = vector.shape_cast %div3A_164 : vector<16xf32> to vector<1x16xf32>
          tpu.vector_store %arg11[%swap3A_165, %swap3A_166], %swap3A_169 {strides = array<i32>} : memref<128x128xf32, #tpu.memory_space<vmem>>, vector<1x16xf32>,
          %mul3A_170 = arith.mulf %div3A_164, %get3A_139 : vector<16xf32>
          %swap3A_171 = arith.index_cast %scan3A_91 : i32 to index
          %swap3A_172 = arith.constant 16 : index
          %swap3A_173 = tpu.vector_load %arg11[%swap3A_171, %swap3A_172] {strides = array<i32>} : memref<128x128xf32, #tpu.memory_space<vmem>>, vector<1x16xf32>,
          %swap3A_174 = vector.shape_cast %swap3A_173 : vector<1x16xf32> to vector<16xf32>
          %swap3A_175 = vector.shape_cast %mul3A_170 : vector<16xf32> to vector<1x16xf32>
          tpu.vector_store %arg11[%swap3A_171, %swap3A_172], %swap3A_175 {strides = array<i32>} : memref<128x128xf32, #tpu.memory_space<vmem>>, vector<1x16xf32>,
          %get3A_176 = arith.index_cast %scan3A_91 : i32 to index
          %get3A_177 = arith.constant 32 : index
          %get3A_178 = tpu.vector_load %arg11[%get3A_176, %get3A_177] {strides = array<i32>} : memref<128x128xf32, #tpu.memory_space<vmem>>, vector<1x16xf32>,
          %get3A_179 = vector.shape_cast %get3A_178 : vector<1x16xf32> to vector<16xf32>
          %get3A_180 = arith.index_cast %scan3A_91 : i32 to index
          %get3A_181 = arith.constant 96 : index
          %get3A_182 = tpu.vector_load %arg11[%get3A_180, %get3A_181] {strides = array<i32>} : memref<128x128xf32, #tpu.memory_space<vmem>>, vector<1x16xf32>,
          %get3A_183 = vector.shape_cast %get3A_182 : vector<1x16xf32> to vector<16xf32>
          %get3A_184 = arith.index_cast %scan3A_91 : i32 to index
          %get3A_185 = arith.constant 32 : index
          %get3A_186 = tpu.vector_load %arg12[%get3A_184, %get3A_185] {strides = array<i32>} : memref<128x128xf32, #tpu.memory_space<vmem>>, vector<1x16xf32>,
          %get3A_187 = vector.shape_cast %get3A_186 : vector<1x16xf32> to vector<16xf32>
          %get3A_188 = arith.index_cast %scan3A_91 : i32 to index
          %get3A_189 = arith.constant 32 : index
          %get3A_190 = tpu.vector_load %arg13[%get3A_188, %get3A_189] {strides = array<i32>} : memref<128x64xf32, #tpu.memory_space<vmem>>, vector<1x16xf32>,
          %get3A_191 = vector.shape_cast %get3A_190 : vector<1x16xf32> to vector<16xf32>
          %add3A_192 = arith.addf %get3A_179, %get3A_187 : vector<16xf32>
          %add3A_193 = arith.addf %add3A_192, %get3A_191 : vector<16xf32>
          %swap3A_194 = arith.index_cast %scan3A_91 : i32 to index
          %swap3A_195 = arith.constant 32 : index
          %swap3A_196 = tpu.vector_load %arg13[%swap3A_194, %swap3A_195] {strides = array<i32>} : memref<128x64xf32, #tpu.memory_space<vmem>>, vector<1x16xf32>,
          %swap3A_197 = vector.shape_cast %swap3A_196 : vector<1x16xf32> to vector<16xf32>
          %swap3A_198 = vector.shape_cast %add3A_193 : vector<16xf32> to vector<1x16xf32>
          tpu.vector_store %arg13[%swap3A_194, %swap3A_195], %swap3A_198 {strides = array<i32>} : memref<128x64xf32, #tpu.memory_space<vmem>>, vector<1x16xf32>,
          %neg3A_199 = arith.constant 0.000000e+00 : f32
          %neg3A_200 = vector.broadcast %neg3A_199 : f32 to vector<16xf32>
          %neg3A_201 = arith.subf %neg3A_200, %add3A_193 : vector<16xf32>
          %exp3A_202 = math.exp %neg3A_201 : vector<16xf32>
          %add3A_203 = arith.constant 1.000000e+00 : f32
          %add3A_204 = vector.broadcast %add3A_203 : f32 to vector<16xf32>
          %add3A_205 = arith.addf %add3A_204, %exp3A_202 : vector<16xf32>
          %div3A_206 = arith.constant 1.000000e+00 : f32
          %div3A_207 = vector.broadcast %div3A_206 : f32 to vector<16xf32>
          %div3A_208 = arith.divf %div3A_207, %add3A_205 : vector<16xf32>
          %swap3A_209 = arith.index_cast %scan3A_91 : i32 to index
          %swap3A_210 = arith.constant 96 : index
          %swap3A_211 = tpu.vector_load %arg11[%swap3A_209, %swap3A_210] {strides = array<i32>} : memref<128x128xf32, #tpu.memory_space<vmem>>, vector<1x16xf32>,
          %swap3A_212 = vector.shape_cast %swap3A_211 : vector<1x16xf32> to vector<16xf32>
          %swap3A_213 = vector.shape_cast %div3A_208 : vector<16xf32> to vector<1x16xf32>
          tpu.vector_store %arg11[%swap3A_209, %swap3A_210], %swap3A_213 {strides = array<i32>} : memref<128x128xf32, #tpu.memory_space<vmem>>, vector<1x16xf32>,
          %mul3A_214 = arith.mulf %div3A_208, %get3A_183 : vector<16xf32>
          %swap3A_215 = arith.index_cast %scan3A_91 : i32 to index
          %swap3A_216 = arith.constant 32 : index
          %swap3A_217 = tpu.vector_load %arg11[%swap3A_215, %swap3A_216] {strides = array<i32>} : memref<128x128xf32, #tpu.memory_space<vmem>>, vector<1x16xf32>,
          %swap3A_218 = vector.shape_cast %swap3A_217 : vector<1x16xf32> to vector<16xf32>
          %swap3A_219 = vector.shape_cast %mul3A_214 : vector<16xf32> to vector<1x16xf32>
          tpu.vector_store %arg11[%swap3A_215, %swap3A_216], %swap3A_219 {strides = array<i32>} : memref<128x128xf32, #tpu.memory_space<vmem>>, vector<1x16xf32>,
          %get3A_220 = arith.index_cast %scan3A_91 : i32 to index
          %get3A_221 = arith.constant 48 : index
          %get3A_222 = tpu.vector_load %arg11[%get3A_220, %get3A_221] {strides = array<i32>} : memref<128x128xf32, #tpu.memory_space<vmem>>, vector<1x16xf32>,
          %get3A_223 = vector.shape_cast %get3A_222 : vector<1x16xf32> to vector<16xf32>
          %get3A_224 = arith.index_cast %scan3A_91 : i32 to index
          %get3A_225 = arith.constant 112 : index
          %get3A_226 = tpu.vector_load %arg11[%get3A_224, %get3A_225] {strides = array<i32>} : memref<128x128xf32, #tpu.memory_space<vmem>>, vector<1x16xf32>,
          %get3A_227 = vector.shape_cast %get3A_226 : vector<1x16xf32> to vector<16xf32>
          %get3A_228 = arith.index_cast %scan3A_91 : i32 to index
          %get3A_229 = arith.constant 48 : index
          %get3A_230 = tpu.vector_load %arg12[%get3A_228, %get3A_229] {strides = array<i32>} : memref<128x128xf32, #tpu.memory_space<vmem>>, vector<1x16xf32>,
          %get3A_231 = vector.shape_cast %get3A_230 : vector<1x16xf32> to vector<16xf32>
          %get3A_232 = arith.index_cast %scan3A_91 : i32 to index
          %get3A_233 = arith.constant 48 : index
          %get3A_234 = tpu.vector_load %arg13[%get3A_232, %get3A_233] {strides = array<i32>} : memref<128x64xf32, #tpu.memory_space<vmem>>, vector<1x16xf32>,
          %get3A_235 = vector.shape_cast %get3A_234 : vector<1x16xf32> to vector<16xf32>
          %add3A_236 = arith.addf %get3A_223, %get3A_231 : vector<16xf32>
          %add3A_237 = arith.addf %add3A_236, %get3A_235 : vector<16xf32>
          %swap3A_238 = arith.index_cast %scan3A_91 : i32 to index
          %swap3A_239 = arith.constant 48 : index
          %swap3A_240 = tpu.vector_load %arg13[%swap3A_238, %swap3A_239] {strides = array<i32>} : memref<128x64xf32, #tpu.memory_space<vmem>>, vector<1x16xf32>,
          %swap3A_241 = vector.shape_cast %swap3A_240 : vector<1x16xf32> to vector<16xf32>
          %swap3A_242 = vector.shape_cast %add3A_237 : vector<16xf32> to vector<1x16xf32>
          tpu.vector_store %arg13[%swap3A_238, %swap3A_239], %swap3A_242 {strides = array<i32>} : memref<128x64xf32, #tpu.memory_space<vmem>>, vector<1x16xf32>,
          %neg3A_243 = arith.constant 0.000000e+00 : f32
          %neg3A_244 = vector.broadcast %neg3A_243 : f32 to vector<16xf32>
          %neg3A_245 = arith.subf %neg3A_244, %add3A_237 : vector<16xf32>
          %exp3A_246 = math.exp %neg3A_245 : vector<16xf32>
          %add3A_247 = arith.constant 1.000000e+00 : f32
          %add3A_248 = vector.broadcast %add3A_247 : f32 to vector<16xf32>
          %add3A_249 = arith.addf %add3A_248, %exp3A_246 : vector<16xf32>
          %div3A_250 = arith.constant 1.000000e+00 : f32
          %div3A_251 = vector.broadcast %div3A_250 : f32 to vector<16xf32>
          %div3A_252 = arith.divf %div3A_251, %add3A_249 : vector<16xf32>
          %swap3A_253 = arith.index_cast %scan3A_91 : i32 to index
          %swap3A_254 = arith.constant 112 : index
          %swap3A_255 = tpu.vector_load %arg11[%swap3A_253, %swap3A_254] {strides = array<i32>} : memref<128x128xf32, #tpu.memory_space<vmem>>, vector<1x16xf32>,
          %swap3A_256 = vector.shape_cast %swap3A_255 : vector<1x16xf32> to vector<16xf32>
          %swap3A_257 = vector.shape_cast %div3A_252 : vector<16xf32> to vector<1x16xf32>
          tpu.vector_store %arg11[%swap3A_253, %swap3A_254], %swap3A_257 {strides = array<i32>} : memref<128x128xf32, #tpu.memory_space<vmem>>, vector<1x16xf32>,
          %mul3A_258 = arith.mulf %div3A_252, %get3A_227 : vector<16xf32>
          %swap3A_259 = arith.index_cast %scan3A_91 : i32 to index
          %swap3A_260 = arith.constant 48 : index
          %swap3A_261 = tpu.vector_load %arg11[%swap3A_259, %swap3A_260] {strides = array<i32>} : memref<128x128xf32, #tpu.memory_space<vmem>>, vector<1x16xf32>,
          %swap3A_262 = vector.shape_cast %swap3A_261 : vector<1x16xf32> to vector<16xf32>
          %swap3A_263 = vector.shape_cast %mul3A_258 : vector<16xf32> to vector<1x16xf32>
          tpu.vector_store %arg11[%swap3A_259, %swap3A_260], %swap3A_263 {strides = array<i32>} : memref<128x128xf32, #tpu.memory_space<vmem>>, vector<1x16xf32>,
          %scan3A_264 = arith.constant 0 : i32
          scf.yield %scan3A_264 : i32
        }
        %scan3A_90 = arith.constant 128 : i32
        "tpu.region"() ({
          %run_scoped3A = tpu.sem_alloc : memref<!tpu.dma_semaphore, #tpu.memory_space<semaphore_mem>>
          %dma_start3A_91 = arith.constant 0 : i32
          %dma_start3A_92 = tpu.memref_slice %arg8[%mul3A_65, %dma_start3A_91] : memref<320000x64xf32, #tpu.memory_space<hbm>> -> memref<128x64xf32, #tpu.memory_space<hbm>>
          %dma_start3A_93 = arith.constant 0 : i32
          %dma_start3A_94 = tpu.memref_slice %arg8[%mul3A_65, %dma_start3A_93] : memref<320000x64xf32, #tpu.memory_space<hbm>> -> memref<128x64xf32, #tpu.memory_space<hbm>>
          tpu.enqueue_dma source(%arg13 : memref<128x64xf32, #tpu.memory_space<vmem>>) target(%dma_start3A_94 : memref<128x64xf32, #tpu.memory_space<hbm>>) target_semaphore(%run_scoped3A : memref<!tpu.dma_semaphore, #tpu.memory_space<semaphore_mem>>)
          %dma_wait3A_95 = arith.constant 0 : i32
          %dma_wait3A_96 = tpu.memref_slice %arg8[%mul3A_65, %dma_wait3A_95] : memref<320000x64xf32, #tpu.memory_space<hbm>> -> memref<128x64xf32, #tpu.memory_space<hbm>>
          %dma_wait3A_97 = arith.constant 0 : i32
          %dma_wait3A_98 = tpu.memref_slice %arg8[%mul3A_65, %dma_wait3A_97] : memref<320000x64xf32, #tpu.memory_space<hbm>> -> memref<128x64xf32, #tpu.memory_space<hbm>>
          tpu.wait_dma2 semaphore(%run_scoped3A : memref<!tpu.dma_semaphore, #tpu.memory_space<semaphore_mem>>) src(%arg13 : memref<128x64xf32, #tpu.memory_space<vmem>>) dst(%dma_wait3A_98 : memref<128x64xf32, #tpu.memory_space<hbm>>)
          tpu.yield
        }) : () -> ()
        "tpu.region"() ({
          %run_scoped3A = tpu.sem_alloc : memref<!tpu.dma_semaphore, #tpu.memory_space<semaphore_mem>>
          %dma_start3A_91 = arith.constant 0 : i32
          %dma_start3A_92 = arith.constant 0 : i32
          %dma_start3A_93 = tpu.memref_slice %arg14[%dma_start3A_91, %dma_start3A_92] : memref<10008x128xf32, #tpu.memory_space<vmem_shared>> -> memref<10008x128xf32, #tpu.memory_space<vmem_shared>>
          tpu.enqueue_indirect_dma source(%arg11 : memref<128x128xf32, #tpu.memory_space<vmem>>) target(%dma_start3A_93 : memref<10008x128xf32, #tpu.memory_space<vmem_shared>>) offsets(%arg10 : memref<128xi32, #tpu.memory_space<vmem>>) semaphore(%run_scoped3A : memref<!tpu.dma_semaphore, #tpu.memory_space<semaphore_mem>>) {add = true}
          %dma_wait3A_94 = arith.constant 0 : i32
          %dma_wait3A_95 = arith.constant 0 : i32
          %dma_wait3A_96 = tpu.memref_slice %arg14[%dma_wait3A_94, %dma_wait3A_95] : memref<10008x128xf32, #tpu.memory_space<vmem_shared>> -> memref<10008x128xf32, #tpu.memory_space<vmem_shared>>
          tpu.wait_indirect_dma semaphore(%run_scoped3A : memref<!tpu.dma_semaphore, #tpu.memory_space<semaphore_mem>>) src(%arg11 : memref<128x128xf32, #tpu.memory_space<vmem>>) dst(%dma_wait3A_96 : memref<10008x128xf32, #tpu.memory_space<vmem_shared>>)
          tpu.yield
        }) : () -> ()
      } else {
      }
      %scan3A_63 = arith.constant 0 : i32
      scf.yield %scan3A_63 : i32
    }
    %scan3A_34 = arith.constant 79 : i32
    %barrier3A_35 = arith.constant 0 : index
    tpu.barrier barrier_id(%barrier3A_35)
    %mul3A_36 = arith.constant 624 : i32
    %mul3A_37 = arith.muli %arg1, %mul3A_36 : i32
    %add3A_38 = arith.constant 0 : i32
    %add3A_39 = arith.addi %mul3A_37, %add3A_38 : i32
    "tpu.region"() ({
      %run_scoped3A = tpu.sem_alloc : memref<!tpu.dma_semaphore, #tpu.memory_space<semaphore_mem>>
      %dma_start3A = arith.constant 0 : i32
      %dma_start3A_56 = arith.constant 0 : i32
      %dma_start3A_57 = tpu.memref_slice %arg11[%dma_start3A, %dma_start3A_56] : memref<128x128xf32, #tpu.memory_space<vmem>> -> memref<128x128xf32, #tpu.memory_space<vmem>>
      %dma_start3A_58 = arith.constant 0 : i32
      %dma_start3A_59 = tpu.memref_slice %arg14[%add3A_39, %dma_start3A_58] : memref<10008x128xf32, #tpu.memory_space<vmem_shared>> -> memref<128x128xf32, #tpu.memory_space<vmem_shared>>
      %dma_start3A_60 = arith.constant 0 : i32
      %dma_start3A_61 = arith.constant 0 : i32
      %dma_start3A_62 = tpu.memref_slice %arg11[%dma_start3A_60, %dma_start3A_61] : memref<128x128xf32, #tpu.memory_space<vmem>> -> memref<128x128xf32, #tpu.memory_space<vmem>>
      %dma_start3A_63 = arith.constant 0 : i32
      %dma_start3A_64 = tpu.memref_slice %arg14[%add3A_39, %dma_start3A_63] : memref<10008x128xf32, #tpu.memory_space<vmem_shared>> -> memref<128x128xf32, #tpu.memory_space<vmem_shared>>
      tpu.enqueue_dma source(%dma_start3A_64 : memref<128x128xf32, #tpu.memory_space<vmem_shared>>) target(%dma_start3A_62 : memref<128x128xf32, #tpu.memory_space<vmem>>) target_semaphore(%run_scoped3A : memref<!tpu.dma_semaphore, #tpu.memory_space<semaphore_mem>>)
      %dma_wait3A = arith.constant 0 : i32
      %dma_wait3A_65 = arith.constant 0 : i32
      %dma_wait3A_66 = tpu.memref_slice %arg11[%dma_wait3A, %dma_wait3A_65] : memref<128x128xf32, #tpu.memory_space<vmem>> -> memref<128x128xf32, #tpu.memory_space<vmem>>
      %dma_wait3A_67 = arith.constant 0 : i32
      %dma_wait3A_68 = tpu.memref_slice %arg14[%add3A_39, %dma_wait3A_67] : memref<10008x128xf32, #tpu.memory_space<vmem_shared>> -> memref<128x128xf32, #tpu.memory_space<vmem_shared>>
      %dma_wait3A_69 = arith.constant 0 : i32
      %dma_wait3A_70 = arith.constant 0 : i32
      %dma_wait3A_71 = tpu.memref_slice %arg11[%dma_wait3A_69, %dma_wait3A_70] : memref<128x128xf32, #tpu.memory_space<vmem>> -> memref<128x128xf32, #tpu.memory_space<vmem>>
      %dma_wait3A_72 = arith.constant 0 : i32
      %dma_wait3A_73 = tpu.memref_slice %arg14[%add3A_39, %dma_wait3A_72] : memref<10008x128xf32, #tpu.memory_space<vmem_shared>> -> memref<128x128xf32, #tpu.memory_space<vmem_shared>>
      tpu.wait_dma2 semaphore(%run_scoped3A : memref<!tpu.dma_semaphore, #tpu.memory_space<semaphore_mem>>) src(%dma_wait3A_73 : memref<128x128xf32, #tpu.memory_space<vmem_shared>>) dst(%dma_wait3A_71 : memref<128x128xf32, #tpu.memory_space<vmem>>)
      tpu.yield
    }) : () -> ()
    "tpu.region"() ({
      %run_scoped3A = tpu.sem_alloc : memref<!tpu.dma_semaphore, #tpu.memory_space<semaphore_mem>>
      %dma_start3A = arith.constant 0 : i32
      %dma_start3A_56 = arith.constant 0 : i32
      %dma_start3A_57 = tpu.memref_slice %arg11[%dma_start3A, %dma_start3A_56] : memref<128x128xf32, #tpu.memory_space<vmem>> -> memref<128x128xf32, #tpu.memory_space<vmem>>
      %dma_start3A_58 = arith.constant 0 : i32
      %dma_start3A_59 = tpu.memref_slice %arg7[%arg0, %add3A_39, %dma_start3A_58] : memref<2x10000x128xf32, #tpu.memory_space<hbm>> -> memref<1x128x128xf32, #tpu.memory_space<hbm>>
      %dma_start3A_60 = tpu.memref_squeeze %dma_start3A_59 : memref<1x128x128xf32, #tpu.memory_space<hbm>> -> memref<128x128xf32, #tpu.memory_space<hbm>>
      %dma_start3A_61 = arith.constant 0 : i32
      %dma_start3A_62 = tpu.memref_slice %arg7[%arg0, %add3A_39, %dma_start3A_61] : memref<2x10000x128xf32, #tpu.memory_space<hbm>> -> memref<1x128x128xf32, #tpu.memory_space<hbm>>
      %dma_start3A_63 = tpu.memref_squeeze %dma_start3A_62 : memref<1x128x128xf32, #tpu.memory_space<hbm>> -> memref<128x128xf32, #tpu.memory_space<hbm>>
      %dma_start3A_64 = arith.constant 0 : i32
      %dma_start3A_65 = arith.constant 0 : i32
      %dma_start3A_66 = tpu.memref_slice %arg11[%dma_start3A_64, %dma_start3A_65] : memref<128x128xf32, #tpu.memory_space<vmem>> -> memref<128x128xf32, #tpu.memory_space<vmem>>
      tpu.enqueue_dma source(%dma_start3A_66 : memref<128x128xf32, #tpu.memory_space<vmem>>) target(%dma_start3A_63 : memref<128x128xf32, #tpu.memory_space<hbm>>) target_semaphore(%run_scoped3A : memref<!tpu.dma_semaphore, #tpu.memory_space<semaphore_mem>>)
      %dma_wait3A = arith.constant 0 : i32
      %dma_wait3A_67 = arith.constant 0 : i32
      %dma_wait3A_68 = tpu.memref_slice %arg11[%dma_wait3A, %dma_wait3A_67] : memref<128x128xf32, #tpu.memory_space<vmem>> -> memref<128x128xf32, #tpu.memory_space<vmem>>
      %dma_wait3A_69 = arith.constant 0 : i32
      %dma_wait3A_70 = tpu.memref_slice %arg7[%arg0, %add3A_39, %dma_wait3A_69] : memref<2x10000x128xf32, #tpu.memory_space<hbm>> -> memref<1x128x128xf32, #tpu.memory_space<hbm>>
      %dma_wait3A_71 = tpu.memref_squeeze %dma_wait3A_70 : memref<1x128x128xf32, #tpu.memory_space<hbm>> -> memref<128x128xf32, #tpu.memory_space<hbm>>
      %dma_wait3A_72 = arith.constant 0 : i32
      %dma_wait3A_73 = tpu.memref_slice %arg7[%arg0, %add3A_39, %dma_wait3A_72] : memref<2x10000x128xf32, #tpu.memory_space<hbm>> -> memref<1x128x128xf32, #tpu.memory_space<hbm>>
      %dma_wait3A_74 = tpu.memref_squeeze %dma_wait3A_73 : memref<1x128x128xf32, #tpu.memory_space<hbm>> -> memref<128x128xf32, #tpu.memory_space<hbm>>
      %dma_wait3A_75 = arith.constant 0 : i32
      %dma_wait3A_76 = arith.constant 0 : i32
      %dma_wait3A_77 = tpu.memref_slice %arg11[%dma_wait3A_75, %dma_wait3A_76] : memref<128x128xf32, #tpu.memory_space<vmem>> -> memref<128x128xf32, #tpu.memory_space<vmem>>
      tpu.wait_dma2 semaphore(%run_scoped3A : memref<!tpu.dma_semaphore, #tpu.memory_space<semaphore_mem>>) src(%dma_wait3A_77 : memref<128x128xf32, #tpu.memory_space<vmem>>) dst(%dma_wait3A_74 : memref<128x128xf32, #tpu.memory_space<hbm>>)
      tpu.yield
    }) : () -> ()
    %mul3A_40 = arith.constant 624 : i32
    %mul3A_41 = arith.muli %arg1, %mul3A_40 : i32
    %add3A_42 = arith.constant 128 : i32
    %add3A_43 = arith.addi %mul3A_41, %add3A_42 : i32
    "tpu.region"() ({
      %run_scoped3A = tpu.sem_alloc : memref<!tpu.dma_semaphore, #tpu.memory_space<semaphore_mem>>
      %dma_start3A = arith.constant 0 : i32
      %dma_start3A_56 = arith.constant 0 : i32
      %dma_start3A_57 = tpu.memref_slice %arg11[%dma_start3A, %dma_start3A_56] : memref<128x128xf32, #tpu.memory_space<vmem>> -> memref<128x128xf32, #tpu.memory_space<vmem>>
      %dma_start3A_58 = arith.constant 0 : i32
      %dma_start3A_59 = tpu.memref_slice %arg14[%add3A_43, %dma_start3A_58] : memref<10008x128xf32, #tpu.memory_space<vmem_shared>> -> memref<128x128xf32, #tpu.memory_space<vmem_shared>>
      %dma_start3A_60 = arith.constant 0 : i32
      %dma_start3A_61 = arith.constant 0 : i32
      %dma_start3A_62 = tpu.memref_slice %arg11[%dma_start3A_60, %dma_start3A_61] : memref<128x128xf32, #tpu.memory_space<vmem>> -> memref<128x128xf32, #tpu.memory_space<vmem>>
      %dma_start3A_63 = arith.constant 0 : i32
      %dma_start3A_64 = tpu.memref_slice %arg14[%add3A_43, %dma_start3A_63] : memref<10008x128xf32, #tpu.memory_space<vmem_shared>> -> memref<128x128xf32, #tpu.memory_space<vmem_shared>>
      tpu.enqueue_dma source(%dma_start3A_64 : memref<128x128xf32, #tpu.memory_space<vmem_shared>>) target(%dma_start3A_62 : memref<128x128xf32, #tpu.memory_space<vmem>>) target_semaphore(%run_scoped3A : memref<!tpu.dma_semaphore, #tpu.memory_space<semaphore_mem>>)
      %dma_wait3A = arith.constant 0 : i32
      %dma_wait3A_65 = arith.constant 0 : i32
      %dma_wait3A_66 = tpu.memref_slice %arg11[%dma_wait3A, %dma_wait3A_65] : memref<128x128xf32, #tpu.memory_space<vmem>> -> memref<128x128xf32, #tpu.memory_space<vmem>>
      %dma_wait3A_67 = arith.constant 0 : i32
      %dma_wait3A_68 = tpu.memref_slice %arg14[%add3A_43, %dma_wait3A_67] : memref<10008x128xf32, #tpu.memory_space<vmem_shared>> -> memref<128x128xf32, #tpu.memory_space<vmem_shared>>
      %dma_wait3A_69 = arith.constant 0 : i32
      %dma_wait3A_70 = arith.constant 0 : i32
      %dma_wait3A_71 = tpu.memref_slice %arg11[%dma_wait3A_69, %dma_wait3A_70] : memref<128x128xf32, #tpu.memory_space<vmem>> -> memref<128x128xf32, #tpu.memory_space<vmem>>
      %dma_wait3A_72 = arith.constant 0 : i32
      %dma_wait3A_73 = tpu.memref_slice %arg14[%add3A_43, %dma_wait3A_72] : memref<10008x128xf32, #tpu.memory_space<vmem_shared>> -> memref<128x128xf32, #tpu.memory_space<vmem_shared>>
      tpu.wait_dma2 semaphore(%run_scoped3A : memref<!tpu.dma_semaphore, #tpu.memory_space<semaphore_mem>>) src(%dma_wait3A_73 : memref<128x128xf32, #tpu.memory_space<vmem_shared>>) dst(%dma_wait3A_71 : memref<128x128xf32, #tpu.memory_space<vmem>>)
      tpu.yield
    }) : () -> ()
    "tpu.region"() ({
      %run_scoped3A = tpu.sem_alloc : memref<!tpu.dma_semaphore, #tpu.memory_space<semaphore_mem>>
      %dma_start3A = arith.constant 0 : i32
      %dma_start3A_56 = arith.constant 0 : i32
      %dma_start3A_57 = tpu.memref_slice %arg11[%dma_start3A, %dma_start3A_56] : memref<128x128xf32, #tpu.memory_space<vmem>> -> memref<128x128xf32, #tpu.memory_space<vmem>>
      %dma_start3A_58 = arith.constant 0 : i32
      %dma_start3A_59 = tpu.memref_slice %arg7[%arg0, %add3A_43, %dma_start3A_58] : memref<2x10000x128xf32, #tpu.memory_space<hbm>> -> memref<1x128x128xf32, #tpu.memory_space<hbm>>
      %dma_start3A_60 = tpu.memref_squeeze %dma_start3A_59 : memref<1x128x128xf32, #tpu.memory_space<hbm>> -> memref<128x128xf32, #tpu.memory_space<hbm>>
      %dma_start3A_61 = arith.constant 0 : i32
      %dma_start3A_62 = tpu.memref_slice %arg7[%arg0, %add3A_43, %dma_start3A_61] : memref<2x10000x128xf32, #tpu.memory_space<hbm>> -> memref<1x128x128xf32, #tpu.memory_space<hbm>>
      %dma_start3A_63 = tpu.memref_squeeze %dma_start3A_62 : memref<1x128x128xf32, #tpu.memory_space<hbm>> -> memref<128x128xf32, #tpu.memory_space<hbm>>
      %dma_start3A_64 = arith.constant 0 : i32
      %dma_start3A_65 = arith.constant 0 : i32
      %dma_start3A_66 = tpu.memref_slice %arg11[%dma_start3A_64, %dma_start3A_65] : memref<128x128xf32, #tpu.memory_space<vmem>> -> memref<128x128xf32, #tpu.memory_space<vmem>>
      tpu.enqueue_dma source(%dma_start3A_66 : memref<128x128xf32, #tpu.memory_space<vmem>>) target(%dma_start3A_63 : memref<128x128xf32, #tpu.memory_space<hbm>>) target_semaphore(%run_scoped3A : memref<!tpu.dma_semaphore, #tpu.memory_space<semaphore_mem>>)
      %dma_wait3A = arith.constant 0 : i32
      %dma_wait3A_67 = arith.constant 0 : i32
      %dma_wait3A_68 = tpu.memref_slice %arg11[%dma_wait3A, %dma_wait3A_67] : memref<128x128xf32, #tpu.memory_space<vmem>> -> memref<128x128xf32, #tpu.memory_space<vmem>>
      %dma_wait3A_69 = arith.constant 0 : i32
      %dma_wait3A_70 = tpu.memref_slice %arg7[%arg0, %add3A_43, %dma_wait3A_69] : memref<2x10000x128xf32, #tpu.memory_space<hbm>> -> memref<1x128x128xf32, #tpu.memory_space<hbm>>
      %dma_wait3A_71 = tpu.memref_squeeze %dma_wait3A_70 : memref<1x128x128xf32, #tpu.memory_space<hbm>> -> memref<128x128xf32, #tpu.memory_space<hbm>>
      %dma_wait3A_72 = arith.constant 0 : i32
      %dma_wait3A_73 = tpu.memref_slice %arg7[%arg0, %add3A_43, %dma_wait3A_72] : memref<2x10000x128xf32, #tpu.memory_space<hbm>> -> memref<1x128x128xf32, #tpu.memory_space<hbm>>
      %dma_wait3A_74 = tpu.memref_squeeze %dma_wait3A_73 : memref<1x128x128xf32, #tpu.memory_space<hbm>> -> memref<128x128xf32, #tpu.memory_space<hbm>>
      %dma_wait3A_75 = arith.constant 0 : i32
      %dma_wait3A_76 = arith.constant 0 : i32
      %dma_wait3A_77 = tpu.memref_slice %arg11[%dma_wait3A_75, %dma_wait3A_76] : memref<128x128xf32, #tpu.memory_space<vmem>> -> memref<128x128xf32, #tpu.memory_space<vmem>>
      tpu.wait_dma2 semaphore(%run_scoped3A : memref<!tpu.dma_semaphore, #tpu.memory_space<semaphore_mem>>) src(%dma_wait3A_77 : memref<128x128xf32, #tpu.memory_space<vmem>>) dst(%dma_wait3A_74 : memref<128x128xf32, #tpu.memory_space<hbm>>)
      tpu.yield
    }) : () -> ()
    %mul3A_44 = arith.constant 624 : i32
    %mul3A_45 = arith.muli %arg1, %mul3A_44 : i32
    %add3A_46 = arith.constant 256 : i32
    %add3A_47 = arith.addi %mul3A_45, %add3A_46 : i32
    "tpu.region"() ({
      %run_scoped3A = tpu.sem_alloc : memref<!tpu.dma_semaphore, #tpu.memory_space<semaphore_mem>>
      %dma_start3A = arith.constant 0 : i32
      %dma_start3A_56 = arith.constant 0 : i32
      %dma_start3A_57 = tpu.memref_slice %arg11[%dma_start3A, %dma_start3A_56] : memref<128x128xf32, #tpu.memory_space<vmem>> -> memref<128x128xf32, #tpu.memory_space<vmem>>
      %dma_start3A_58 = arith.constant 0 : i32
      %dma_start3A_59 = tpu.memref_slice %arg14[%add3A_47, %dma_start3A_58] : memref<10008x128xf32, #tpu.memory_space<vmem_shared>> -> memref<128x128xf32, #tpu.memory_space<vmem_shared>>
      %dma_start3A_60 = arith.constant 0 : i32
      %dma_start3A_61 = arith.constant 0 : i32
      %dma_start3A_62 = tpu.memref_slice %arg11[%dma_start3A_60, %dma_start3A_61] : memref<128x128xf32, #tpu.memory_space<vmem>> -> memref<128x128xf32, #tpu.memory_space<vmem>>
      %dma_start3A_63 = arith.constant 0 : i32
      %dma_start3A_64 = tpu.memref_slice %arg14[%add3A_47, %dma_start3A_63] : memref<10008x128xf32, #tpu.memory_space<vmem_shared>> -> memref<128x128xf32, #tpu.memory_space<vmem_shared>>
      tpu.enqueue_dma source(%dma_start3A_64 : memref<128x128xf32, #tpu.memory_space<vmem_shared>>) target(%dma_start3A_62 : memref<128x128xf32, #tpu.memory_space<vmem>>) target_semaphore(%run_scoped3A : memref<!tpu.dma_semaphore, #tpu.memory_space<semaphore_mem>>)
      %dma_wait3A = arith.constant 0 : i32
      %dma_wait3A_65 = arith.constant 0 : i32
      %dma_wait3A_66 = tpu.memref_slice %arg11[%dma_wait3A, %dma_wait3A_65] : memref<128x128xf32, #tpu.memory_space<vmem>> -> memref<128x128xf32, #tpu.memory_space<vmem>>
      %dma_wait3A_67 = arith.constant 0 : i32
      %dma_wait3A_68 = tpu.memref_slice %arg14[%add3A_47, %dma_wait3A_67] : memref<10008x128xf32, #tpu.memory_space<vmem_shared>> -> memref<128x128xf32, #tpu.memory_space<vmem_shared>>
      %dma_wait3A_69 = arith.constant 0 : i32
      %dma_wait3A_70 = arith.constant 0 : i32
      %dma_wait3A_71 = tpu.memref_slice %arg11[%dma_wait3A_69, %dma_wait3A_70] : memref<128x128xf32, #tpu.memory_space<vmem>> -> memref<128x128xf32, #tpu.memory_space<vmem>>
      %dma_wait3A_72 = arith.constant 0 : i32
      %dma_wait3A_73 = tpu.memref_slice %arg14[%add3A_47, %dma_wait3A_72] : memref<10008x128xf32, #tpu.memory_space<vmem_shared>> -> memref<128x128xf32, #tpu.memory_space<vmem_shared>>
      tpu.wait_dma2 semaphore(%run_scoped3A : memref<!tpu.dma_semaphore, #tpu.memory_space<semaphore_mem>>) src(%dma_wait3A_73 : memref<128x128xf32, #tpu.memory_space<vmem_shared>>) dst(%dma_wait3A_71 : memref<128x128xf32, #tpu.memory_space<vmem>>)
      tpu.yield
    }) : () -> ()
    "tpu.region"() ({
      %run_scoped3A = tpu.sem_alloc : memref<!tpu.dma_semaphore, #tpu.memory_space<semaphore_mem>>
      %dma_start3A = arith.constant 0 : i32
      %dma_start3A_56 = arith.constant 0 : i32
      %dma_start3A_57 = tpu.memref_slice %arg11[%dma_start3A, %dma_start3A_56] : memref<128x128xf32, #tpu.memory_space<vmem>> -> memref<128x128xf32, #tpu.memory_space<vmem>>
      %dma_start3A_58 = arith.constant 0 : i32
      %dma_start3A_59 = tpu.memref_slice %arg7[%arg0, %add3A_47, %dma_start3A_58] : memref<2x10000x128xf32, #tpu.memory_space<hbm>> -> memref<1x128x128xf32, #tpu.memory_space<hbm>>
      %dma_start3A_60 = tpu.memref_squeeze %dma_start3A_59 : memref<1x128x128xf32, #tpu.memory_space<hbm>> -> memref<128x128xf32, #tpu.memory_space<hbm>>
      %dma_start3A_61 = arith.constant 0 : i32
      %dma_start3A_62 = tpu.memref_slice %arg7[%arg0, %add3A_47, %dma_start3A_61] : memref<2x10000x128xf32, #tpu.memory_space<hbm>> -> memref<1x128x128xf32, #tpu.memory_space<hbm>>
      %dma_start3A_63 = tpu.memref_squeeze %dma_start3A_62 : memref<1x128x128xf32, #tpu.memory_space<hbm>> -> memref<128x128xf32, #tpu.memory_space<hbm>>
      %dma_start3A_64 = arith.constant 0 : i32
      %dma_start3A_65 = arith.constant 0 : i32
      %dma_start3A_66 = tpu.memref_slice %arg11[%dma_start3A_64, %dma_start3A_65] : memref<128x128xf32, #tpu.memory_space<vmem>> -> memref<128x128xf32, #tpu.memory_space<vmem>>
      tpu.enqueue_dma source(%dma_start3A_66 : memref<128x128xf32, #tpu.memory_space<vmem>>) target(%dma_start3A_63 : memref<128x128xf32, #tpu.memory_space<hbm>>) target_semaphore(%run_scoped3A : memref<!tpu.dma_semaphore, #tpu.memory_space<semaphore_mem>>)
      %dma_wait3A = arith.constant 0 : i32
      %dma_wait3A_67 = arith.constant 0 : i32
      %dma_wait3A_68 = tpu.memref_slice %arg11[%dma_wait3A, %dma_wait3A_67] : memref<128x128xf32, #tpu.memory_space<vmem>> -> memref<128x128xf32, #tpu.memory_space<vmem>>
      %dma_wait3A_69 = arith.constant 0 : i32
      %dma_wait3A_70 = tpu.memref_slice %arg7[%arg0, %add3A_47, %dma_wait3A_69] : memref<2x10000x128xf32, #tpu.memory_space<hbm>> -> memref<1x128x128xf32, #tpu.memory_space<hbm>>
      %dma_wait3A_71 = tpu.memref_squeeze %dma_wait3A_70 : memref<1x128x128xf32, #tpu.memory_space<hbm>> -> memref<128x128xf32, #tpu.memory_space<hbm>>
      %dma_wait3A_72 = arith.constant 0 : i32
      %dma_wait3A_73 = tpu.memref_slice %arg7[%arg0, %add3A_47, %dma_wait3A_72] : memref<2x10000x128xf32, #tpu.memory_space<hbm>> -> memref<1x128x128xf32, #tpu.memory_space<hbm>>
      %dma_wait3A_74 = tpu.memref_squeeze %dma_wait3A_73 : memref<1x128x128xf32, #tpu.memory_space<hbm>> -> memref<128x128xf32, #tpu.memory_space<hbm>>
      %dma_wait3A_75 = arith.constant 0 : i32
      %dma_wait3A_76 = arith.constant 0 : i32
      %dma_wait3A_77 = tpu.memref_slice %arg11[%dma_wait3A_75, %dma_wait3A_76] : memref<128x128xf32, #tpu.memory_space<vmem>> -> memref<128x128xf32, #tpu.memory_space<vmem>>
      tpu.wait_dma2 semaphore(%run_scoped3A : memref<!tpu.dma_semaphore, #tpu.memory_space<semaphore_mem>>) src(%dma_wait3A_77 : memref<128x128xf32, #tpu.memory_space<vmem>>) dst(%dma_wait3A_74 : memref<128x128xf32, #tpu.memory_space<hbm>>)
      tpu.yield
    }) : () -> ()
    %mul3A_48 = arith.constant 624 : i32
    %mul3A_49 = arith.muli %arg1, %mul3A_48 : i32
    %add3A_50 = arith.constant 384 : i32
    %add3A_51 = arith.addi %mul3A_49, %add3A_50 : i32
    "tpu.region"() ({
      %run_scoped3A = tpu.sem_alloc : memref<!tpu.dma_semaphore, #tpu.memory_space<semaphore_mem>>
      %dma_start3A = arith.constant 0 : i32
      %dma_start3A_56 = arith.constant 0 : i32
      %dma_start3A_57 = tpu.memref_slice %arg11[%dma_start3A, %dma_start3A_56] : memref<128x128xf32, #tpu.memory_space<vmem>> -> memref<128x128xf32, #tpu.memory_space<vmem>>
      %dma_start3A_58 = arith.constant 0 : i32
      %dma_start3A_59 = tpu.memref_slice %arg14[%add3A_51, %dma_start3A_58] : memref<10008x128xf32, #tpu.memory_space<vmem_shared>> -> memref<128x128xf32, #tpu.memory_space<vmem_shared>>
      %dma_start3A_60 = arith.constant 0 : i32
      %dma_start3A_61 = arith.constant 0 : i32
      %dma_start3A_62 = tpu.memref_slice %arg11[%dma_start3A_60, %dma_start3A_61] : memref<128x128xf32, #tpu.memory_space<vmem>> -> memref<128x128xf32, #tpu.memory_space<vmem>>
      %dma_start3A_63 = arith.constant 0 : i32
      %dma_start3A_64 = tpu.memref_slice %arg14[%add3A_51, %dma_start3A_63] : memref<10008x128xf32, #tpu.memory_space<vmem_shared>> -> memref<128x128xf32, #tpu.memory_space<vmem_shared>>
      tpu.enqueue_dma source(%dma_start3A_64 : memref<128x128xf32, #tpu.memory_space<vmem_shared>>) target(%dma_start3A_62 : memref<128x128xf32, #tpu.memory_space<vmem>>) target_semaphore(%run_scoped3A : memref<!tpu.dma_semaphore, #tpu.memory_space<semaphore_mem>>)
      %dma_wait3A = arith.constant 0 : i32
      %dma_wait3A_65 = arith.constant 0 : i32
      %dma_wait3A_66 = tpu.memref_slice %arg11[%dma_wait3A, %dma_wait3A_65] : memref<128x128xf32, #tpu.memory_space<vmem>> -> memref<128x128xf32, #tpu.memory_space<vmem>>
      %dma_wait3A_67 = arith.constant 0 : i32
      %dma_wait3A_68 = tpu.memref_slice %arg14[%add3A_51, %dma_wait3A_67] : memref<10008x128xf32, #tpu.memory_space<vmem_shared>> -> memref<128x128xf32, #tpu.memory_space<vmem_shared>>
      %dma_wait3A_69 = arith.constant 0 : i32
      %dma_wait3A_70 = arith.constant 0 : i32
      %dma_wait3A_71 = tpu.memref_slice %arg11[%dma_wait3A_69, %dma_wait3A_70] : memref<128x128xf32, #tpu.memory_space<vmem>> -> memref<128x128xf32, #tpu.memory_space<vmem>>
      %dma_wait3A_72 = arith.constant 0 : i32
      %dma_wait3A_73 = tpu.memref_slice %arg14[%add3A_51, %dma_wait3A_72] : memref<10008x128xf32, #tpu.memory_space<vmem_shared>> -> memref<128x128xf32, #tpu.memory_space<vmem_shared>>
      tpu.wait_dma2 semaphore(%run_scoped3A : memref<!tpu.dma_semaphore, #tpu.memory_space<semaphore_mem>>) src(%dma_wait3A_73 : memref<128x128xf32, #tpu.memory_space<vmem_shared>>) dst(%dma_wait3A_71 : memref<128x128xf32, #tpu.memory_space<vmem>>)
      tpu.yield
    }) : () -> ()
    "tpu.region"() ({
      %run_scoped3A = tpu.sem_alloc : memref<!tpu.dma_semaphore, #tpu.memory_space<semaphore_mem>>
      %dma_start3A = arith.constant 0 : i32
      %dma_start3A_56 = arith.constant 0 : i32
      %dma_start3A_57 = tpu.memref_slice %arg11[%dma_start3A, %dma_start3A_56] : memref<128x128xf32, #tpu.memory_space<vmem>> -> memref<128x128xf32, #tpu.memory_space<vmem>>
      %dma_start3A_58 = arith.constant 0 : i32
      %dma_start3A_59 = tpu.memref_slice %arg7[%arg0, %add3A_51, %dma_start3A_58] : memref<2x10000x128xf32, #tpu.memory_space<hbm>> -> memref<1x128x128xf32, #tpu.memory_space<hbm>>
      %dma_start3A_60 = tpu.memref_squeeze %dma_start3A_59 : memref<1x128x128xf32, #tpu.memory_space<hbm>> -> memref<128x128xf32, #tpu.memory_space<hbm>>
      %dma_start3A_61 = arith.constant 0 : i32
      %dma_start3A_62 = tpu.memref_slice %arg7[%arg0, %add3A_51, %dma_start3A_61] : memref<2x10000x128xf32, #tpu.memory_space<hbm>> -> memref<1x128x128xf32, #tpu.memory_space<hbm>>
      %dma_start3A_63 = tpu.memref_squeeze %dma_start3A_62 : memref<1x128x128xf32, #tpu.memory_space<hbm>> -> memref<128x128xf32, #tpu.memory_space<hbm>>
      %dma_start3A_64 = arith.constant 0 : i32
      %dma_start3A_65 = arith.constant 0 : i32
      %dma_start3A_66 = tpu.memref_slice %arg11[%dma_start3A_64, %dma_start3A_65] : memref<128x128xf32, #tpu.memory_space<vmem>> -> memref<128x128xf32, #tpu.memory_space<vmem>>
      tpu.enqueue_dma source(%dma_start3A_66 : memref<128x128xf32, #tpu.memory_space<vmem>>) target(%dma_start3A_63 : memref<128x128xf32, #tpu.memory_space<hbm>>) target_semaphore(%run_scoped3A : memref<!tpu.dma_semaphore, #tpu.memory_space<semaphore_mem>>)
      %dma_wait3A = arith.constant 0 : i32
      %dma_wait3A_67 = arith.constant 0 : i32
      %dma_wait3A_68 = tpu.memref_slice %arg11[%dma_wait3A, %dma_wait3A_67] : memref<128x128xf32, #tpu.memory_space<vmem>> -> memref<128x128xf32, #tpu.memory_space<vmem>>
      %dma_wait3A_69 = arith.constant 0 : i32
      %dma_wait3A_70 = tpu.memref_slice %arg7[%arg0, %add3A_51, %dma_wait3A_69] : memref<2x10000x128xf32, #tpu.memory_space<hbm>> -> memref<1x128x128xf32, #tpu.memory_space<hbm>>
      %dma_wait3A_71 = tpu.memref_squeeze %dma_wait3A_70 : memref<1x128x128xf32, #tpu.memory_space<hbm>> -> memref<128x128xf32, #tpu.memory_space<hbm>>
      %dma_wait3A_72 = arith.constant 0 : i32
      %dma_wait3A_73 = tpu.memref_slice %arg7[%arg0, %add3A_51, %dma_wait3A_72] : memref<2x10000x128xf32, #tpu.memory_space<hbm>> -> memref<1x128x128xf32, #tpu.memory_space<hbm>>
      %dma_wait3A_74 = tpu.memref_squeeze %dma_wait3A_73 : memref<1x128x128xf32, #tpu.memory_space<hbm>> -> memref<128x128xf32, #tpu.memory_space<hbm>>
      %dma_wait3A_75 = arith.constant 0 : i32
      %dma_wait3A_76 = arith.constant 0 : i32
      %dma_wait3A_77 = tpu.memref_slice %arg11[%dma_wait3A_75, %dma_wait3A_76] : memref<128x128xf32, #tpu.memory_space<vmem>> -> memref<128x128xf32, #tpu.memory_space<vmem>>
      tpu.wait_dma2 semaphore(%run_scoped3A : memref<!tpu.dma_semaphore, #tpu.memory_space<semaphore_mem>>) src(%dma_wait3A_77 : memref<128x128xf32, #tpu.memory_space<vmem>>) dst(%dma_wait3A_74 : memref<128x128xf32, #tpu.memory_space<hbm>>)
      tpu.yield
    }) : () -> ()
    %mul3A_52 = arith.constant 624 : i32
    %mul3A_53 = arith.muli %arg1, %mul3A_52 : i32
    %add3A_54 = arith.constant 512 : i32
    %add3A_55 = arith.addi %mul3A_53, %add3A_54 : i32
    "tpu.region"() ({
      %run_scoped3A = tpu.sem_alloc : memref<!tpu.dma_semaphore, #tpu.memory_space<semaphore_mem>>
      %dma_start3A = arith.constant 0 : i32
      %dma_start3A_56 = arith.constant 0 : i32
      %dma_start3A_57 = tpu.memref_slice %arg11[%dma_start3A, %dma_start3A_56] : memref<128x128xf32, #tpu.memory_space<vmem>> -> memref<128x128xf32, #tpu.memory_space<vmem>>
      %dma_start3A_58 = arith.constant 0 : i32
      %dma_start3A_59 = tpu.memref_slice %arg14[%add3A_55, %dma_start3A_58] : memref<10008x128xf32, #tpu.memory_space<vmem_shared>> -> memref<128x128xf32, #tpu.memory_space<vmem_shared>>
      %dma_start3A_60 = arith.constant 0 : i32
      %dma_start3A_61 = arith.constant 0 : i32
      %dma_start3A_62 = tpu.memref_slice %arg11[%dma_start3A_60, %dma_start3A_61] : memref<128x128xf32, #tpu.memory_space<vmem>> -> memref<128x128xf32, #tpu.memory_space<vmem>>
      %dma_start3A_63 = arith.constant 0 : i32
      %dma_start3A_64 = tpu.memref_slice %arg14[%add3A_55, %dma_start3A_63] : memref<10008x128xf32, #tpu.memory_space<vmem_shared>> -> memref<128x128xf32, #tpu.memory_space<vmem_shared>>
      tpu.enqueue_dma source(%dma_start3A_64 : memref<128x128xf32, #tpu.memory_space<vmem_shared>>) target(%dma_start3A_62 : memref<128x128xf32, #tpu.memory_space<vmem>>) target_semaphore(%run_scoped3A : memref<!tpu.dma_semaphore, #tpu.memory_space<semaphore_mem>>)
      %dma_wait3A = arith.constant 0 : i32
      %dma_wait3A_65 = arith.constant 0 : i32
      %dma_wait3A_66 = tpu.memref_slice %arg11[%dma_wait3A, %dma_wait3A_65] : memref<128x128xf32, #tpu.memory_space<vmem>> -> memref<128x128xf32, #tpu.memory_space<vmem>>
      %dma_wait3A_67 = arith.constant 0 : i32
      %dma_wait3A_68 = tpu.memref_slice %arg14[%add3A_55, %dma_wait3A_67] : memref<10008x128xf32, #tpu.memory_space<vmem_shared>> -> memref<128x128xf32, #tpu.memory_space<vmem_shared>>
      %dma_wait3A_69 = arith.constant 0 : i32
      %dma_wait3A_70 = arith.constant 0 : i32
      %dma_wait3A_71 = tpu.memref_slice %arg11[%dma_wait3A_69, %dma_wait3A_70] : memref<128x128xf32, #tpu.memory_space<vmem>> -> memref<128x128xf32, #tpu.memory_space<vmem>>
      %dma_wait3A_72 = arith.constant 0 : i32
      %dma_wait3A_73 = tpu.memref_slice %arg14[%add3A_55, %dma_wait3A_72] : memref<10008x128xf32, #tpu.memory_space<vmem_shared>> -> memref<128x128xf32, #tpu.memory_space<vmem_shared>>
      tpu.wait_dma2 semaphore(%run_scoped3A : memref<!tpu.dma_semaphore, #tpu.memory_space<semaphore_mem>>) src(%dma_wait3A_73 : memref<128x128xf32, #tpu.memory_space<vmem_shared>>) dst(%dma_wait3A_71 : memref<128x128xf32, #tpu.memory_space<vmem>>)
      tpu.yield
    }) : () -> ()
    "tpu.region"() ({
      %run_scoped3A = tpu.sem_alloc : memref<!tpu.dma_semaphore, #tpu.memory_space<semaphore_mem>>
      %dma_start3A = arith.constant 0 : i32
      %dma_start3A_56 = arith.constant 0 : i32
      %dma_start3A_57 = tpu.memref_slice %arg11[%dma_start3A, %dma_start3A_56] : memref<128x128xf32, #tpu.memory_space<vmem>> -> memref<128x128xf32, #tpu.memory_space<vmem>>
      %dma_start3A_58 = arith.constant 0 : i32
      %dma_start3A_59 = tpu.memref_slice %arg7[%arg0, %add3A_55, %dma_start3A_58] : memref<2x10000x128xf32, #tpu.memory_space<hbm>> -> memref<1x128x128xf32, #tpu.memory_space<hbm>>
      %dma_start3A_60 = tpu.memref_squeeze %dma_start3A_59 : memref<1x128x128xf32, #tpu.memory_space<hbm>> -> memref<128x128xf32, #tpu.memory_space<hbm>>
      %dma_start3A_61 = arith.constant 0 : i32
      %dma_start3A_62 = tpu.memref_slice %arg7[%arg0, %add3A_55, %dma_start3A_61] : memref<2x10000x128xf32, #tpu.memory_space<hbm>> -> memref<1x128x128xf32, #tpu.memory_space<hbm>>
      %dma_start3A_63 = tpu.memref_squeeze %dma_start3A_62 : memref<1x128x128xf32, #tpu.memory_space<hbm>> -> memref<128x128xf32, #tpu.memory_space<hbm>>
      %dma_start3A_64 = arith.constant 0 : i32
      %dma_start3A_65 = arith.constant 0 : i32
      %dma_start3A_66 = tpu.memref_slice %arg11[%dma_start3A_64, %dma_start3A_65] : memref<128x128xf32, #tpu.memory_space<vmem>> -> memref<128x128xf32, #tpu.memory_space<vmem>>
      tpu.enqueue_dma source(%dma_start3A_66 : memref<128x128xf32, #tpu.memory_space<vmem>>) target(%dma_start3A_63 : memref<128x128xf32, #tpu.memory_space<hbm>>) target_semaphore(%run_scoped3A : memref<!tpu.dma_semaphore, #tpu.memory_space<semaphore_mem>>)
      %dma_wait3A = arith.constant 0 : i32
      %dma_wait3A_67 = arith.constant 0 : i32
      %dma_wait3A_68 = tpu.memref_slice %arg11[%dma_wait3A, %dma_wait3A_67] : memref<128x128xf32, #tpu.memory_space<vmem>> -> memref<128x128xf32, #tpu.memory_space<vmem>>
      %dma_wait3A_69 = arith.constant 0 : i32
      %dma_wait3A_70 = tpu.memref_slice %arg7[%arg0, %add3A_55, %dma_wait3A_69] : memref<2x10000x128xf32, #tpu.memory_space<hbm>> -> memref<1x128x128xf32, #tpu.memory_space<hbm>>
      %dma_wait3A_71 = tpu.memref_squeeze %dma_wait3A_70 : memref<1x128x128xf32, #tpu.memory_space<hbm>> -> memref<128x128xf32, #tpu.memory_space<hbm>>
      %dma_wait3A_72 = arith.constant 0 : i32
      %dma_wait3A_73 = tpu.memref_slice %arg7[%arg0, %add3A_55, %dma_wait3A_72] : memref<2x10000x128xf32, #tpu.memory_space<hbm>> -> memref<1x128x128xf32, #tpu.memory_space<hbm>>
      %dma_wait3A_74 = tpu.memref_squeeze %dma_wait3A_73 : memref<1x128x128xf32, #tpu.memory_space<hbm>> -> memref<128x128xf32, #tpu.memory_space<hbm>>
      %dma_wait3A_75 = arith.constant 0 : i32
      %dma_wait3A_76 = arith.constant 0 : i32
      %dma_wait3A_77 = tpu.memref_slice %arg11[%dma_wait3A_75, %dma_wait3A_76] : memref<128x128xf32, #tpu.memory_space<vmem>> -> memref<128x128xf32, #tpu.memory_space<vmem>>
      tpu.wait_dma2 semaphore(%run_scoped3A : memref<!tpu.dma_semaphore, #tpu.memory_space<semaphore_mem>>) src(%dma_wait3A_77 : memref<128x128xf32, #tpu.memory_space<vmem>>) dst(%dma_wait3A_74 : memref<128x128xf32, #tpu.memory_space<hbm>>)
      tpu.yield
    }) : () -> ()
    return
  }
}

#map = affine_map<(d0, d1) -> (0, 0)>
#map1 = affine_map<(d0, d1) -> (0)>
#map2 = affine_map<(d0, d1) -> (0, 0, 0)>
module attributes {stable_mosaic.version = 14 : i64} {
  func.func @body(%arg0: i32, %arg1: i32, %arg2: memref<10000x128xf32, #tpu.memory_space<hbm>>, %arg3: memref<10000x128xf32, #tpu.memory_space<hbm>>, %arg4: memref<320000x64xf32, #tpu.memory_space<hbm>>, %arg5: memref<320000xi32, #tpu.memory_space<hbm>>, %arg6: memref<320000xi32, #tpu.memory_space<hbm>>, %arg7: memref<2x10000x128xf32, #tpu.memory_space<hbm>>, %arg8: memref<128xi32, #tpu.memory_space<vmem>>, %arg9: memref<128xi32, #tpu.memory_space<vmem>>, %arg10: memref<128x128xf32, #tpu.memory_space<vmem>>, %arg11: memref<128x128xf32, #tpu.memory_space<vmem>>, %arg12: memref<128x64xf32, #tpu.memory_space<vmem>>, %arg13: memref<10008x128xf32, #tpu.memory_space<vmem_shared>>, %arg14: memref<!tpu.dma_semaphore, #tpu.memory_space<semaphore_mem>>) attributes {dimension_semantics = [#tpu.dimension_semantics<core_parallel>, #tpu.dimension_semantics<subcore_parallel>], iteration_bounds = array<i64: 2, 16>, scalar_prefetch = 0 : i64, scratch_operands = 7 : i64, tpu.core_type = #tpu.core_type<sc_vector_subcore>, window_params = [{transform_indices = #map}, {transform_indices = #map}, {transform_indices = #map}, {transform_indices = #map1}, {transform_indices = #map1}, {transform_indices = #map2}]} {
    %mul3A = arith.constant 2 : i32
    %mul3A_0 = arith.muli %arg1, %mul3A : i32
    %add3A = arith.addi %mul3A_0, %arg0 : i32
    %broadcast_in_dim3A = arith.constant 0.000000e+00 : f32
    %broadcast_in_dim3A_1 = vector.broadcast %broadcast_in_dim3A : f32 to vector<16xf32>
    %scan3A = arith.constant 0 : i32
    %scan3A_2 = arith.constant 0 : i32
    %scan3A_3 = arith.constant 128 : i32
    %scan3A_4 = arith.addi %scan3A_2, %scan3A_3 : i32
    %scan3A_5 = arith.constant 1 : i32
    %scan3A_6 = scf.for %scan3A_56 = %scan3A_2 to %scan3A_4 step %scan3A_5 iter_args(%scan3A_57 = %scan3A) -> (i32)  : i32 {
      %swap3A = arith.index_cast %scan3A_56 : i32 to index
      %swap3A_58 = arith.constant 0 : index
      %swap3A_59 = tpu.vector_load %arg10[%swap3A, %swap3A_58] {strides = array<i32>} : memref<128x128xf32, #tpu.memory_space<vmem>>, vector<1x16xf32>,
      %swap3A_60 = vector.shape_cast %swap3A_59 : vector<1x16xf32> to vector<16xf32>
      %swap3A_61 = vector.shape_cast %broadcast_in_dim3A_1 : vector<16xf32> to vector<1x16xf32>
      tpu.vector_store %arg10[%swap3A, %swap3A_58], %swap3A_61 {strides = array<i32>} : memref<128x128xf32, #tpu.memory_space<vmem>>, vector<1x16xf32>,
      %swap3A_62 = arith.index_cast %scan3A_56 : i32 to index
      %swap3A_63 = arith.constant 16 : index
      %swap3A_64 = tpu.vector_load %arg10[%swap3A_62, %swap3A_63] {strides = array<i32>} : memref<128x128xf32, #tpu.memory_space<vmem>>, vector<1x16xf32>,
      %swap3A_65 = vector.shape_cast %swap3A_64 : vector<1x16xf32> to vector<16xf32>
      %swap3A_66 = vector.shape_cast %broadcast_in_dim3A_1 : vector<16xf32> to vector<1x16xf32>
      tpu.vector_store %arg10[%swap3A_62, %swap3A_63], %swap3A_66 {strides = array<i32>} : memref<128x128xf32, #tpu.memory_space<vmem>>, vector<1x16xf32>,
      %swap3A_67 = arith.index_cast %scan3A_56 : i32 to index
      %swap3A_68 = arith.constant 32 : index
      %swap3A_69 = tpu.vector_load %arg10[%swap3A_67, %swap3A_68] {strides = array<i32>} : memref<128x128xf32, #tpu.memory_space<vmem>>, vector<1x16xf32>,
      %swap3A_70 = vector.shape_cast %swap3A_69 : vector<1x16xf32> to vector<16xf32>
      %swap3A_71 = vector.shape_cast %broadcast_in_dim3A_1 : vector<16xf32> to vector<1x16xf32>
      tpu.vector_store %arg10[%swap3A_67, %swap3A_68], %swap3A_71 {strides = array<i32>} : memref<128x128xf32, #tpu.memory_space<vmem>>, vector<1x16xf32>,
      %swap3A_72 = arith.index_cast %scan3A_56 : i32 to index
      %swap3A_73 = arith.constant 48 : index
      %swap3A_74 = tpu.vector_load %arg10[%swap3A_72, %swap3A_73] {strides = array<i32>} : memref<128x128xf32, #tpu.memory_space<vmem>>, vector<1x16xf32>,
      %swap3A_75 = vector.shape_cast %swap3A_74 : vector<1x16xf32> to vector<16xf32>
      %swap3A_76 = vector.shape_cast %broadcast_in_dim3A_1 : vector<16xf32> to vector<1x16xf32>
      tpu.vector_store %arg10[%swap3A_72, %swap3A_73], %swap3A_76 {strides = array<i32>} : memref<128x128xf32, #tpu.memory_space<vmem>>, vector<1x16xf32>,
      %swap3A_77 = arith.index_cast %scan3A_56 : i32 to index
      %swap3A_78 = arith.constant 64 : index
      %swap3A_79 = tpu.vector_load %arg10[%swap3A_77, %swap3A_78] {strides = array<i32>} : memref<128x128xf32, #tpu.memory_space<vmem>>, vector<1x16xf32>,
      %swap3A_80 = vector.shape_cast %swap3A_79 : vector<1x16xf32> to vector<16xf32>
      %swap3A_81 = vector.shape_cast %broadcast_in_dim3A_1 : vector<16xf32> to vector<1x16xf32>
      tpu.vector_store %arg10[%swap3A_77, %swap3A_78], %swap3A_81 {strides = array<i32>} : memref<128x128xf32, #tpu.memory_space<vmem>>, vector<1x16xf32>,
      %swap3A_82 = arith.index_cast %scan3A_56 : i32 to index
      %swap3A_83 = arith.constant 80 : index
      %swap3A_84 = tpu.vector_load %arg10[%swap3A_82, %swap3A_83] {strides = array<i32>} : memref<128x128xf32, #tpu.memory_space<vmem>>, vector<1x16xf32>,
      %swap3A_85 = vector.shape_cast %swap3A_84 : vector<1x16xf32> to vector<16xf32>
      %swap3A_86 = vector.shape_cast %broadcast_in_dim3A_1 : vector<16xf32> to vector<1x16xf32>
      tpu.vector_store %arg10[%swap3A_82, %swap3A_83], %swap3A_86 {strides = array<i32>} : memref<128x128xf32, #tpu.memory_space<vmem>>, vector<1x16xf32>,
      %swap3A_87 = arith.index_cast %scan3A_56 : i32 to index
      %swap3A_88 = arith.constant 96 : index
      %swap3A_89 = tpu.vector_load %arg10[%swap3A_87, %swap3A_88] {strides = array<i32>} : memref<128x128xf32, #tpu.memory_space<vmem>>, vector<1x16xf32>,
      %swap3A_90 = vector.shape_cast %swap3A_89 : vector<1x16xf32> to vector<16xf32>
      %swap3A_91 = vector.shape_cast %broadcast_in_dim3A_1 : vector<16xf32> to vector<1x16xf32>
      tpu.vector_store %arg10[%swap3A_87, %swap3A_88], %swap3A_91 {strides = array<i32>} : memref<128x128xf32, #tpu.memory_space<vmem>>, vector<1x16xf32>,
      %swap3A_92 = arith.index_cast %scan3A_56 : i32 to index
      %swap3A_93 = arith.constant 112 : index
      %swap3A_94 = tpu.vector_load %arg10[%swap3A_92, %swap3A_93] {strides = array<i32>} : memref<128x128xf32, #tpu.memory_space<vmem>>, vector<1x16xf32>,
      %swap3A_95 = vector.shape_cast %swap3A_94 : vector<1x16xf32> to vector<16xf32>
      %swap3A_96 = vector.shape_cast %broadcast_in_dim3A_1 : vector<16xf32> to vector<1x16xf32>
      tpu.vector_store %arg10[%swap3A_92, %swap3A_93], %swap3A_96 {strides = array<i32>} : memref<128x128xf32, #tpu.memory_space<vmem>>, vector<1x16xf32>,
      %scan3A_97 = arith.constant 0 : i32
      scf.yield %scan3A_97 : i32
    }
    %scan3A_7 = arith.constant 128 : i32
    %mul3A_8 = arith.constant 624 : i32
    %mul3A_9 = arith.muli %arg1, %mul3A_8 : i32
    %add3A_10 = arith.constant 0 : i32
    %add3A_11 = arith.addi %mul3A_9, %add3A_10 : i32
    "tpu.region"() ({
      %run_scoped3A = tpu.sem_alloc : memref<!tpu.dma_semaphore, #tpu.memory_space<semaphore_mem>>
      %dma_start3A = arith.constant 0 : i32
      %dma_start3A_56 = arith.constant 0 : i32
      %dma_start3A_57 = tpu.memref_slice %arg10[%dma_start3A, %dma_start3A_56] : memref<128x128xf32, #tpu.memory_space<vmem>> -> memref<128x128xf32, #tpu.memory_space<vmem>>
      %dma_start3A_58 = arith.constant 0 : i32
      %dma_start3A_59 = tpu.memref_slice %arg13[%add3A_11, %dma_start3A_58] : memref<10008x128xf32, #tpu.memory_space<vmem_shared>> -> memref<128x128xf32, #tpu.memory_space<vmem_shared>>
      %dma_start3A_60 = arith.constant 0 : i32
      %dma_start3A_61 = tpu.memref_slice %arg13[%add3A_11, %dma_start3A_60] : memref<10008x128xf32, #tpu.memory_space<vmem_shared>> -> memref<128x128xf32, #tpu.memory_space<vmem_shared>>
      %dma_start3A_62 = arith.constant 0 : i32
      %dma_start3A_63 = arith.constant 0 : i32
      %dma_start3A_64 = tpu.memref_slice %arg10[%dma_start3A_62, %dma_start3A_63] : memref<128x128xf32, #tpu.memory_space<vmem>> -> memref<128x128xf32, #tpu.memory_space<vmem>>
      tpu.enqueue_dma source(%dma_start3A_64 : memref<128x128xf32, #tpu.memory_space<vmem>>) target(%dma_start3A_61 : memref<128x128xf32, #tpu.memory_space<vmem_shared>>) target_semaphore(%run_scoped3A : memref<!tpu.dma_semaphore, #tpu.memory_space<semaphore_mem>>)
      %dma_wait3A = arith.constant 0 : i32
      %dma_wait3A_65 = arith.constant 0 : i32
      %dma_wait3A_66 = tpu.memref_slice %arg10[%dma_wait3A, %dma_wait3A_65] : memref<128x128xf32, #tpu.memory_space<vmem>> -> memref<128x128xf32, #tpu.memory_space<vmem>>
      %dma_wait3A_67 = arith.constant 0 : i32
      %dma_wait3A_68 = tpu.memref_slice %arg13[%add3A_11, %dma_wait3A_67] : memref<10008x128xf32, #tpu.memory_space<vmem_shared>> -> memref<128x128xf32, #tpu.memory_space<vmem_shared>>
      %dma_wait3A_69 = arith.constant 0 : i32
      %dma_wait3A_70 = tpu.memref_slice %arg13[%add3A_11, %dma_wait3A_69] : memref<10008x128xf32, #tpu.memory_space<vmem_shared>> -> memref<128x128xf32, #tpu.memory_space<vmem_shared>>
      %dma_wait3A_71 = arith.constant 0 : i32
      %dma_wait3A_72 = arith.constant 0 : i32
      %dma_wait3A_73 = tpu.memref_slice %arg10[%dma_wait3A_71, %dma_wait3A_72] : memref<128x128xf32, #tpu.memory_space<vmem>> -> memref<128x128xf32, #tpu.memory_space<vmem>>
      tpu.wait_dma2 semaphore(%run_scoped3A : memref<!tpu.dma_semaphore, #tpu.memory_space<semaphore_mem>>) src(%dma_wait3A_73 : memref<128x128xf32, #tpu.memory_space<vmem>>) dst(%dma_wait3A_70 : memref<128x128xf32, #tpu.memory_space<vmem_shared>>)
      tpu.yield
    }) : () -> ()
    %mul3A_12 = arith.constant 624 : i32
    %mul3A_13 = arith.muli %arg1, %mul3A_12 : i32
    %add3A_14 = arith.constant 128 : i32
    %add3A_15 = arith.addi %mul3A_13, %add3A_14 : i32
    "tpu.region"() ({
      %run_scoped3A = tpu.sem_alloc : memref<!tpu.dma_semaphore, #tpu.memory_space<semaphore_mem>>
      %dma_start3A = arith.constant 0 : i32
      %dma_start3A_56 = arith.constant 0 : i32
      %dma_start3A_57 = tpu.memref_slice %arg10[%dma_start3A, %dma_start3A_56] : memref<128x128xf32, #tpu.memory_space<vmem>> -> memref<128x128xf32, #tpu.memory_space<vmem>>
      %dma_start3A_58 = arith.constant 0 : i32
      %dma_start3A_59 = tpu.memref_slice %arg13[%add3A_15, %dma_start3A_58] : memref<10008x128xf32, #tpu.memory_space<vmem_shared>> -> memref<128x128xf32, #tpu.memory_space<vmem_shared>>
      %dma_start3A_60 = arith.constant 0 : i32
      %dma_start3A_61 = tpu.memref_slice %arg13[%add3A_15, %dma_start3A_60] : memref<10008x128xf32, #tpu.memory_space<vmem_shared>> -> memref<128x128xf32, #tpu.memory_space<vmem_shared>>
      %dma_start3A_62 = arith.constant 0 : i32
      %dma_start3A_63 = arith.constant 0 : i32
      %dma_start3A_64 = tpu.memref_slice %arg10[%dma_start3A_62, %dma_start3A_63] : memref<128x128xf32, #tpu.memory_space<vmem>> -> memref<128x128xf32, #tpu.memory_space<vmem>>
      tpu.enqueue_dma source(%dma_start3A_64 : memref<128x128xf32, #tpu.memory_space<vmem>>) target(%dma_start3A_61 : memref<128x128xf32, #tpu.memory_space<vmem_shared>>) target_semaphore(%run_scoped3A : memref<!tpu.dma_semaphore, #tpu.memory_space<semaphore_mem>>)
      %dma_wait3A = arith.constant 0 : i32
      %dma_wait3A_65 = arith.constant 0 : i32
      %dma_wait3A_66 = tpu.memref_slice %arg10[%dma_wait3A, %dma_wait3A_65] : memref<128x128xf32, #tpu.memory_space<vmem>> -> memref<128x128xf32, #tpu.memory_space<vmem>>
      %dma_wait3A_67 = arith.constant 0 : i32
      %dma_wait3A_68 = tpu.memref_slice %arg13[%add3A_15, %dma_wait3A_67] : memref<10008x128xf32, #tpu.memory_space<vmem_shared>> -> memref<128x128xf32, #tpu.memory_space<vmem_shared>>
      %dma_wait3A_69 = arith.constant 0 : i32
      %dma_wait3A_70 = tpu.memref_slice %arg13[%add3A_15, %dma_wait3A_69] : memref<10008x128xf32, #tpu.memory_space<vmem_shared>> -> memref<128x128xf32, #tpu.memory_space<vmem_shared>>
      %dma_wait3A_71 = arith.constant 0 : i32
      %dma_wait3A_72 = arith.constant 0 : i32
      %dma_wait3A_73 = tpu.memref_slice %arg10[%dma_wait3A_71, %dma_wait3A_72] : memref<128x128xf32, #tpu.memory_space<vmem>> -> memref<128x128xf32, #tpu.memory_space<vmem>>
      tpu.wait_dma2 semaphore(%run_scoped3A : memref<!tpu.dma_semaphore, #tpu.memory_space<semaphore_mem>>) src(%dma_wait3A_73 : memref<128x128xf32, #tpu.memory_space<vmem>>) dst(%dma_wait3A_70 : memref<128x128xf32, #tpu.memory_space<vmem_shared>>)
      tpu.yield
    }) : () -> ()
    %mul3A_16 = arith.constant 624 : i32
    %mul3A_17 = arith.muli %arg1, %mul3A_16 : i32
    %add3A_18 = arith.constant 256 : i32
    %add3A_19 = arith.addi %mul3A_17, %add3A_18 : i32
    "tpu.region"() ({
      %run_scoped3A = tpu.sem_alloc : memref<!tpu.dma_semaphore, #tpu.memory_space<semaphore_mem>>
      %dma_start3A = arith.constant 0 : i32
      %dma_start3A_56 = arith.constant 0 : i32
      %dma_start3A_57 = tpu.memref_slice %arg10[%dma_start3A, %dma_start3A_56] : memref<128x128xf32, #tpu.memory_space<vmem>> -> memref<128x128xf32, #tpu.memory_space<vmem>>
      %dma_start3A_58 = arith.constant 0 : i32
      %dma_start3A_59 = tpu.memref_slice %arg13[%add3A_19, %dma_start3A_58] : memref<10008x128xf32, #tpu.memory_space<vmem_shared>> -> memref<128x128xf32, #tpu.memory_space<vmem_shared>>
      %dma_start3A_60 = arith.constant 0 : i32
      %dma_start3A_61 = tpu.memref_slice %arg13[%add3A_19, %dma_start3A_60] : memref<10008x128xf32, #tpu.memory_space<vmem_shared>> -> memref<128x128xf32, #tpu.memory_space<vmem_shared>>
      %dma_start3A_62 = arith.constant 0 : i32
      %dma_start3A_63 = arith.constant 0 : i32
      %dma_start3A_64 = tpu.memref_slice %arg10[%dma_start3A_62, %dma_start3A_63] : memref<128x128xf32, #tpu.memory_space<vmem>> -> memref<128x128xf32, #tpu.memory_space<vmem>>
      tpu.enqueue_dma source(%dma_start3A_64 : memref<128x128xf32, #tpu.memory_space<vmem>>) target(%dma_start3A_61 : memref<128x128xf32, #tpu.memory_space<vmem_shared>>) target_semaphore(%run_scoped3A : memref<!tpu.dma_semaphore, #tpu.memory_space<semaphore_mem>>)
      %dma_wait3A = arith.constant 0 : i32
      %dma_wait3A_65 = arith.constant 0 : i32
      %dma_wait3A_66 = tpu.memref_slice %arg10[%dma_wait3A, %dma_wait3A_65] : memref<128x128xf32, #tpu.memory_space<vmem>> -> memref<128x128xf32, #tpu.memory_space<vmem>>
      %dma_wait3A_67 = arith.constant 0 : i32
      %dma_wait3A_68 = tpu.memref_slice %arg13[%add3A_19, %dma_wait3A_67] : memref<10008x128xf32, #tpu.memory_space<vmem_shared>> -> memref<128x128xf32, #tpu.memory_space<vmem_shared>>
      %dma_wait3A_69 = arith.constant 0 : i32
      %dma_wait3A_70 = tpu.memref_slice %arg13[%add3A_19, %dma_wait3A_69] : memref<10008x128xf32, #tpu.memory_space<vmem_shared>> -> memref<128x128xf32, #tpu.memory_space<vmem_shared>>
      %dma_wait3A_71 = arith.constant 0 : i32
      %dma_wait3A_72 = arith.constant 0 : i32
      %dma_wait3A_73 = tpu.memref_slice %arg10[%dma_wait3A_71, %dma_wait3A_72] : memref<128x128xf32, #tpu.memory_space<vmem>> -> memref<128x128xf32, #tpu.memory_space<vmem>>
      tpu.wait_dma2 semaphore(%run_scoped3A : memref<!tpu.dma_semaphore, #tpu.memory_space<semaphore_mem>>) src(%dma_wait3A_73 : memref<128x128xf32, #tpu.memory_space<vmem>>) dst(%dma_wait3A_70 : memref<128x128xf32, #tpu.memory_space<vmem_shared>>)
      tpu.yield
    }) : () -> ()
    %mul3A_20 = arith.constant 624 : i32
    %mul3A_21 = arith.muli %arg1, %mul3A_20 : i32
    %add3A_22 = arith.constant 384 : i32
    %add3A_23 = arith.addi %mul3A_21, %add3A_22 : i32
    "tpu.region"() ({
      %run_scoped3A = tpu.sem_alloc : memref<!tpu.dma_semaphore, #tpu.memory_space<semaphore_mem>>
      %dma_start3A = arith.constant 0 : i32
      %dma_start3A_56 = arith.constant 0 : i32
      %dma_start3A_57 = tpu.memref_slice %arg10[%dma_start3A, %dma_start3A_56] : memref<128x128xf32, #tpu.memory_space<vmem>> -> memref<128x128xf32, #tpu.memory_space<vmem>>
      %dma_start3A_58 = arith.constant 0 : i32
      %dma_start3A_59 = tpu.memref_slice %arg13[%add3A_23, %dma_start3A_58] : memref<10008x128xf32, #tpu.memory_space<vmem_shared>> -> memref<128x128xf32, #tpu.memory_space<vmem_shared>>
      %dma_start3A_60 = arith.constant 0 : i32
      %dma_start3A_61 = tpu.memref_slice %arg13[%add3A_23, %dma_start3A_60] : memref<10008x128xf32, #tpu.memory_space<vmem_shared>> -> memref<128x128xf32, #tpu.memory_space<vmem_shared>>
      %dma_start3A_62 = arith.constant 0 : i32
      %dma_start3A_63 = arith.constant 0 : i32
      %dma_start3A_64 = tpu.memref_slice %arg10[%dma_start3A_62, %dma_start3A_63] : memref<128x128xf32, #tpu.memory_space<vmem>> -> memref<128x128xf32, #tpu.memory_space<vmem>>
      tpu.enqueue_dma source(%dma_start3A_64 : memref<128x128xf32, #tpu.memory_space<vmem>>) target(%dma_start3A_61 : memref<128x128xf32, #tpu.memory_space<vmem_shared>>) target_semaphore(%run_scoped3A : memref<!tpu.dma_semaphore, #tpu.memory_space<semaphore_mem>>)
      %dma_wait3A = arith.constant 0 : i32
      %dma_wait3A_65 = arith.constant 0 : i32
      %dma_wait3A_66 = tpu.memref_slice %arg10[%dma_wait3A, %dma_wait3A_65] : memref<128x128xf32, #tpu.memory_space<vmem>> -> memref<128x128xf32, #tpu.memory_space<vmem>>
      %dma_wait3A_67 = arith.constant 0 : i32
      %dma_wait3A_68 = tpu.memref_slice %arg13[%add3A_23, %dma_wait3A_67] : memref<10008x128xf32, #tpu.memory_space<vmem_shared>> -> memref<128x128xf32, #tpu.memory_space<vmem_shared>>
      %dma_wait3A_69 = arith.constant 0 : i32
      %dma_wait3A_70 = tpu.memref_slice %arg13[%add3A_23, %dma_wait3A_69] : memref<10008x128xf32, #tpu.memory_space<vmem_shared>> -> memref<128x128xf32, #tpu.memory_space<vmem_shared>>
      %dma_wait3A_71 = arith.constant 0 : i32
      %dma_wait3A_72 = arith.constant 0 : i32
      %dma_wait3A_73 = tpu.memref_slice %arg10[%dma_wait3A_71, %dma_wait3A_72] : memref<128x128xf32, #tpu.memory_space<vmem>> -> memref<128x128xf32, #tpu.memory_space<vmem>>
      tpu.wait_dma2 semaphore(%run_scoped3A : memref<!tpu.dma_semaphore, #tpu.memory_space<semaphore_mem>>) src(%dma_wait3A_73 : memref<128x128xf32, #tpu.memory_space<vmem>>) dst(%dma_wait3A_70 : memref<128x128xf32, #tpu.memory_space<vmem_shared>>)
      tpu.yield
    }) : () -> ()
    %mul3A_24 = arith.constant 624 : i32
    %mul3A_25 = arith.muli %arg1, %mul3A_24 : i32
    %add3A_26 = arith.constant 512 : i32
    %add3A_27 = arith.addi %mul3A_25, %add3A_26 : i32
    "tpu.region"() ({
      %run_scoped3A = tpu.sem_alloc : memref<!tpu.dma_semaphore, #tpu.memory_space<semaphore_mem>>
      %dma_start3A = arith.constant 0 : i32
      %dma_start3A_56 = arith.constant 0 : i32
      %dma_start3A_57 = tpu.memref_slice %arg10[%dma_start3A, %dma_start3A_56] : memref<128x128xf32, #tpu.memory_space<vmem>> -> memref<128x128xf32, #tpu.memory_space<vmem>>
      %dma_start3A_58 = arith.constant 0 : i32
      %dma_start3A_59 = tpu.memref_slice %arg13[%add3A_27, %dma_start3A_58] : memref<10008x128xf32, #tpu.memory_space<vmem_shared>> -> memref<128x128xf32, #tpu.memory_space<vmem_shared>>
      %dma_start3A_60 = arith.constant 0 : i32
      %dma_start3A_61 = tpu.memref_slice %arg13[%add3A_27, %dma_start3A_60] : memref<10008x128xf32, #tpu.memory_space<vmem_shared>> -> memref<128x128xf32, #tpu.memory_space<vmem_shared>>
      %dma_start3A_62 = arith.constant 0 : i32
      %dma_start3A_63 = arith.constant 0 : i32
      %dma_start3A_64 = tpu.memref_slice %arg10[%dma_start3A_62, %dma_start3A_63] : memref<128x128xf32, #tpu.memory_space<vmem>> -> memref<128x128xf32, #tpu.memory_space<vmem>>
      tpu.enqueue_dma source(%dma_start3A_64 : memref<128x128xf32, #tpu.memory_space<vmem>>) target(%dma_start3A_61 : memref<128x128xf32, #tpu.memory_space<vmem_shared>>) target_semaphore(%run_scoped3A : memref<!tpu.dma_semaphore, #tpu.memory_space<semaphore_mem>>)
      %dma_wait3A = arith.constant 0 : i32
      %dma_wait3A_65 = arith.constant 0 : i32
      %dma_wait3A_66 = tpu.memref_slice %arg10[%dma_wait3A, %dma_wait3A_65] : memref<128x128xf32, #tpu.memory_space<vmem>> -> memref<128x128xf32, #tpu.memory_space<vmem>>
      %dma_wait3A_67 = arith.constant 0 : i32
      %dma_wait3A_68 = tpu.memref_slice %arg13[%add3A_27, %dma_wait3A_67] : memref<10008x128xf32, #tpu.memory_space<vmem_shared>> -> memref<128x128xf32, #tpu.memory_space<vmem_shared>>
      %dma_wait3A_69 = arith.constant 0 : i32
      %dma_wait3A_70 = tpu.memref_slice %arg13[%add3A_27, %dma_wait3A_69] : memref<10008x128xf32, #tpu.memory_space<vmem_shared>> -> memref<128x128xf32, #tpu.memory_space<vmem_shared>>
      %dma_wait3A_71 = arith.constant 0 : i32
      %dma_wait3A_72 = arith.constant 0 : i32
      %dma_wait3A_73 = tpu.memref_slice %arg10[%dma_wait3A_71, %dma_wait3A_72] : memref<128x128xf32, #tpu.memory_space<vmem>> -> memref<128x128xf32, #tpu.memory_space<vmem>>
      tpu.wait_dma2 semaphore(%run_scoped3A : memref<!tpu.dma_semaphore, #tpu.memory_space<semaphore_mem>>) src(%dma_wait3A_73 : memref<128x128xf32, #tpu.memory_space<vmem>>) dst(%dma_wait3A_70 : memref<128x128xf32, #tpu.memory_space<vmem_shared>>)
      tpu.yield
    }) : () -> ()
    %barrier3A = arith.constant 0 : index
    tpu.barrier barrier_id(%barrier3A)
    %scan3A_28 = arith.constant 0 : i32
    %scan3A_29 = arith.constant 0 : i32
    %scan3A_30 = arith.constant 79 : i32
    %scan3A_31 = arith.addi %scan3A_29, %scan3A_30 : i32
    %scan3A_32 = arith.constant 1 : i32
    %scan3A_33 = scf.for %scan3A_56 = %scan3A_29 to %scan3A_31 step %scan3A_32 iter_args(%scan3A_57 = %scan3A_28) -> (i32)  : i32 {
      %mul3A_58 = arith.constant 32 : i32
      %mul3A_59 = arith.muli %scan3A_56, %mul3A_58 : i32
      %add3A_60 = arith.addi %add3A, %mul3A_59 : i32
      %lt3A = arith.constant 2500 : i32
      %lt3A_61 = arith.cmpi slt, %add3A_60, %lt3A : i32
      %convert_element_type3A = arith.extui %lt3A_61 : i1 to i32
      %cond3A = arith.constant 0 : i32
      %cond3A_62 = arith.cmpi ne, %convert_element_type3A, %cond3A : i32
      scf.if %cond3A_62 {
        %mul3A_64 = arith.constant 128 : i32
        %mul3A_65 = arith.muli %add3A_60, %mul3A_64 : i32
        "tpu.region"() ({
          %run_scoped3A = tpu.sem_alloc : memref<!tpu.dma_semaphore, #tpu.memory_space<semaphore_mem>>
          %dma_start3A_91 = tpu.memref_slice %arg5[%mul3A_65] : memref<320000xi32, #tpu.memory_space<hbm>> -> memref<128xi32, #tpu.memory_space<hbm>>
          %dma_start3A_92 = tpu.memref_slice %arg5[%mul3A_65] : memref<320000xi32, #tpu.memory_space<hbm>> -> memref<128xi32, #tpu.memory_space<hbm>>
          tpu.enqueue_dma source(%dma_start3A_92 : memref<128xi32, #tpu.memory_space<hbm>>) target(%arg8 : memref<128xi32, #tpu.memory_space<vmem>>) target_semaphore(%run_scoped3A : memref<!tpu.dma_semaphore, #tpu.memory_space<semaphore_mem>>)
          %dma_wait3A_93 = tpu.memref_slice %arg5[%mul3A_65] : memref<320000xi32, #tpu.memory_space<hbm>> -> memref<128xi32, #tpu.memory_space<hbm>>
          %dma_wait3A_94 = tpu.memref_slice %arg5[%mul3A_65] : memref<320000xi32, #tpu.memory_space<hbm>> -> memref<128xi32, #tpu.memory_space<hbm>>
          tpu.wait_dma2 semaphore(%run_scoped3A : memref<!tpu.dma_semaphore, #tpu.memory_space<semaphore_mem>>) src(%dma_wait3A_94 : memref<128xi32, #tpu.memory_space<hbm>>) dst(%arg8 : memref<128xi32, #tpu.memory_space<vmem>>)
          tpu.yield
        }) : () -> ()
        "tpu.region"() ({
          %run_scoped3A = tpu.sem_alloc : memref<!tpu.dma_semaphore, #tpu.memory_space<semaphore_mem>>
          %dma_start3A_91 = tpu.memref_slice %arg6[%mul3A_65] : memref<320000xi32, #tpu.memory_space<hbm>> -> memref<128xi32, #tpu.memory_space<hbm>>
          %dma_start3A_92 = tpu.memref_slice %arg6[%mul3A_65] : memref<320000xi32, #tpu.memory_space<hbm>> -> memref<128xi32, #tpu.memory_space<hbm>>
          tpu.enqueue_dma source(%dma_start3A_92 : memref<128xi32, #tpu.memory_space<hbm>>) target(%arg9 : memref<128xi32, #tpu.memory_space<vmem>>) target_semaphore(%run_scoped3A : memref<!tpu.dma_semaphore, #tpu.memory_space<semaphore_mem>>)
          %dma_wait3A_93 = tpu.memref_slice %arg6[%mul3A_65] : memref<320000xi32, #tpu.memory_space<hbm>> -> memref<128xi32, #tpu.memory_space<hbm>>
          %dma_wait3A_94 = tpu.memref_slice %arg6[%mul3A_65] : memref<320000xi32, #tpu.memory_space<hbm>> -> memref<128xi32, #tpu.memory_space<hbm>>
          tpu.wait_dma2 semaphore(%run_scoped3A : memref<!tpu.dma_semaphore, #tpu.memory_space<semaphore_mem>>) src(%dma_wait3A_94 : memref<128xi32, #tpu.memory_space<hbm>>) dst(%arg9 : memref<128xi32, #tpu.memory_space<vmem>>)
          tpu.yield
        }) : () -> ()
        %dma_start3A = arith.constant 0 : i32
        %dma_start3A_66 = arith.constant 0 : i32
        %dma_start3A_67 = tpu.memref_slice %arg2[%dma_start3A, %dma_start3A_66] : memref<10000x128xf32, #tpu.memory_space<hbm>> -> memref<10000x128xf32, #tpu.memory_space<hbm>>
        tpu.enqueue_indirect_dma source(%dma_start3A_67 : memref<10000x128xf32, #tpu.memory_space<hbm>>) target(%arg10 : memref<128x128xf32, #tpu.memory_space<vmem>>) offsets(%arg8 : memref<128xi32, #tpu.memory_space<vmem>>) semaphore(%arg14 : memref<!tpu.dma_semaphore, #tpu.memory_space<semaphore_mem>>)
        %dma_start3A_68 = arith.constant 0 : i32
        %dma_start3A_69 = arith.constant 0 : i32
        %dma_start3A_70 = tpu.memref_slice %arg3[%dma_start3A_68, %dma_start3A_69] : memref<10000x128xf32, #tpu.memory_space<hbm>> -> memref<10000x128xf32, #tpu.memory_space<hbm>>
        tpu.enqueue_indirect_dma source(%dma_start3A_70 : memref<10000x128xf32, #tpu.memory_space<hbm>>) target(%arg11 : memref<128x128xf32, #tpu.memory_space<vmem>>) offsets(%arg9 : memref<128xi32, #tpu.memory_space<vmem>>) semaphore(%arg14 : memref<!tpu.dma_semaphore, #tpu.memory_space<semaphore_mem>>)
        %dma_start3A_71 = arith.constant 0 : i32
        %dma_start3A_72 = tpu.memref_slice %arg4[%mul3A_65, %dma_start3A_71] : memref<320000x64xf32, #tpu.memory_space<hbm>> -> memref<128x64xf32, #tpu.memory_space<hbm>>
        %dma_start3A_73 = arith.constant 0 : i32
        %dma_start3A_74 = tpu.memref_slice %arg4[%mul3A_65, %dma_start3A_73] : memref<320000x64xf32, #tpu.memory_space<hbm>> -> memref<128x64xf32, #tpu.memory_space<hbm>>
        tpu.enqueue_dma source(%dma_start3A_74 : memref<128x64xf32, #tpu.memory_space<hbm>>) target(%arg12 : memref<128x64xf32, #tpu.memory_space<vmem>>) target_semaphore(%arg14 : memref<!tpu.dma_semaphore, #tpu.memory_space<semaphore_mem>>)
        %dma_wait3A = arith.constant 0 : i32
        %dma_wait3A_75 = arith.constant 0 : i32
        %dma_wait3A_76 = tpu.memref_slice %arg2[%dma_wait3A, %dma_wait3A_75] : memref<10000x128xf32, #tpu.memory_space<hbm>> -> memref<10000x128xf32, #tpu.memory_space<hbm>>
        tpu.wait_indirect_dma semaphore(%arg14 : memref<!tpu.dma_semaphore, #tpu.memory_space<semaphore_mem>>) src(%dma_wait3A_76 : memref<10000x128xf32, #tpu.memory_space<hbm>>) dst(%arg10 : memref<128x128xf32, #tpu.memory_space<vmem>>)
        %dma_wait3A_77 = arith.constant 0 : i32
        %dma_wait3A_78 = arith.constant 0 : i32
        %dma_wait3A_79 = tpu.memref_slice %arg3[%dma_wait3A_77, %dma_wait3A_78] : memref<10000x128xf32, #tpu.memory_space<hbm>> -> memref<10000x128xf32, #tpu.memory_space<hbm>>
        tpu.wait_indirect_dma semaphore(%arg14 : memref<!tpu.dma_semaphore, #tpu.memory_space<semaphore_mem>>) src(%dma_wait3A_79 : memref<10000x128xf32, #tpu.memory_space<hbm>>) dst(%arg11 : memref<128x128xf32, #tpu.memory_space<vmem>>)
        %dma_wait3A_80 = arith.constant 0 : i32
        %dma_wait3A_81 = tpu.memref_slice %arg4[%mul3A_65, %dma_wait3A_80] : memref<320000x64xf32, #tpu.memory_space<hbm>> -> memref<128x64xf32, #tpu.memory_space<hbm>>
        %dma_wait3A_82 = arith.constant 0 : i32
        %dma_wait3A_83 = tpu.memref_slice %arg4[%mul3A_65, %dma_wait3A_82] : memref<320000x64xf32, #tpu.memory_space<hbm>> -> memref<128x64xf32, #tpu.memory_space<hbm>>
        tpu.wait_dma2 semaphore(%arg14 : memref<!tpu.dma_semaphore, #tpu.memory_space<semaphore_mem>>) src(%dma_wait3A_83 : memref<128x64xf32, #tpu.memory_space<hbm>>) dst(%arg12 : memref<128x64xf32, #tpu.memory_space<vmem>>)
        %scan3A_84 = arith.constant 0 : i32
        %scan3A_85 = arith.constant 0 : i32
        %scan3A_86 = arith.constant 128 : i32
        %scan3A_87 = arith.addi %scan3A_85, %scan3A_86 : i32
        %scan3A_88 = arith.constant 1 : i32
        %scan3A_89 = scf.for %scan3A_91 = %scan3A_85 to %scan3A_87 step %scan3A_88 iter_args(%scan3A_92 = %scan3A_84) -> (i32)  : i32 {
          %get3A = arith.index_cast %scan3A_91 : i32 to index
          %get3A_93 = arith.constant 0 : index
          %get3A_94 = tpu.vector_load %arg10[%get3A, %get3A_93] {strides = array<i32>} : memref<128x128xf32, #tpu.memory_space<vmem>>, vector<1x16xf32>,
          %get3A_95 = vector.shape_cast %get3A_94 : vector<1x16xf32> to vector<16xf32>
          %get3A_96 = arith.index_cast %scan3A_91 : i32 to index
          %get3A_97 = arith.constant 64 : index
          %get3A_98 = tpu.vector_load %arg10[%get3A_96, %get3A_97] {strides = array<i32>} : memref<128x128xf32, #tpu.memory_space<vmem>>, vector<1x16xf32>,
          %get3A_99 = vector.shape_cast %get3A_98 : vector<1x16xf32> to vector<16xf32>
          %get3A_100 = arith.index_cast %scan3A_91 : i32 to index
          %get3A_101 = arith.constant 0 : index
          %get3A_102 = tpu.vector_load %arg11[%get3A_100, %get3A_101] {strides = array<i32>} : memref<128x128xf32, #tpu.memory_space<vmem>>, vector<1x16xf32>,
          %get3A_103 = vector.shape_cast %get3A_102 : vector<1x16xf32> to vector<16xf32>
          %get3A_104 = arith.index_cast %scan3A_91 : i32 to index
          %get3A_105 = arith.constant 0 : index
          %get3A_106 = tpu.vector_load %arg12[%get3A_104, %get3A_105] {strides = array<i32>} : memref<128x64xf32, #tpu.memory_space<vmem>>, vector<1x16xf32>,
          %get3A_107 = vector.shape_cast %get3A_106 : vector<1x16xf32> to vector<16xf32>
          %add3A_108 = arith.addf %get3A_95, %get3A_103 : vector<16xf32>
          %add3A_109 = arith.addf %add3A_108, %get3A_107 : vector<16xf32>
          %neg3A = arith.constant 0.000000e+00 : f32
          %neg3A_110 = vector.broadcast %neg3A : f32 to vector<16xf32>
          %neg3A_111 = arith.subf %neg3A_110, %add3A_109 : vector<16xf32>
          %exp3A = math.exp %neg3A_111 : vector<16xf32>
          %add3A_112 = arith.constant 1.000000e+00 : f32
          %add3A_113 = vector.broadcast %add3A_112 : f32 to vector<16xf32>
          %add3A_114 = arith.addf %add3A_113, %exp3A : vector<16xf32>
          %div3A = arith.constant 1.000000e+00 : f32
          %div3A_115 = vector.broadcast %div3A : f32 to vector<16xf32>
          %div3A_116 = arith.divf %div3A_115, %add3A_114 : vector<16xf32>
          %swap3A = arith.index_cast %scan3A_91 : i32 to index
          %swap3A_117 = arith.constant 64 : index
          %swap3A_118 = tpu.vector_load %arg10[%swap3A, %swap3A_117] {strides = array<i32>} : memref<128x128xf32, #tpu.memory_space<vmem>>, vector<1x16xf32>,
          %swap3A_119 = vector.shape_cast %swap3A_118 : vector<1x16xf32> to vector<16xf32>
          %swap3A_120 = vector.shape_cast %div3A_116 : vector<16xf32> to vector<1x16xf32>
          tpu.vector_store %arg10[%swap3A, %swap3A_117], %swap3A_120 {strides = array<i32>} : memref<128x128xf32, #tpu.memory_space<vmem>>, vector<1x16xf32>,
          %mul3A_121 = arith.mulf %div3A_116, %get3A_99 : vector<16xf32>
          %swap3A_122 = arith.index_cast %scan3A_91 : i32 to index
          %swap3A_123 = arith.constant 0 : index
          %swap3A_124 = tpu.vector_load %arg10[%swap3A_122, %swap3A_123] {strides = array<i32>} : memref<128x128xf32, #tpu.memory_space<vmem>>, vector<1x16xf32>,
          %swap3A_125 = vector.shape_cast %swap3A_124 : vector<1x16xf32> to vector<16xf32>
          %swap3A_126 = vector.shape_cast %mul3A_121 : vector<16xf32> to vector<1x16xf32>
          tpu.vector_store %arg10[%swap3A_122, %swap3A_123], %swap3A_126 {strides = array<i32>} : memref<128x128xf32, #tpu.memory_space<vmem>>, vector<1x16xf32>,
          %get3A_127 = arith.index_cast %scan3A_91 : i32 to index
          %get3A_128 = arith.constant 16 : index
          %get3A_129 = tpu.vector_load %arg10[%get3A_127, %get3A_128] {strides = array<i32>} : memref<128x128xf32, #tpu.memory_space<vmem>>, vector<1x16xf32>,
          %get3A_130 = vector.shape_cast %get3A_129 : vector<1x16xf32> to vector<16xf32>
          %get3A_131 = arith.index_cast %scan3A_91 : i32 to index
          %get3A_132 = arith.constant 80 : index
          %get3A_133 = tpu.vector_load %arg10[%get3A_131, %get3A_132] {strides = array<i32>} : memref<128x128xf32, #tpu.memory_space<vmem>>, vector<1x16xf32>,
          %get3A_134 = vector.shape_cast %get3A_133 : vector<1x16xf32> to vector<16xf32>
          %get3A_135 = arith.index_cast %scan3A_91 : i32 to index
          %get3A_136 = arith.constant 16 : index
          %get3A_137 = tpu.vector_load %arg11[%get3A_135, %get3A_136] {strides = array<i32>} : memref<128x128xf32, #tpu.memory_space<vmem>>, vector<1x16xf32>,
          %get3A_138 = vector.shape_cast %get3A_137 : vector<1x16xf32> to vector<16xf32>
          %get3A_139 = arith.index_cast %scan3A_91 : i32 to index
          %get3A_140 = arith.constant 16 : index
          %get3A_141 = tpu.vector_load %arg12[%get3A_139, %get3A_140] {strides = array<i32>} : memref<128x64xf32, #tpu.memory_space<vmem>>, vector<1x16xf32>,
          %get3A_142 = vector.shape_cast %get3A_141 : vector<1x16xf32> to vector<16xf32>
          %add3A_143 = arith.addf %get3A_130, %get3A_138 : vector<16xf32>
          %add3A_144 = arith.addf %add3A_143, %get3A_142 : vector<16xf32>
          %neg3A_145 = arith.constant 0.000000e+00 : f32
          %neg3A_146 = vector.broadcast %neg3A_145 : f32 to vector<16xf32>
          %neg3A_147 = arith.subf %neg3A_146, %add3A_144 : vector<16xf32>
          %exp3A_148 = math.exp %neg3A_147 : vector<16xf32>
          %add3A_149 = arith.constant 1.000000e+00 : f32
          %add3A_150 = vector.broadcast %add3A_149 : f32 to vector<16xf32>
          %add3A_151 = arith.addf %add3A_150, %exp3A_148 : vector<16xf32>
          %div3A_152 = arith.constant 1.000000e+00 : f32
          %div3A_153 = vector.broadcast %div3A_152 : f32 to vector<16xf32>
          %div3A_154 = arith.divf %div3A_153, %add3A_151 : vector<16xf32>
          %swap3A_155 = arith.index_cast %scan3A_91 : i32 to index
          %swap3A_156 = arith.constant 80 : index
          %swap3A_157 = tpu.vector_load %arg10[%swap3A_155, %swap3A_156] {strides = array<i32>} : memref<128x128xf32, #tpu.memory_space<vmem>>, vector<1x16xf32>,
          %swap3A_158 = vector.shape_cast %swap3A_157 : vector<1x16xf32> to vector<16xf32>
          %swap3A_159 = vector.shape_cast %div3A_154 : vector<16xf32> to vector<1x16xf32>
          tpu.vector_store %arg10[%swap3A_155, %swap3A_156], %swap3A_159 {strides = array<i32>} : memref<128x128xf32, #tpu.memory_space<vmem>>, vector<1x16xf32>,
          %mul3A_160 = arith.mulf %div3A_154, %get3A_134 : vector<16xf32>
          %swap3A_161 = arith.index_cast %scan3A_91 : i32 to index
          %swap3A_162 = arith.constant 16 : index
          %swap3A_163 = tpu.vector_load %arg10[%swap3A_161, %swap3A_162] {strides = array<i32>} : memref<128x128xf32, #tpu.memory_space<vmem>>, vector<1x16xf32>,
          %swap3A_164 = vector.shape_cast %swap3A_163 : vector<1x16xf32> to vector<16xf32>
          %swap3A_165 = vector.shape_cast %mul3A_160 : vector<16xf32> to vector<1x16xf32>
          tpu.vector_store %arg10[%swap3A_161, %swap3A_162], %swap3A_165 {strides = array<i32>} : memref<128x128xf32, #tpu.memory_space<vmem>>, vector<1x16xf32>,
          %get3A_166 = arith.index_cast %scan3A_91 : i32 to index
          %get3A_167 = arith.constant 32 : index
          %get3A_168 = tpu.vector_load %arg10[%get3A_166, %get3A_167] {strides = array<i32>} : memref<128x128xf32, #tpu.memory_space<vmem>>, vector<1x16xf32>,
          %get3A_169 = vector.shape_cast %get3A_168 : vector<1x16xf32> to vector<16xf32>
          %get3A_170 = arith.index_cast %scan3A_91 : i32 to index
          %get3A_171 = arith.constant 96 : index
          %get3A_172 = tpu.vector_load %arg10[%get3A_170, %get3A_171] {strides = array<i32>} : memref<128x128xf32, #tpu.memory_space<vmem>>, vector<1x16xf32>,
          %get3A_173 = vector.shape_cast %get3A_172 : vector<1x16xf32> to vector<16xf32>
          %get3A_174 = arith.index_cast %scan3A_91 : i32 to index
          %get3A_175 = arith.constant 32 : index
          %get3A_176 = tpu.vector_load %arg11[%get3A_174, %get3A_175] {strides = array<i32>} : memref<128x128xf32, #tpu.memory_space<vmem>>, vector<1x16xf32>,
          %get3A_177 = vector.shape_cast %get3A_176 : vector<1x16xf32> to vector<16xf32>
          %get3A_178 = arith.index_cast %scan3A_91 : i32 to index
          %get3A_179 = arith.constant 32 : index
          %get3A_180 = tpu.vector_load %arg12[%get3A_178, %get3A_179] {strides = array<i32>} : memref<128x64xf32, #tpu.memory_space<vmem>>, vector<1x16xf32>,
          %get3A_181 = vector.shape_cast %get3A_180 : vector<1x16xf32> to vector<16xf32>
          %add3A_182 = arith.addf %get3A_169, %get3A_177 : vector<16xf32>
          %add3A_183 = arith.addf %add3A_182, %get3A_181 : vector<16xf32>
          %neg3A_184 = arith.constant 0.000000e+00 : f32
          %neg3A_185 = vector.broadcast %neg3A_184 : f32 to vector<16xf32>
          %neg3A_186 = arith.subf %neg3A_185, %add3A_183 : vector<16xf32>
          %exp3A_187 = math.exp %neg3A_186 : vector<16xf32>
          %add3A_188 = arith.constant 1.000000e+00 : f32
          %add3A_189 = vector.broadcast %add3A_188 : f32 to vector<16xf32>
          %add3A_190 = arith.addf %add3A_189, %exp3A_187 : vector<16xf32>
          %div3A_191 = arith.constant 1.000000e+00 : f32
          %div3A_192 = vector.broadcast %div3A_191 : f32 to vector<16xf32>
          %div3A_193 = arith.divf %div3A_192, %add3A_190 : vector<16xf32>
          %swap3A_194 = arith.index_cast %scan3A_91 : i32 to index
          %swap3A_195 = arith.constant 96 : index
          %swap3A_196 = tpu.vector_load %arg10[%swap3A_194, %swap3A_195] {strides = array<i32>} : memref<128x128xf32, #tpu.memory_space<vmem>>, vector<1x16xf32>,
          %swap3A_197 = vector.shape_cast %swap3A_196 : vector<1x16xf32> to vector<16xf32>
          %swap3A_198 = vector.shape_cast %div3A_193 : vector<16xf32> to vector<1x16xf32>
          tpu.vector_store %arg10[%swap3A_194, %swap3A_195], %swap3A_198 {strides = array<i32>} : memref<128x128xf32, #tpu.memory_space<vmem>>, vector<1x16xf32>,
          %mul3A_199 = arith.mulf %div3A_193, %get3A_173 : vector<16xf32>
          %swap3A_200 = arith.index_cast %scan3A_91 : i32 to index
          %swap3A_201 = arith.constant 32 : index
          %swap3A_202 = tpu.vector_load %arg10[%swap3A_200, %swap3A_201] {strides = array<i32>} : memref<128x128xf32, #tpu.memory_space<vmem>>, vector<1x16xf32>,
          %swap3A_203 = vector.shape_cast %swap3A_202 : vector<1x16xf32> to vector<16xf32>
          %swap3A_204 = vector.shape_cast %mul3A_199 : vector<16xf32> to vector<1x16xf32>
          tpu.vector_store %arg10[%swap3A_200, %swap3A_201], %swap3A_204 {strides = array<i32>} : memref<128x128xf32, #tpu.memory_space<vmem>>, vector<1x16xf32>,
          %get3A_205 = arith.index_cast %scan3A_91 : i32 to index
          %get3A_206 = arith.constant 48 : index
          %get3A_207 = tpu.vector_load %arg10[%get3A_205, %get3A_206] {strides = array<i32>} : memref<128x128xf32, #tpu.memory_space<vmem>>, vector<1x16xf32>,
          %get3A_208 = vector.shape_cast %get3A_207 : vector<1x16xf32> to vector<16xf32>
          %get3A_209 = arith.index_cast %scan3A_91 : i32 to index
          %get3A_210 = arith.constant 112 : index
          %get3A_211 = tpu.vector_load %arg10[%get3A_209, %get3A_210] {strides = array<i32>} : memref<128x128xf32, #tpu.memory_space<vmem>>, vector<1x16xf32>,
          %get3A_212 = vector.shape_cast %get3A_211 : vector<1x16xf32> to vector<16xf32>
          %get3A_213 = arith.index_cast %scan3A_91 : i32 to index
          %get3A_214 = arith.constant 48 : index
          %get3A_215 = tpu.vector_load %arg11[%get3A_213, %get3A_214] {strides = array<i32>} : memref<128x128xf32, #tpu.memory_space<vmem>>, vector<1x16xf32>,
          %get3A_216 = vector.shape_cast %get3A_215 : vector<1x16xf32> to vector<16xf32>
          %get3A_217 = arith.index_cast %scan3A_91 : i32 to index
          %get3A_218 = arith.constant 48 : index
          %get3A_219 = tpu.vector_load %arg12[%get3A_217, %get3A_218] {strides = array<i32>} : memref<128x64xf32, #tpu.memory_space<vmem>>, vector<1x16xf32>,
          %get3A_220 = vector.shape_cast %get3A_219 : vector<1x16xf32> to vector<16xf32>
          %add3A_221 = arith.addf %get3A_208, %get3A_216 : vector<16xf32>
          %add3A_222 = arith.addf %add3A_221, %get3A_220 : vector<16xf32>
          %neg3A_223 = arith.constant 0.000000e+00 : f32
          %neg3A_224 = vector.broadcast %neg3A_223 : f32 to vector<16xf32>
          %neg3A_225 = arith.subf %neg3A_224, %add3A_222 : vector<16xf32>
          %exp3A_226 = math.exp %neg3A_225 : vector<16xf32>
          %add3A_227 = arith.constant 1.000000e+00 : f32
          %add3A_228 = vector.broadcast %add3A_227 : f32 to vector<16xf32>
          %add3A_229 = arith.addf %add3A_228, %exp3A_226 : vector<16xf32>
          %div3A_230 = arith.constant 1.000000e+00 : f32
          %div3A_231 = vector.broadcast %div3A_230 : f32 to vector<16xf32>
          %div3A_232 = arith.divf %div3A_231, %add3A_229 : vector<16xf32>
          %swap3A_233 = arith.index_cast %scan3A_91 : i32 to index
          %swap3A_234 = arith.constant 112 : index
          %swap3A_235 = tpu.vector_load %arg10[%swap3A_233, %swap3A_234] {strides = array<i32>} : memref<128x128xf32, #tpu.memory_space<vmem>>, vector<1x16xf32>,
          %swap3A_236 = vector.shape_cast %swap3A_235 : vector<1x16xf32> to vector<16xf32>
          %swap3A_237 = vector.shape_cast %div3A_232 : vector<16xf32> to vector<1x16xf32>
          tpu.vector_store %arg10[%swap3A_233, %swap3A_234], %swap3A_237 {strides = array<i32>} : memref<128x128xf32, #tpu.memory_space<vmem>>, vector<1x16xf32>,
          %mul3A_238 = arith.mulf %div3A_232, %get3A_212 : vector<16xf32>
          %swap3A_239 = arith.index_cast %scan3A_91 : i32 to index
          %swap3A_240 = arith.constant 48 : index
          %swap3A_241 = tpu.vector_load %arg10[%swap3A_239, %swap3A_240] {strides = array<i32>} : memref<128x128xf32, #tpu.memory_space<vmem>>, vector<1x16xf32>,
          %swap3A_242 = vector.shape_cast %swap3A_241 : vector<1x16xf32> to vector<16xf32>
          %swap3A_243 = vector.shape_cast %mul3A_238 : vector<16xf32> to vector<1x16xf32>
          tpu.vector_store %arg10[%swap3A_239, %swap3A_240], %swap3A_243 {strides = array<i32>} : memref<128x128xf32, #tpu.memory_space<vmem>>, vector<1x16xf32>,
          %scan3A_244 = arith.constant 0 : i32
          scf.yield %scan3A_244 : i32
        }
        %scan3A_90 = arith.constant 128 : i32
        "tpu.region"() ({
          %run_scoped3A = tpu.sem_alloc : memref<!tpu.dma_semaphore, #tpu.memory_space<semaphore_mem>>
          %dma_start3A_91 = arith.constant 0 : i32
          %dma_start3A_92 = arith.constant 0 : i32
          %dma_start3A_93 = tpu.memref_slice %arg13[%dma_start3A_91, %dma_start3A_92] : memref<10008x128xf32, #tpu.memory_space<vmem_shared>> -> memref<10008x128xf32, #tpu.memory_space<vmem_shared>>
          tpu.enqueue_indirect_dma source(%arg10 : memref<128x128xf32, #tpu.memory_space<vmem>>) target(%dma_start3A_93 : memref<10008x128xf32, #tpu.memory_space<vmem_shared>>) offsets(%arg9 : memref<128xi32, #tpu.memory_space<vmem>>) semaphore(%run_scoped3A : memref<!tpu.dma_semaphore, #tpu.memory_space<semaphore_mem>>) {add = true}
          %dma_wait3A_94 = arith.constant 0 : i32
          %dma_wait3A_95 = arith.constant 0 : i32
          %dma_wait3A_96 = tpu.memref_slice %arg13[%dma_wait3A_94, %dma_wait3A_95] : memref<10008x128xf32, #tpu.memory_space<vmem_shared>> -> memref<10008x128xf32, #tpu.memory_space<vmem_shared>>
          tpu.wait_indirect_dma semaphore(%run_scoped3A : memref<!tpu.dma_semaphore, #tpu.memory_space<semaphore_mem>>) src(%arg10 : memref<128x128xf32, #tpu.memory_space<vmem>>) dst(%dma_wait3A_96 : memref<10008x128xf32, #tpu.memory_space<vmem_shared>>)
          tpu.yield
        }) : () -> ()
      } else {
      }
      %scan3A_63 = arith.constant 0 : i32
      scf.yield %scan3A_63 : i32
    }
    %scan3A_34 = arith.constant 79 : i32
    %barrier3A_35 = arith.constant 0 : index
    tpu.barrier barrier_id(%barrier3A_35)
    %mul3A_36 = arith.constant 624 : i32
    %mul3A_37 = arith.muli %arg1, %mul3A_36 : i32
    %add3A_38 = arith.constant 0 : i32
    %add3A_39 = arith.addi %mul3A_37, %add3A_38 : i32
    "tpu.region"() ({
      %run_scoped3A = tpu.sem_alloc : memref<!tpu.dma_semaphore, #tpu.memory_space<semaphore_mem>>
      %dma_start3A = arith.constant 0 : i32
      %dma_start3A_56 = arith.constant 0 : i32
      %dma_start3A_57 = tpu.memref_slice %arg10[%dma_start3A, %dma_start3A_56] : memref<128x128xf32, #tpu.memory_space<vmem>> -> memref<128x128xf32, #tpu.memory_space<vmem>>
      %dma_start3A_58 = arith.constant 0 : i32
      %dma_start3A_59 = tpu.memref_slice %arg13[%add3A_39, %dma_start3A_58] : memref<10008x128xf32, #tpu.memory_space<vmem_shared>> -> memref<128x128xf32, #tpu.memory_space<vmem_shared>>
      %dma_start3A_60 = arith.constant 0 : i32
      %dma_start3A_61 = arith.constant 0 : i32
      %dma_start3A_62 = tpu.memref_slice %arg10[%dma_start3A_60, %dma_start3A_61] : memref<128x128xf32, #tpu.memory_space<vmem>> -> memref<128x128xf32, #tpu.memory_space<vmem>>
      %dma_start3A_63 = arith.constant 0 : i32
      %dma_start3A_64 = tpu.memref_slice %arg13[%add3A_39, %dma_start3A_63] : memref<10008x128xf32, #tpu.memory_space<vmem_shared>> -> memref<128x128xf32, #tpu.memory_space<vmem_shared>>
      tpu.enqueue_dma source(%dma_start3A_64 : memref<128x128xf32, #tpu.memory_space<vmem_shared>>) target(%dma_start3A_62 : memref<128x128xf32, #tpu.memory_space<vmem>>) target_semaphore(%run_scoped3A : memref<!tpu.dma_semaphore, #tpu.memory_space<semaphore_mem>>)
      %dma_wait3A = arith.constant 0 : i32
      %dma_wait3A_65 = arith.constant 0 : i32
      %dma_wait3A_66 = tpu.memref_slice %arg10[%dma_wait3A, %dma_wait3A_65] : memref<128x128xf32, #tpu.memory_space<vmem>> -> memref<128x128xf32, #tpu.memory_space<vmem>>
      %dma_wait3A_67 = arith.constant 0 : i32
      %dma_wait3A_68 = tpu.memref_slice %arg13[%add3A_39, %dma_wait3A_67] : memref<10008x128xf32, #tpu.memory_space<vmem_shared>> -> memref<128x128xf32, #tpu.memory_space<vmem_shared>>
      %dma_wait3A_69 = arith.constant 0 : i32
      %dma_wait3A_70 = arith.constant 0 : i32
      %dma_wait3A_71 = tpu.memref_slice %arg10[%dma_wait3A_69, %dma_wait3A_70] : memref<128x128xf32, #tpu.memory_space<vmem>> -> memref<128x128xf32, #tpu.memory_space<vmem>>
      %dma_wait3A_72 = arith.constant 0 : i32
      %dma_wait3A_73 = tpu.memref_slice %arg13[%add3A_39, %dma_wait3A_72] : memref<10008x128xf32, #tpu.memory_space<vmem_shared>> -> memref<128x128xf32, #tpu.memory_space<vmem_shared>>
      tpu.wait_dma2 semaphore(%run_scoped3A : memref<!tpu.dma_semaphore, #tpu.memory_space<semaphore_mem>>) src(%dma_wait3A_73 : memref<128x128xf32, #tpu.memory_space<vmem_shared>>) dst(%dma_wait3A_71 : memref<128x128xf32, #tpu.memory_space<vmem>>)
      tpu.yield
    }) : () -> ()
    "tpu.region"() ({
      %run_scoped3A = tpu.sem_alloc : memref<!tpu.dma_semaphore, #tpu.memory_space<semaphore_mem>>
      %dma_start3A = arith.constant 0 : i32
      %dma_start3A_56 = arith.constant 0 : i32
      %dma_start3A_57 = tpu.memref_slice %arg10[%dma_start3A, %dma_start3A_56] : memref<128x128xf32, #tpu.memory_space<vmem>> -> memref<128x128xf32, #tpu.memory_space<vmem>>
      %dma_start3A_58 = arith.constant 0 : i32
      %dma_start3A_59 = tpu.memref_slice %arg7[%arg0, %add3A_39, %dma_start3A_58] : memref<2x10000x128xf32, #tpu.memory_space<hbm>> -> memref<1x128x128xf32, #tpu.memory_space<hbm>>
      %dma_start3A_60 = tpu.memref_squeeze %dma_start3A_59 : memref<1x128x128xf32, #tpu.memory_space<hbm>> -> memref<128x128xf32, #tpu.memory_space<hbm>>
      %dma_start3A_61 = arith.constant 0 : i32
      %dma_start3A_62 = tpu.memref_slice %arg7[%arg0, %add3A_39, %dma_start3A_61] : memref<2x10000x128xf32, #tpu.memory_space<hbm>> -> memref<1x128x128xf32, #tpu.memory_space<hbm>>
      %dma_start3A_63 = tpu.memref_squeeze %dma_start3A_62 : memref<1x128x128xf32, #tpu.memory_space<hbm>> -> memref<128x128xf32, #tpu.memory_space<hbm>>
      %dma_start3A_64 = arith.constant 0 : i32
      %dma_start3A_65 = arith.constant 0 : i32
      %dma_start3A_66 = tpu.memref_slice %arg10[%dma_start3A_64, %dma_start3A_65] : memref<128x128xf32, #tpu.memory_space<vmem>> -> memref<128x128xf32, #tpu.memory_space<vmem>>
      tpu.enqueue_dma source(%dma_start3A_66 : memref<128x128xf32, #tpu.memory_space<vmem>>) target(%dma_start3A_63 : memref<128x128xf32, #tpu.memory_space<hbm>>) target_semaphore(%run_scoped3A : memref<!tpu.dma_semaphore, #tpu.memory_space<semaphore_mem>>)
      %dma_wait3A = arith.constant 0 : i32
      %dma_wait3A_67 = arith.constant 0 : i32
      %dma_wait3A_68 = tpu.memref_slice %arg10[%dma_wait3A, %dma_wait3A_67] : memref<128x128xf32, #tpu.memory_space<vmem>> -> memref<128x128xf32, #tpu.memory_space<vmem>>
      %dma_wait3A_69 = arith.constant 0 : i32
      %dma_wait3A_70 = tpu.memref_slice %arg7[%arg0, %add3A_39, %dma_wait3A_69] : memref<2x10000x128xf32, #tpu.memory_space<hbm>> -> memref<1x128x128xf32, #tpu.memory_space<hbm>>
      %dma_wait3A_71 = tpu.memref_squeeze %dma_wait3A_70 : memref<1x128x128xf32, #tpu.memory_space<hbm>> -> memref<128x128xf32, #tpu.memory_space<hbm>>
      %dma_wait3A_72 = arith.constant 0 : i32
      %dma_wait3A_73 = tpu.memref_slice %arg7[%arg0, %add3A_39, %dma_wait3A_72] : memref<2x10000x128xf32, #tpu.memory_space<hbm>> -> memref<1x128x128xf32, #tpu.memory_space<hbm>>
      %dma_wait3A_74 = tpu.memref_squeeze %dma_wait3A_73 : memref<1x128x128xf32, #tpu.memory_space<hbm>> -> memref<128x128xf32, #tpu.memory_space<hbm>>
      %dma_wait3A_75 = arith.constant 0 : i32
      %dma_wait3A_76 = arith.constant 0 : i32
      %dma_wait3A_77 = tpu.memref_slice %arg10[%dma_wait3A_75, %dma_wait3A_76] : memref<128x128xf32, #tpu.memory_space<vmem>> -> memref<128x128xf32, #tpu.memory_space<vmem>>
      tpu.wait_dma2 semaphore(%run_scoped3A : memref<!tpu.dma_semaphore, #tpu.memory_space<semaphore_mem>>) src(%dma_wait3A_77 : memref<128x128xf32, #tpu.memory_space<vmem>>) dst(%dma_wait3A_74 : memref<128x128xf32, #tpu.memory_space<hbm>>)
      tpu.yield
    }) : () -> ()
    %mul3A_40 = arith.constant 624 : i32
    %mul3A_41 = arith.muli %arg1, %mul3A_40 : i32
    %add3A_42 = arith.constant 128 : i32
    %add3A_43 = arith.addi %mul3A_41, %add3A_42 : i32
    "tpu.region"() ({
      %run_scoped3A = tpu.sem_alloc : memref<!tpu.dma_semaphore, #tpu.memory_space<semaphore_mem>>
      %dma_start3A = arith.constant 0 : i32
      %dma_start3A_56 = arith.constant 0 : i32
      %dma_start3A_57 = tpu.memref_slice %arg10[%dma_start3A, %dma_start3A_56] : memref<128x128xf32, #tpu.memory_space<vmem>> -> memref<128x128xf32, #tpu.memory_space<vmem>>
      %dma_start3A_58 = arith.constant 0 : i32
      %dma_start3A_59 = tpu.memref_slice %arg13[%add3A_43, %dma_start3A_58] : memref<10008x128xf32, #tpu.memory_space<vmem_shared>> -> memref<128x128xf32, #tpu.memory_space<vmem_shared>>
      %dma_start3A_60 = arith.constant 0 : i32
      %dma_start3A_61 = arith.constant 0 : i32
      %dma_start3A_62 = tpu.memref_slice %arg10[%dma_start3A_60, %dma_start3A_61] : memref<128x128xf32, #tpu.memory_space<vmem>> -> memref<128x128xf32, #tpu.memory_space<vmem>>
      %dma_start3A_63 = arith.constant 0 : i32
      %dma_start3A_64 = tpu.memref_slice %arg13[%add3A_43, %dma_start3A_63] : memref<10008x128xf32, #tpu.memory_space<vmem_shared>> -> memref<128x128xf32, #tpu.memory_space<vmem_shared>>
      tpu.enqueue_dma source(%dma_start3A_64 : memref<128x128xf32, #tpu.memory_space<vmem_shared>>) target(%dma_start3A_62 : memref<128x128xf32, #tpu.memory_space<vmem>>) target_semaphore(%run_scoped3A : memref<!tpu.dma_semaphore, #tpu.memory_space<semaphore_mem>>)
      %dma_wait3A = arith.constant 0 : i32
      %dma_wait3A_65 = arith.constant 0 : i32
      %dma_wait3A_66 = tpu.memref_slice %arg10[%dma_wait3A, %dma_wait3A_65] : memref<128x128xf32, #tpu.memory_space<vmem>> -> memref<128x128xf32, #tpu.memory_space<vmem>>
      %dma_wait3A_67 = arith.constant 0 : i32
      %dma_wait3A_68 = tpu.memref_slice %arg13[%add3A_43, %dma_wait3A_67] : memref<10008x128xf32, #tpu.memory_space<vmem_shared>> -> memref<128x128xf32, #tpu.memory_space<vmem_shared>>
      %dma_wait3A_69 = arith.constant 0 : i32
      %dma_wait3A_70 = arith.constant 0 : i32
      %dma_wait3A_71 = tpu.memref_slice %arg10[%dma_wait3A_69, %dma_wait3A_70] : memref<128x128xf32, #tpu.memory_space<vmem>> -> memref<128x128xf32, #tpu.memory_space<vmem>>
      %dma_wait3A_72 = arith.constant 0 : i32
      %dma_wait3A_73 = tpu.memref_slice %arg13[%add3A_43, %dma_wait3A_72] : memref<10008x128xf32, #tpu.memory_space<vmem_shared>> -> memref<128x128xf32, #tpu.memory_space<vmem_shared>>
      tpu.wait_dma2 semaphore(%run_scoped3A : memref<!tpu.dma_semaphore, #tpu.memory_space<semaphore_mem>>) src(%dma_wait3A_73 : memref<128x128xf32, #tpu.memory_space<vmem_shared>>) dst(%dma_wait3A_71 : memref<128x128xf32, #tpu.memory_space<vmem>>)
      tpu.yield
    }) : () -> ()
    "tpu.region"() ({
      %run_scoped3A = tpu.sem_alloc : memref<!tpu.dma_semaphore, #tpu.memory_space<semaphore_mem>>
      %dma_start3A = arith.constant 0 : i32
      %dma_start3A_56 = arith.constant 0 : i32
      %dma_start3A_57 = tpu.memref_slice %arg10[%dma_start3A, %dma_start3A_56] : memref<128x128xf32, #tpu.memory_space<vmem>> -> memref<128x128xf32, #tpu.memory_space<vmem>>
      %dma_start3A_58 = arith.constant 0 : i32
      %dma_start3A_59 = tpu.memref_slice %arg7[%arg0, %add3A_43, %dma_start3A_58] : memref<2x10000x128xf32, #tpu.memory_space<hbm>> -> memref<1x128x128xf32, #tpu.memory_space<hbm>>
      %dma_start3A_60 = tpu.memref_squeeze %dma_start3A_59 : memref<1x128x128xf32, #tpu.memory_space<hbm>> -> memref<128x128xf32, #tpu.memory_space<hbm>>
      %dma_start3A_61 = arith.constant 0 : i32
      %dma_start3A_62 = tpu.memref_slice %arg7[%arg0, %add3A_43, %dma_start3A_61] : memref<2x10000x128xf32, #tpu.memory_space<hbm>> -> memref<1x128x128xf32, #tpu.memory_space<hbm>>
      %dma_start3A_63 = tpu.memref_squeeze %dma_start3A_62 : memref<1x128x128xf32, #tpu.memory_space<hbm>> -> memref<128x128xf32, #tpu.memory_space<hbm>>
      %dma_start3A_64 = arith.constant 0 : i32
      %dma_start3A_65 = arith.constant 0 : i32
      %dma_start3A_66 = tpu.memref_slice %arg10[%dma_start3A_64, %dma_start3A_65] : memref<128x128xf32, #tpu.memory_space<vmem>> -> memref<128x128xf32, #tpu.memory_space<vmem>>
      tpu.enqueue_dma source(%dma_start3A_66 : memref<128x128xf32, #tpu.memory_space<vmem>>) target(%dma_start3A_63 : memref<128x128xf32, #tpu.memory_space<hbm>>) target_semaphore(%run_scoped3A : memref<!tpu.dma_semaphore, #tpu.memory_space<semaphore_mem>>)
      %dma_wait3A = arith.constant 0 : i32
      %dma_wait3A_67 = arith.constant 0 : i32
      %dma_wait3A_68 = tpu.memref_slice %arg10[%dma_wait3A, %dma_wait3A_67] : memref<128x128xf32, #tpu.memory_space<vmem>> -> memref<128x128xf32, #tpu.memory_space<vmem>>
      %dma_wait3A_69 = arith.constant 0 : i32
      %dma_wait3A_70 = tpu.memref_slice %arg7[%arg0, %add3A_43, %dma_wait3A_69] : memref<2x10000x128xf32, #tpu.memory_space<hbm>> -> memref<1x128x128xf32, #tpu.memory_space<hbm>>
      %dma_wait3A_71 = tpu.memref_squeeze %dma_wait3A_70 : memref<1x128x128xf32, #tpu.memory_space<hbm>> -> memref<128x128xf32, #tpu.memory_space<hbm>>
      %dma_wait3A_72 = arith.constant 0 : i32
      %dma_wait3A_73 = tpu.memref_slice %arg7[%arg0, %add3A_43, %dma_wait3A_72] : memref<2x10000x128xf32, #tpu.memory_space<hbm>> -> memref<1x128x128xf32, #tpu.memory_space<hbm>>
      %dma_wait3A_74 = tpu.memref_squeeze %dma_wait3A_73 : memref<1x128x128xf32, #tpu.memory_space<hbm>> -> memref<128x128xf32, #tpu.memory_space<hbm>>
      %dma_wait3A_75 = arith.constant 0 : i32
      %dma_wait3A_76 = arith.constant 0 : i32
      %dma_wait3A_77 = tpu.memref_slice %arg10[%dma_wait3A_75, %dma_wait3A_76] : memref<128x128xf32, #tpu.memory_space<vmem>> -> memref<128x128xf32, #tpu.memory_space<vmem>>
      tpu.wait_dma2 semaphore(%run_scoped3A : memref<!tpu.dma_semaphore, #tpu.memory_space<semaphore_mem>>) src(%dma_wait3A_77 : memref<128x128xf32, #tpu.memory_space<vmem>>) dst(%dma_wait3A_74 : memref<128x128xf32, #tpu.memory_space<hbm>>)
      tpu.yield
    }) : () -> ()
    %mul3A_44 = arith.constant 624 : i32
    %mul3A_45 = arith.muli %arg1, %mul3A_44 : i32
    %add3A_46 = arith.constant 256 : i32
    %add3A_47 = arith.addi %mul3A_45, %add3A_46 : i32
    "tpu.region"() ({
      %run_scoped3A = tpu.sem_alloc : memref<!tpu.dma_semaphore, #tpu.memory_space<semaphore_mem>>
      %dma_start3A = arith.constant 0 : i32
      %dma_start3A_56 = arith.constant 0 : i32
      %dma_start3A_57 = tpu.memref_slice %arg10[%dma_start3A, %dma_start3A_56] : memref<128x128xf32, #tpu.memory_space<vmem>> -> memref<128x128xf32, #tpu.memory_space<vmem>>
      %dma_start3A_58 = arith.constant 0 : i32
      %dma_start3A_59 = tpu.memref_slice %arg13[%add3A_47, %dma_start3A_58] : memref<10008x128xf32, #tpu.memory_space<vmem_shared>> -> memref<128x128xf32, #tpu.memory_space<vmem_shared>>
      %dma_start3A_60 = arith.constant 0 : i32
      %dma_start3A_61 = arith.constant 0 : i32
      %dma_start3A_62 = tpu.memref_slice %arg10[%dma_start3A_60, %dma_start3A_61] : memref<128x128xf32, #tpu.memory_space<vmem>> -> memref<128x128xf32, #tpu.memory_space<vmem>>
      %dma_start3A_63 = arith.constant 0 : i32
      %dma_start3A_64 = tpu.memref_slice %arg13[%add3A_47, %dma_start3A_63] : memref<10008x128xf32, #tpu.memory_space<vmem_shared>> -> memref<128x128xf32, #tpu.memory_space<vmem_shared>>
      tpu.enqueue_dma source(%dma_start3A_64 : memref<128x128xf32, #tpu.memory_space<vmem_shared>>) target(%dma_start3A_62 : memref<128x128xf32, #tpu.memory_space<vmem>>) target_semaphore(%run_scoped3A : memref<!tpu.dma_semaphore, #tpu.memory_space<semaphore_mem>>)
      %dma_wait3A = arith.constant 0 : i32
      %dma_wait3A_65 = arith.constant 0 : i32
      %dma_wait3A_66 = tpu.memref_slice %arg10[%dma_wait3A, %dma_wait3A_65] : memref<128x128xf32, #tpu.memory_space<vmem>> -> memref<128x128xf32, #tpu.memory_space<vmem>>
      %dma_wait3A_67 = arith.constant 0 : i32
      %dma_wait3A_68 = tpu.memref_slice %arg13[%add3A_47, %dma_wait3A_67] : memref<10008x128xf32, #tpu.memory_space<vmem_shared>> -> memref<128x128xf32, #tpu.memory_space<vmem_shared>>
      %dma_wait3A_69 = arith.constant 0 : i32
      %dma_wait3A_70 = arith.constant 0 : i32
      %dma_wait3A_71 = tpu.memref_slice %arg10[%dma_wait3A_69, %dma_wait3A_70] : memref<128x128xf32, #tpu.memory_space<vmem>> -> memref<128x128xf32, #tpu.memory_space<vmem>>
      %dma_wait3A_72 = arith.constant 0 : i32
      %dma_wait3A_73 = tpu.memref_slice %arg13[%add3A_47, %dma_wait3A_72] : memref<10008x128xf32, #tpu.memory_space<vmem_shared>> -> memref<128x128xf32, #tpu.memory_space<vmem_shared>>
      tpu.wait_dma2 semaphore(%run_scoped3A : memref<!tpu.dma_semaphore, #tpu.memory_space<semaphore_mem>>) src(%dma_wait3A_73 : memref<128x128xf32, #tpu.memory_space<vmem_shared>>) dst(%dma_wait3A_71 : memref<128x128xf32, #tpu.memory_space<vmem>>)
      tpu.yield
    }) : () -> ()
    "tpu.region"() ({
      %run_scoped3A = tpu.sem_alloc : memref<!tpu.dma_semaphore, #tpu.memory_space<semaphore_mem>>
      %dma_start3A = arith.constant 0 : i32
      %dma_start3A_56 = arith.constant 0 : i32
      %dma_start3A_57 = tpu.memref_slice %arg10[%dma_start3A, %dma_start3A_56] : memref<128x128xf32, #tpu.memory_space<vmem>> -> memref<128x128xf32, #tpu.memory_space<vmem>>
      %dma_start3A_58 = arith.constant 0 : i32
      %dma_start3A_59 = tpu.memref_slice %arg7[%arg0, %add3A_47, %dma_start3A_58] : memref<2x10000x128xf32, #tpu.memory_space<hbm>> -> memref<1x128x128xf32, #tpu.memory_space<hbm>>
      %dma_start3A_60 = tpu.memref_squeeze %dma_start3A_59 : memref<1x128x128xf32, #tpu.memory_space<hbm>> -> memref<128x128xf32, #tpu.memory_space<hbm>>
      %dma_start3A_61 = arith.constant 0 : i32
      %dma_start3A_62 = tpu.memref_slice %arg7[%arg0, %add3A_47, %dma_start3A_61] : memref<2x10000x128xf32, #tpu.memory_space<hbm>> -> memref<1x128x128xf32, #tpu.memory_space<hbm>>
      %dma_start3A_63 = tpu.memref_squeeze %dma_start3A_62 : memref<1x128x128xf32, #tpu.memory_space<hbm>> -> memref<128x128xf32, #tpu.memory_space<hbm>>
      %dma_start3A_64 = arith.constant 0 : i32
      %dma_start3A_65 = arith.constant 0 : i32
      %dma_start3A_66 = tpu.memref_slice %arg10[%dma_start3A_64, %dma_start3A_65] : memref<128x128xf32, #tpu.memory_space<vmem>> -> memref<128x128xf32, #tpu.memory_space<vmem>>
      tpu.enqueue_dma source(%dma_start3A_66 : memref<128x128xf32, #tpu.memory_space<vmem>>) target(%dma_start3A_63 : memref<128x128xf32, #tpu.memory_space<hbm>>) target_semaphore(%run_scoped3A : memref<!tpu.dma_semaphore, #tpu.memory_space<semaphore_mem>>)
      %dma_wait3A = arith.constant 0 : i32
      %dma_wait3A_67 = arith.constant 0 : i32
      %dma_wait3A_68 = tpu.memref_slice %arg10[%dma_wait3A, %dma_wait3A_67] : memref<128x128xf32, #tpu.memory_space<vmem>> -> memref<128x128xf32, #tpu.memory_space<vmem>>
      %dma_wait3A_69 = arith.constant 0 : i32
      %dma_wait3A_70 = tpu.memref_slice %arg7[%arg0, %add3A_47, %dma_wait3A_69] : memref<2x10000x128xf32, #tpu.memory_space<hbm>> -> memref<1x128x128xf32, #tpu.memory_space<hbm>>
      %dma_wait3A_71 = tpu.memref_squeeze %dma_wait3A_70 : memref<1x128x128xf32, #tpu.memory_space<hbm>> -> memref<128x128xf32, #tpu.memory_space<hbm>>
      %dma_wait3A_72 = arith.constant 0 : i32
      %dma_wait3A_73 = tpu.memref_slice %arg7[%arg0, %add3A_47, %dma_wait3A_72] : memref<2x10000x128xf32, #tpu.memory_space<hbm>> -> memref<1x128x128xf32, #tpu.memory_space<hbm>>
      %dma_wait3A_74 = tpu.memref_squeeze %dma_wait3A_73 : memref<1x128x128xf32, #tpu.memory_space<hbm>> -> memref<128x128xf32, #tpu.memory_space<hbm>>
      %dma_wait3A_75 = arith.constant 0 : i32
      %dma_wait3A_76 = arith.constant 0 : i32
      %dma_wait3A_77 = tpu.memref_slice %arg10[%dma_wait3A_75, %dma_wait3A_76] : memref<128x128xf32, #tpu.memory_space<vmem>> -> memref<128x128xf32, #tpu.memory_space<vmem>>
      tpu.wait_dma2 semaphore(%run_scoped3A : memref<!tpu.dma_semaphore, #tpu.memory_space<semaphore_mem>>) src(%dma_wait3A_77 : memref<128x128xf32, #tpu.memory_space<vmem>>) dst(%dma_wait3A_74 : memref<128x128xf32, #tpu.memory_space<hbm>>)
      tpu.yield
    }) : () -> ()
    %mul3A_48 = arith.constant 624 : i32
    %mul3A_49 = arith.muli %arg1, %mul3A_48 : i32
    %add3A_50 = arith.constant 384 : i32
    %add3A_51 = arith.addi %mul3A_49, %add3A_50 : i32
    "tpu.region"() ({
      %run_scoped3A = tpu.sem_alloc : memref<!tpu.dma_semaphore, #tpu.memory_space<semaphore_mem>>
      %dma_start3A = arith.constant 0 : i32
      %dma_start3A_56 = arith.constant 0 : i32
      %dma_start3A_57 = tpu.memref_slice %arg10[%dma_start3A, %dma_start3A_56] : memref<128x128xf32, #tpu.memory_space<vmem>> -> memref<128x128xf32, #tpu.memory_space<vmem>>
      %dma_start3A_58 = arith.constant 0 : i32
      %dma_start3A_59 = tpu.memref_slice %arg13[%add3A_51, %dma_start3A_58] : memref<10008x128xf32, #tpu.memory_space<vmem_shared>> -> memref<128x128xf32, #tpu.memory_space<vmem_shared>>
      %dma_start3A_60 = arith.constant 0 : i32
      %dma_start3A_61 = arith.constant 0 : i32
      %dma_start3A_62 = tpu.memref_slice %arg10[%dma_start3A_60, %dma_start3A_61] : memref<128x128xf32, #tpu.memory_space<vmem>> -> memref<128x128xf32, #tpu.memory_space<vmem>>
      %dma_start3A_63 = arith.constant 0 : i32
      %dma_start3A_64 = tpu.memref_slice %arg13[%add3A_51, %dma_start3A_63] : memref<10008x128xf32, #tpu.memory_space<vmem_shared>> -> memref<128x128xf32, #tpu.memory_space<vmem_shared>>
      tpu.enqueue_dma source(%dma_start3A_64 : memref<128x128xf32, #tpu.memory_space<vmem_shared>>) target(%dma_start3A_62 : memref<128x128xf32, #tpu.memory_space<vmem>>) target_semaphore(%run_scoped3A : memref<!tpu.dma_semaphore, #tpu.memory_space<semaphore_mem>>)
      %dma_wait3A = arith.constant 0 : i32
      %dma_wait3A_65 = arith.constant 0 : i32
      %dma_wait3A_66 = tpu.memref_slice %arg10[%dma_wait3A, %dma_wait3A_65] : memref<128x128xf32, #tpu.memory_space<vmem>> -> memref<128x128xf32, #tpu.memory_space<vmem>>
      %dma_wait3A_67 = arith.constant 0 : i32
      %dma_wait3A_68 = tpu.memref_slice %arg13[%add3A_51, %dma_wait3A_67] : memref<10008x128xf32, #tpu.memory_space<vmem_shared>> -> memref<128x128xf32, #tpu.memory_space<vmem_shared>>
      %dma_wait3A_69 = arith.constant 0 : i32
      %dma_wait3A_70 = arith.constant 0 : i32
      %dma_wait3A_71 = tpu.memref_slice %arg10[%dma_wait3A_69, %dma_wait3A_70] : memref<128x128xf32, #tpu.memory_space<vmem>> -> memref<128x128xf32, #tpu.memory_space<vmem>>
      %dma_wait3A_72 = arith.constant 0 : i32
      %dma_wait3A_73 = tpu.memref_slice %arg13[%add3A_51, %dma_wait3A_72] : memref<10008x128xf32, #tpu.memory_space<vmem_shared>> -> memref<128x128xf32, #tpu.memory_space<vmem_shared>>
      tpu.wait_dma2 semaphore(%run_scoped3A : memref<!tpu.dma_semaphore, #tpu.memory_space<semaphore_mem>>) src(%dma_wait3A_73 : memref<128x128xf32, #tpu.memory_space<vmem_shared>>) dst(%dma_wait3A_71 : memref<128x128xf32, #tpu.memory_space<vmem>>)
      tpu.yield
    }) : () -> ()
    "tpu.region"() ({
      %run_scoped3A = tpu.sem_alloc : memref<!tpu.dma_semaphore, #tpu.memory_space<semaphore_mem>>
      %dma_start3A = arith.constant 0 : i32
      %dma_start3A_56 = arith.constant 0 : i32
      %dma_start3A_57 = tpu.memref_slice %arg10[%dma_start3A, %dma_start3A_56] : memref<128x128xf32, #tpu.memory_space<vmem>> -> memref<128x128xf32, #tpu.memory_space<vmem>>
      %dma_start3A_58 = arith.constant 0 : i32
      %dma_start3A_59 = tpu.memref_slice %arg7[%arg0, %add3A_51, %dma_start3A_58] : memref<2x10000x128xf32, #tpu.memory_space<hbm>> -> memref<1x128x128xf32, #tpu.memory_space<hbm>>
      %dma_start3A_60 = tpu.memref_squeeze %dma_start3A_59 : memref<1x128x128xf32, #tpu.memory_space<hbm>> -> memref<128x128xf32, #tpu.memory_space<hbm>>
      %dma_start3A_61 = arith.constant 0 : i32
      %dma_start3A_62 = tpu.memref_slice %arg7[%arg0, %add3A_51, %dma_start3A_61] : memref<2x10000x128xf32, #tpu.memory_space<hbm>> -> memref<1x128x128xf32, #tpu.memory_space<hbm>>
      %dma_start3A_63 = tpu.memref_squeeze %dma_start3A_62 : memref<1x128x128xf32, #tpu.memory_space<hbm>> -> memref<128x128xf32, #tpu.memory_space<hbm>>
      %dma_start3A_64 = arith.constant 0 : i32
      %dma_start3A_65 = arith.constant 0 : i32
      %dma_start3A_66 = tpu.memref_slice %arg10[%dma_start3A_64, %dma_start3A_65] : memref<128x128xf32, #tpu.memory_space<vmem>> -> memref<128x128xf32, #tpu.memory_space<vmem>>
      tpu.enqueue_dma source(%dma_start3A_66 : memref<128x128xf32, #tpu.memory_space<vmem>>) target(%dma_start3A_63 : memref<128x128xf32, #tpu.memory_space<hbm>>) target_semaphore(%run_scoped3A : memref<!tpu.dma_semaphore, #tpu.memory_space<semaphore_mem>>)
      %dma_wait3A = arith.constant 0 : i32
      %dma_wait3A_67 = arith.constant 0 : i32
      %dma_wait3A_68 = tpu.memref_slice %arg10[%dma_wait3A, %dma_wait3A_67] : memref<128x128xf32, #tpu.memory_space<vmem>> -> memref<128x128xf32, #tpu.memory_space<vmem>>
      %dma_wait3A_69 = arith.constant 0 : i32
      %dma_wait3A_70 = tpu.memref_slice %arg7[%arg0, %add3A_51, %dma_wait3A_69] : memref<2x10000x128xf32, #tpu.memory_space<hbm>> -> memref<1x128x128xf32, #tpu.memory_space<hbm>>
      %dma_wait3A_71 = tpu.memref_squeeze %dma_wait3A_70 : memref<1x128x128xf32, #tpu.memory_space<hbm>> -> memref<128x128xf32, #tpu.memory_space<hbm>>
      %dma_wait3A_72 = arith.constant 0 : i32
      %dma_wait3A_73 = tpu.memref_slice %arg7[%arg0, %add3A_51, %dma_wait3A_72] : memref<2x10000x128xf32, #tpu.memory_space<hbm>> -> memref<1x128x128xf32, #tpu.memory_space<hbm>>
      %dma_wait3A_74 = tpu.memref_squeeze %dma_wait3A_73 : memref<1x128x128xf32, #tpu.memory_space<hbm>> -> memref<128x128xf32, #tpu.memory_space<hbm>>
      %dma_wait3A_75 = arith.constant 0 : i32
      %dma_wait3A_76 = arith.constant 0 : i32
      %dma_wait3A_77 = tpu.memref_slice %arg10[%dma_wait3A_75, %dma_wait3A_76] : memref<128x128xf32, #tpu.memory_space<vmem>> -> memref<128x128xf32, #tpu.memory_space<vmem>>
      tpu.wait_dma2 semaphore(%run_scoped3A : memref<!tpu.dma_semaphore, #tpu.memory_space<semaphore_mem>>) src(%dma_wait3A_77 : memref<128x128xf32, #tpu.memory_space<vmem>>) dst(%dma_wait3A_74 : memref<128x128xf32, #tpu.memory_space<hbm>>)
      tpu.yield
    }) : () -> ()
    %mul3A_52 = arith.constant 624 : i32
    %mul3A_53 = arith.muli %arg1, %mul3A_52 : i32
    %add3A_54 = arith.constant 512 : i32
    %add3A_55 = arith.addi %mul3A_53, %add3A_54 : i32
    "tpu.region"() ({
      %run_scoped3A = tpu.sem_alloc : memref<!tpu.dma_semaphore, #tpu.memory_space<semaphore_mem>>
      %dma_start3A = arith.constant 0 : i32
      %dma_start3A_56 = arith.constant 0 : i32
      %dma_start3A_57 = tpu.memref_slice %arg10[%dma_start3A, %dma_start3A_56] : memref<128x128xf32, #tpu.memory_space<vmem>> -> memref<128x128xf32, #tpu.memory_space<vmem>>
      %dma_start3A_58 = arith.constant 0 : i32
      %dma_start3A_59 = tpu.memref_slice %arg13[%add3A_55, %dma_start3A_58] : memref<10008x128xf32, #tpu.memory_space<vmem_shared>> -> memref<128x128xf32, #tpu.memory_space<vmem_shared>>
      %dma_start3A_60 = arith.constant 0 : i32
      %dma_start3A_61 = arith.constant 0 : i32
      %dma_start3A_62 = tpu.memref_slice %arg10[%dma_start3A_60, %dma_start3A_61] : memref<128x128xf32, #tpu.memory_space<vmem>> -> memref<128x128xf32, #tpu.memory_space<vmem>>
      %dma_start3A_63 = arith.constant 0 : i32
      %dma_start3A_64 = tpu.memref_slice %arg13[%add3A_55, %dma_start3A_63] : memref<10008x128xf32, #tpu.memory_space<vmem_shared>> -> memref<128x128xf32, #tpu.memory_space<vmem_shared>>
      tpu.enqueue_dma source(%dma_start3A_64 : memref<128x128xf32, #tpu.memory_space<vmem_shared>>) target(%dma_start3A_62 : memref<128x128xf32, #tpu.memory_space<vmem>>) target_semaphore(%run_scoped3A : memref<!tpu.dma_semaphore, #tpu.memory_space<semaphore_mem>>)
      %dma_wait3A = arith.constant 0 : i32
      %dma_wait3A_65 = arith.constant 0 : i32
      %dma_wait3A_66 = tpu.memref_slice %arg10[%dma_wait3A, %dma_wait3A_65] : memref<128x128xf32, #tpu.memory_space<vmem>> -> memref<128x128xf32, #tpu.memory_space<vmem>>
      %dma_wait3A_67 = arith.constant 0 : i32
      %dma_wait3A_68 = tpu.memref_slice %arg13[%add3A_55, %dma_wait3A_67] : memref<10008x128xf32, #tpu.memory_space<vmem_shared>> -> memref<128x128xf32, #tpu.memory_space<vmem_shared>>
      %dma_wait3A_69 = arith.constant 0 : i32
      %dma_wait3A_70 = arith.constant 0 : i32
      %dma_wait3A_71 = tpu.memref_slice %arg10[%dma_wait3A_69, %dma_wait3A_70] : memref<128x128xf32, #tpu.memory_space<vmem>> -> memref<128x128xf32, #tpu.memory_space<vmem>>
      %dma_wait3A_72 = arith.constant 0 : i32
      %dma_wait3A_73 = tpu.memref_slice %arg13[%add3A_55, %dma_wait3A_72] : memref<10008x128xf32, #tpu.memory_space<vmem_shared>> -> memref<128x128xf32, #tpu.memory_space<vmem_shared>>
      tpu.wait_dma2 semaphore(%run_scoped3A : memref<!tpu.dma_semaphore, #tpu.memory_space<semaphore_mem>>) src(%dma_wait3A_73 : memref<128x128xf32, #tpu.memory_space<vmem_shared>>) dst(%dma_wait3A_71 : memref<128x128xf32, #tpu.memory_space<vmem>>)
      tpu.yield
    }) : () -> ()
    "tpu.region"() ({
      %run_scoped3A = tpu.sem_alloc : memref<!tpu.dma_semaphore, #tpu.memory_space<semaphore_mem>>
      %dma_start3A = arith.constant 0 : i32
      %dma_start3A_56 = arith.constant 0 : i32
      %dma_start3A_57 = tpu.memref_slice %arg10[%dma_start3A, %dma_start3A_56] : memref<128x128xf32, #tpu.memory_space<vmem>> -> memref<128x128xf32, #tpu.memory_space<vmem>>
      %dma_start3A_58 = arith.constant 0 : i32
      %dma_start3A_59 = tpu.memref_slice %arg7[%arg0, %add3A_55, %dma_start3A_58] : memref<2x10000x128xf32, #tpu.memory_space<hbm>> -> memref<1x128x128xf32, #tpu.memory_space<hbm>>
      %dma_start3A_60 = tpu.memref_squeeze %dma_start3A_59 : memref<1x128x128xf32, #tpu.memory_space<hbm>> -> memref<128x128xf32, #tpu.memory_space<hbm>>
      %dma_start3A_61 = arith.constant 0 : i32
      %dma_start3A_62 = tpu.memref_slice %arg7[%arg0, %add3A_55, %dma_start3A_61] : memref<2x10000x128xf32, #tpu.memory_space<hbm>> -> memref<1x128x128xf32, #tpu.memory_space<hbm>>
      %dma_start3A_63 = tpu.memref_squeeze %dma_start3A_62 : memref<1x128x128xf32, #tpu.memory_space<hbm>> -> memref<128x128xf32, #tpu.memory_space<hbm>>
      %dma_start3A_64 = arith.constant 0 : i32
      %dma_start3A_65 = arith.constant 0 : i32
      %dma_start3A_66 = tpu.memref_slice %arg10[%dma_start3A_64, %dma_start3A_65] : memref<128x128xf32, #tpu.memory_space<vmem>> -> memref<128x128xf32, #tpu.memory_space<vmem>>
      tpu.enqueue_dma source(%dma_start3A_66 : memref<128x128xf32, #tpu.memory_space<vmem>>) target(%dma_start3A_63 : memref<128x128xf32, #tpu.memory_space<hbm>>) target_semaphore(%run_scoped3A : memref<!tpu.dma_semaphore, #tpu.memory_space<semaphore_mem>>)
      %dma_wait3A = arith.constant 0 : i32
      %dma_wait3A_67 = arith.constant 0 : i32
      %dma_wait3A_68 = tpu.memref_slice %arg10[%dma_wait3A, %dma_wait3A_67] : memref<128x128xf32, #tpu.memory_space<vmem>> -> memref<128x128xf32, #tpu.memory_space<vmem>>
      %dma_wait3A_69 = arith.constant 0 : i32
      %dma_wait3A_70 = tpu.memref_slice %arg7[%arg0, %add3A_55, %dma_wait3A_69] : memref<2x10000x128xf32, #tpu.memory_space<hbm>> -> memref<1x128x128xf32, #tpu.memory_space<hbm>>
      %dma_wait3A_71 = tpu.memref_squeeze %dma_wait3A_70 : memref<1x128x128xf32, #tpu.memory_space<hbm>> -> memref<128x128xf32, #tpu.memory_space<hbm>>
      %dma_wait3A_72 = arith.constant 0 : i32
      %dma_wait3A_73 = tpu.memref_slice %arg7[%arg0, %add3A_55, %dma_wait3A_72] : memref<2x10000x128xf32, #tpu.memory_space<hbm>> -> memref<1x128x128xf32, #tpu.memory_space<hbm>>
      %dma_wait3A_74 = tpu.memref_squeeze %dma_wait3A_73 : memref<1x128x128xf32, #tpu.memory_space<hbm>> -> memref<128x128xf32, #tpu.memory_space<hbm>>
      %dma_wait3A_75 = arith.constant 0 : i32
      %dma_wait3A_76 = arith.constant 0 : i32
      %dma_wait3A_77 = tpu.memref_slice %arg10[%dma_wait3A_75, %dma_wait3A_76] : memref<128x128xf32, #tpu.memory_space<vmem>> -> memref<128x128xf32, #tpu.memory_space<vmem>>
      tpu.wait_dma2 semaphore(%run_scoped3A : memref<!tpu.dma_semaphore, #tpu.memory_space<semaphore_mem>>) src(%dma_wait3A_77 : memref<128x128xf32, #tpu.memory_space<vmem>>) dst(%dma_wait3A_74 : memref<128x128xf32, #tpu.memory_space<hbm>>)
      tpu.yield
    }) : () -> ()
    return
  }
}

module attributes {stable_mosaic.version = 14 : i64} {
  func.func @_attn_body(%arg0: i32, %arg1: i32, %arg2: memref<1x400x32xf32, #tpu.memory_space<vmem>>, %arg3: memref<1x32x10000xf32, #tpu.memory_space<vmem>>, %arg4: memref<1x10000x33xf32, #tpu.memory_space<vmem>>, %arg5: memref<1x400x33xf32, #tpu.memory_space<vmem>>) attributes {dimension_semantics = [#tpu.dimension_semantics<arbitrary>, #tpu.dimension_semantics<arbitrary>], iteration_bounds = array<i64: 2, 25>, scalar_prefetch = 0 : i64, scratch_operands = 0 : i64, tpu.core_type = #tpu.core_type<tc>, window_params = [{transform_indices = @transform_0, window_bounds = array<i64: 1, 400, 32>}, {transform_indices = @transform_1, window_bounds = array<i64: 1, 32, 10000>}, {transform_indices = @transform_2, window_bounds = array<i64: 1, 10000, 33>}, {transform_indices = @transform_3, window_bounds = array<i64: 1, 400, 33>}]} {
    %get3A = arith.constant 0 : index
    %get3A_0 = arith.constant 0 : index
    %get3A_1 = arith.constant 0 : index
    %get3A_2 = vector.load %arg2[%get3A, %get3A_0, %get3A_1] : memref<1x400x32xf32, #tpu.memory_space<vmem>>, vector<1x400x32xf32>
    %get3A_3 = vector.shape_cast %get3A_2 : vector<1x400x32xf32> to vector<400x32xf32>
    %convert_element_type3A = arith.truncf %get3A_3 : vector<400x32xf32> to vector<400x32xbf16>
    %get3A_4 = arith.constant 0 : index
    %get3A_5 = arith.constant 0 : index
    %get3A_6 = arith.constant 0 : index
    %get3A_7 = vector.load %arg3[%get3A_4, %get3A_5, %get3A_6] : memref<1x32x10000xf32, #tpu.memory_space<vmem>>, vector<1x32x10000xf32>
    %get3A_8 = vector.shape_cast %get3A_7 : vector<1x32x10000xf32> to vector<32x10000xf32>
    %convert_element_type3A_9 = arith.truncf %get3A_8 : vector<32x10000xf32> to vector<32x10000xbf16>
    %get3A_10 = arith.constant 0 : index
    %get3A_11 = arith.constant 0 : index
    %get3A_12 = arith.constant 0 : index
    %get3A_13 = vector.load %arg4[%get3A_10, %get3A_11, %get3A_12] : memref<1x10000x33xf32, #tpu.memory_space<vmem>>, vector<1x10000x33xf32>
    %get3A_14 = vector.shape_cast %get3A_13 : vector<1x10000x33xf32> to vector<10000x33xf32>
    %convert_element_type3A_15 = arith.truncf %get3A_14 : vector<10000x33xf32> to vector<10000x33xbf16>
    %dot_general3A = arith.constant dense<0.000000e+00> : vector<400x10000xf32>
    %dot_general3A_16 = tpu.matmul %convert_element_type3A, %convert_element_type3A_9, %dot_general3A {dimension_numbers = #tpu.dot_dimension_numbers<[1], [0], [0], [1], [0, 0, 1, 1], [], []>, transpose_lhs_hint = false} : vector<400x32xbf16>, vector<32x10000xbf16>, vector<400x10000xf32> -> vector<400x10000xf32>
    %exp23A = math.exp2 %dot_general3A_16 : vector<400x10000xf32>
    %convert_element_type3A_17 = arith.truncf %exp23A : vector<400x10000xf32> to vector<400x10000xbf16>
    %dot_general3A_18 = arith.constant dense<0.000000e+00> : vector<400x33xf32>
    %dot_general3A_19 = tpu.matmul %convert_element_type3A_17, %convert_element_type3A_15, %dot_general3A_18 {dimension_numbers = #tpu.dot_dimension_numbers<[1], [0], [0], [1], [0, 0, 1, 1], [], []>, transpose_lhs_hint = false} : vector<400x10000xbf16>, vector<10000x33xbf16>, vector<400x33xf32> -> vector<400x33xf32>
    %swap3A = arith.constant 0 : index
    %swap3A_20 = arith.constant 0 : index
    %swap3A_21 = arith.constant 0 : index
    %swap3A_22 = vector.load %arg5[%swap3A, %swap3A_20, %swap3A_21] : memref<1x400x33xf32, #tpu.memory_space<vmem>>, vector<1x400x33xf32>
    %swap3A_23 = vector.shape_cast %swap3A_22 : vector<1x400x33xf32> to vector<400x33xf32>
    %swap3A_24 = vector.shape_cast %dot_general3A_19 : vector<400x33xf32> to vector<1x400x33xf32>
    tpu.vector_store %arg5[%swap3A, %swap3A_20, %swap3A_21], %swap3A_24 {strides = array<i32>} : memref<1x400x33xf32, #tpu.memory_space<vmem>>, vector<1x400x33xf32>,
    return
  }
  func.func @transform_0(%arg0: i32, %arg1: i32) -> (i32, i32, i32) {
    %c0_i32 = arith.constant 0 : i32
    %c0_i32_0 = arith.constant 0 : i32
    return %arg0, %arg1, %c0_i32 : i32, i32, i32
  }
  func.func @transform_1(%arg0: i32, %arg1: i32) -> (i32, i32, i32) {
    %c0_i32 = arith.constant 0 : i32
    %c0_i32_0 = arith.constant 0 : i32
    %c0_i32_1 = arith.constant 0 : i32
    return %arg0, %c0_i32, %c0_i32_0 : i32, i32, i32
  }
  func.func @transform_2(%arg0: i32, %arg1: i32) -> (i32, i32, i32) {
    %c0_i32 = arith.constant 0 : i32
    %c0_i32_0 = arith.constant 0 : i32
    %c0_i32_1 = arith.constant 0 : i32
    return %arg0, %c0_i32, %c0_i32_0 : i32, i32, i32
  }
  func.func @transform_3(%arg0: i32, %arg1: i32) -> (i32, i32, i32) {
    %c0_i32 = arith.constant 0 : i32
    %c0_i32_0 = arith.constant 0 : i32
    return %arg0, %arg1, %c0_i32 : i32, i32, i32
  }
}

</mosaic_0001>

<sc_bundles>
// kernel: kernel.6.cloned.1.call-start
scs
__scs_entry_jumppad:
0x0: {  	(pc) =	sbr.rel $0x88, $3  }
0x1: {  	(tag) =	ssettag $0x0;
	lr =	simm.s32 $0x1  }
0x2: {  	[smem:$0x3F85] =	sst lr;
	_ =	strace $0xD0000000  }
0x3: {  	_ = 	snop  }
0x4: {  	_ = 	snop  }
0x5: {  	_ = 	snop  }
0x6: {  	_ = 	snop  }
0x7: {  	_ = 	snop  }
__scs_overlays_trampoline_lowered:
0x8: {  	[smem:$0x3F94] =	sst s0  }
0x9: {  	[smem:$0x3F95] =	sst s1  }
0xa: {  	[smem:$0x3F96] =	sst s2  }
0xb: {  	[smem:$0x3F97] =	sst s3  }
0xc: {  	[smem:$0x3F98] =	sst s4  }
0xd: {  	[smem:$0x3F99] =	sst s5  }
0xe: {  	[smem:$0x3F9A] =	sst s6  }
0xf: {  	[smem:$0x3F9B] =	sst s7  }
0x10: {  	[smem:$0x3F9C] =	sst s8  }
0x11: {  	[smem:$0x3F9D] =	sst s9;
	s0 =	simm.s32 @!p0 $0x0  }
0x12: {  	s1 =	sld [smem:$0x3F83];
	s0 =	simm.s32 @p0 $0x1  }
0x13: {  	[smem:$0x3F9E] =	sst s0;
	s0 =	simm.s32 @!p1 $0x0  }
0x14: {  	s2 =	sld [smem:$0x3F82];
	s0 =	simm.s32 @p1 $0x1  }
0x15: {  	[smem:$0x3F9F] =	sst s0;
	s0 =	simm.s32 @!p2 $0x0  }
0x16: {  	s3 =	sld [smem:$0x3FDB];
	s0 =	simm.s32 @p2 $0x1  }
0x17: {  	s4 =	simm.s32 $0x1BF5;
	[smem:$0x3FA1] =	sst s0  }
0x18: {  	s0 =	sld [smem:$0x3F84];
	_ =	swait.ge [sflag:s4], $0x0  }
0x19: {  	s7 =	sld [smem:$0x3F85]  }
0x1a: {  	s8 =	sadd.s32 $0xFFFFE003, lr  }
0x1b: {  	s9 =	sadd.s32 $0xFFFFFEF7, lr;
	s5 =	simm.s32 $0xFFFFFFFF;
	p2 =	slt.u32 s8, $0xFFFFF086  }
0x1c: {  	p1 =	slt.u32 s9, $0xF7A;
	s5 =	simm.s32 @!p2 $0x0  }
0x1d: {  	s5 =	simm.s32 @p1 $0x1;
	p0 =	seq.s32 s7, s2  }
0x1e: {  	s7 =	smul.u32 @!p0 $0xF7A, s2;
	p2 =	seq.s32 @!p0 s5, $0x0  }
0x1f: {  	s9 =	smul.u32 $0xF7A, s1;
	s8 =	simm.s32 @!p0 $0x1BF5;
	p2 =	por !p2, p0  }
0x20: {  	[sflag:s8] =	ssyncset.s32 @!p0 $0xFFFFF086;
	s6 =	sadd.s32 @!p0 s3, s7;
	s7 =	simm.s32 @!p0 $0x108  }
0x21: {  	s3 =	sadd.s32 s3, s9;
	s6 =	sadd.s32 @!p0 $0x88, s6;
	s7 =	simm.s32 @p2 $0x1082  }
0x22: {  	[simem:s7], [sflag:s8] =	dma.local @!p0 [hbm:s6], $0xF7A  }
0x23: {  	s9 =	sor.u32 $0xD0000000, s2;
	s6 =	simm.s32 $0x108;
	_ =	swait.ge @!p0 [sflag:s8], $0x0  }
0x24: {  	s3 =	sadd.s32 $0x88, s3;
	s6 =	simm.s32 @!p1 $0x1082;
	[sflag:s4] =	ssyncset.s32 $0xFFFFF086  }
0x25: {  	[simem:s6], [sflag:s4] =	dma.local [hbm:s3], $0xF7A  }
0x26: {  	[smem:$0x3F85] =	sst s1;
	(tag) =	ssettag s2;
	_ =	strace s9  }
0x27: {  	s1 =	sld [smem:$0x3F95]  }
0x28: {  	s2 =	sld [smem:$0x3F96]  }
0x29: {  	s4 =	sld [smem:$0x3F98]  }
0x2a: {  	p0 =	seq.s32 s5, $0x0;
	s5 =	sld [smem:$0x3F99]  }
0x2b: {  	s6 =	sld [smem:$0x3F9A]  }
0x2c: {  	s7 =	sld [smem:$0x3F9B]  }
0x2d: {  	s3 =	simm.s32 $0x108;
	s8 =	sld [smem:$0x3F9C]  }
0x2e: {  	s3 =	simm.s32 @!p0 $0x1082;
	s9 =	sld [smem:$0x3F9D]  }
0x2f: {  	lr =	sadd.s32 s0, s3;
	s0 =	sld [smem:$0x3F94]  }
0x30: {  	s3 =	sld [smem:$0x3F97]  }
0x31: {  	[smem:$0x3FA0] =	sst s10  }
0x32: {  	s10 =	sld [smem:$0x3F9E];
	_ =	sdelay $0x3  }
0x33: {  	p0 =	seq.s32 s10, $0x1;
	s10 =	sld [smem:$0x3FA0];
	_ =	sdelay $0x3  }
0x34: {  	[smem:$0x3FA0] =	sst s10  }
0x35: {  	s10 =	sld [smem:$0x3F9F];
	_ =	sdelay $0x3  }
0x36: {  	p1 =	seq.s32 s10, $0x1;
	s10 =	sld [smem:$0x3FA0];
	_ =	sdelay $0x3  }
0x37: {  	[smem:$0x3FA0] =	sst s10  }
0x38: {  	s10 =	sld [smem:$0x3FA1]  }
0x39: {  	_ = 	snop;
	(pc) =	sbr.ind lr, $3  }
0x3a: {  	_ = 	snop  }
0x3b: {  	_ = 	snop  }
0x3c: {  	p2 =	seq.s32 s10, $0x1;
	s10 =	sld [smem:$0x3FA0]  }
0x3d: {  	_ =	shalt  }
0x3e: {  	_ =	shalt  }
0x3f: {  	_ =	shalt  }
0x40: {  	_ =	shalt  }
0x41: {  	_ =	shalt  }
0x42: {  	_ =	shalt  }
0x43: {  	_ =	shalt  }
0x44: {  	_ =	shalt  }
0x45: {  	_ =	shalt  }
0x46: {  	_ =	shalt  }
0x47: {  	_ =	shalt  }
0x48: {  	_ =	shalt  }
0x49: {  	_ =	shalt  }
0x4a: {  	_ =	shalt  }
0x4b: {  	_ =	shalt  }
0x4c: {  	_ =	shalt  }
0x4d: {  	_ =	shalt  }
0x4e: {  	_ =	shalt  }
0x4f: {  	_ =	shalt  }
0x50: {  	_ =	shalt  }
0x51: {  	_ =	shalt  }
0x52: {  	_ =	shalt  }
0x53: {  	_ =	shalt  }
0x54: {  	_ =	shalt  }
0x55: {  	_ =	shalt  }
0x56: {  	_ =	shalt  }
0x57: {  	_ =	shalt  }
0x58: {  	_ =	shalt  }
0x59: {  	_ =	shalt  }
0x5a: {  	_ =	shalt  }
0x5b: {  	_ =	shalt  }
0x5c: {  	_ =	shalt  }
0x5d: {  	_ =	shalt  }
0x5e: {  	_ =	shalt  }
0x5f: {  	_ =	shalt  }
0x60: {  	_ =	shalt  }
0x61: {  	_ =	shalt  }
0x62: {  	_ =	shalt  }
0x63: {  	_ =	shalt  }
0x64: {  	_ =	shalt  }
0x65: {  	_ =	shalt  }
0x66: {  	_ =	shalt  }
0x67: {  	_ =	shalt  }
0x68: {  	_ =	shalt  }
0x69: {  	_ =	shalt  }
0x6a: {  	_ =	shalt  }
0x6b: {  	_ =	shalt  }
0x6c: {  	_ =	shalt  }
0x6d: {  	_ =	shalt  }
0x6e: {  	_ =	shalt  }
0x6f: {  	_ =	shalt  }
0x70: {  	_ =	shalt  }
0x71: {  	_ =	shalt  }
0x72: {  	_ =	shalt  }
0x73: {  	_ =	shalt  }
0x74: {  	_ =	shalt  }
0x75: {  	_ =	shalt  }
0x76: {  	_ =	shalt  }
0x77: {  	_ =	shalt  }
0x78: {  	_ =	shalt  }
0x79: {  	_ =	shalt  }
0x7a: {  	_ =	shalt  }
0x7b: {  	_ =	shalt  }
0x7c: {  	_ =	shalt  }
0x7d: {  	_ =	shalt  }
0x7e: {  	_ =	shalt  }
0x7f: {  	_ =	shalt  }
0x80: {  	_ =	shalt  }
0x81: {  	_ =	shalt  }
0x82: {  	_ =	shalt  }
0x83: {  	_ =	shalt  }
0x84: {  	_ =	shalt  }
0x85: {  	_ =	shalt  }
0x86: {  	_ =	shalt  }
0x87: {  	_ =	shalt  }
.Lfunc_end0:
.L_simem_size_0:
called_computation_lowered:
.L_overlay_start_0:
0x88: {  	s2 =	sld [smem:$0x3FD9]  }
0x89: {  	s3 =	sld [smem:$0x3FFE];
	_ =	sdelay $0x1  }
0x8a: {  	s1 =	srdreg.scid  }
0x8b: {  	s0 =	sand.u32 $0x1, s1  }
0x8c: {  	s16 =	sshll.u32 s0, $0xA;
	s2 =	sadd.s32 s3, s2  }
0x8d: {  	s2 =	sadd.s32 s2, s16  }
0x8e: {  	[smem:$0x3FAC] =	sst s2  }
0x8f: {  	_ = 	snop  }
0x90: {  	(tm) =	ssettm $0x1  }
0x91: {  	s17 =	sld [smem:$0x3FFB];
	_ =	sdelay $0x3  }
0x92: {  	_ =	strace s17  }
0x93: {  	s2 =	sld [smem:$0x3FFC];
	_ =	sdelay $0x3  }
0x94: {  	_ =	strace s2  }
0x95: {  	s2 =	sld [smem:$0x3FFD];
	_ =	sdelay $0x3  }
0x96: {  	_ =	strace s2  }
0x97: {  	_ =	strace $0x8FFFFFFF  }
0x98: {  	s18 =	sld [smem:$0x3FDB];
	_ =	sdelay $0x1  }
0x99: {  	s19 =	simm.s32 $_scs_section_size  }
0x9a: {  	s4 =	simm.s32 $_size__tile_overlayer_lowered;
	s5 =	simm.s32 $_tile_overlayer_lowered  }
0x9b: {  	s22 =	simm.s32 $0x1BFF;
	s21 =	sshll.u32 s5, $0x1;
	s2 =	sadd.s32 s19, s18  }
0x9c: {  	s6 =	simm.s32 $0x0;
	s20 =	sshll.u32 s4, $0x1;
	s4 =	sadd.s32 s21, s2  }
0x9d: {  	[timem:s6], [sflag:s22] =	dma.local [hbm:s4], s20  }
0x9e: {  	_ =	swait.ge [sflag:s22], s20  }
0x9f: {  	s3 =	ssub.s32 $0x0, s20;
	[sflag:s22] =	ssyncset.done $0x0  }
0xa0: {  	[sflag:s22] =	ssyncadd.s32 s3;
	_ =	sdelay $0x1  }
0xa1: {  	s23 =	simm.s32 $0x1B8B  }
0xa2: {  	_ =	swait.ge [sflag:s23], $0x1  }
0xa3: {  	[sflag:s23] =	ssyncset.done $0x0  }
0xa4: {  	s25 =	simm.s32 $0x1B8E;
	s24 =	sld [smem:$0x3FFE];
	[sflag:s23] =	ssyncadd.s32 $0xFFFFFFFF  }
0xa5: {  	s26 =	simm.s32 $execute0_lowered;
	[smem:$0x3FD2] =	sst s25  }
0xa6: {  	s4 =	sshll.u32 s26, $0x1;
	_ =	strace $0x80000046;
	[dreg:$0x1] =	wrdreg $0xFFFFFFFF  }
0xa7: {  	s28 =	simm.s32 $_size_execute0_lowered;
	s2 =	sadd.s32 s2, s4;
	[dreg:$0x0] =	wrdreg $0x0  }
0xa8: {  	s4 =	sshll.u32 s28, $0x1;
	[dreg:$0x2] =	wrdreg s2  }
0xa9: {  	[dreg:$0x3] =	wrdreg s4  }
0xaa: {  	[dreg:$0x4] =	wrdreg $0xC0  }
0xab: {  	_ =	task [dreg:s6], $0x5FFFF  }
0xac: {  	[dreg:$0x1] =	wrdreg $0xFFFFFFFF  }
0xad: {  	[dreg:$0x0] =	wrdreg $0x60  }
0xae: {  	[dreg:$0x2] =	wrdreg s24  }
0xaf: {  	[dreg:$0x3] =	wrdreg $0xC1000  }
0xb0: {  	[dreg:$0x4] =	wrdreg $0x9  }
0xb1: {  	_ =	task.clear_ibuf [dreg:s6], $0x5FFFF;
	_ =	strace $0x90000046  }
0xb2: {  	s29 =	simm.s32 $0x9;
	_ =	strace $0x80000048  }
0xb3: {  	_ =	swait.ge [sflag:s29], $0x1  }
0xb4: {  	[sflag:s29] =	ssyncadd.s32 $0xFFFFFFFF  }
0xb5: {  	_ =	strace $0x90000048  }
0xb6: {  	_ =	sfence  }
0xb7: {  	s30 =	sld [smem:$0x0];
	_ =	sdelay $0x2  }
0xb8: {  	s31 =	sshll.u32 s1, $0xD;
	s1 =	sshrl.u32 s1, $0x2  }
0xb9: {  	s3 =	sand.u32 $0x4000, s31;
	s1 =	sadd.s32 s1, s30  }
0xba: {  	s0 =	sor.u32 s3, s0;
	s1 =	sshll.u32 s1, $0x11  }
0xbb: {  	s0 =	sor.u32 s1, s0  }
0xbc: {  	s0 =	sadd.s32 $0x8F2B, s0  }
0xbd: {  	[sflag:s0] =	ssyncadd.remote.s32 $0x1  }
0xbe: {  	_ =	sfence.sel $0xFFFF  }
0xbf: {  	[dreg:$0x0] =	wrdreg $0xFFFFFFFF;
	(pc) =	sbr.abs _section_cstart, $3  }
0xc0: {  	[dreg:$0x1] =	wrdreg $0xFFFFFFFF  }
0xc1: {  	_ =	task.clear_ibuf [dreg:s6], $0x2FFFF;
	_ =	strace $0x9FFFFFFF  }
0xc2: {  	(tm) =	ssettm $0x7FFFFFFF  }
0xc3: {  	_ =	shalt  }
tec
execute0_lowered:
.L_overlay_start_1:
0x0: {  	(tag) =	ssettag $0x1  }
0x1: {  	s0 =	rddreg [dreg:$0x0]  }
0x2: {  	s1 =	rddreg [dreg:$0x1];
	s2 =	simm.s32 $0x0  }
0x3: {  	s4 =	srdreg.scid;
	s12 =	stileid.u32;
	s28 =	simm.s32 $0x4100  }
0x4: {  	s29 =	simm.s32 $0x8100;
	s30 =	simm.s32 $0x1;
	s31 =	simm.s32 $0x0  }
0x5: {  	[smem:$0x7FF] =	sst s2;
	s3 =	sadd.s32 $0x27600, s0;
	s5 =	sadd.s32 $0xA26400, s0  }
0x6: {  	s6 =	sadd.s32 $0x544400, s0;
	s7 =	sadd.s32 $0x58600, s0;
	s8 =	sadd.s32 $0x4E800, s0  }
0x7: {  	s9 =	sand.u32 $0x1, s4;
	s21 =	smul.u32 $0x4E000, s12;
	s17 =	sadd.s32 $0xA4D600, s0  }
0x8: {  	s10 =	sadd.s32 $0xA9B800, s0;
	s16 =	smul.u32 $0x13800, s12;
	s22 =	ssub.s32 $0x2, s9  }
0x9: {  	_ =	strace $0x80000047;
	s19 =	smul.u32 $0x138800, s9;
	s11 =	sshrl.u32 s22, $0x1  }
0xa: {  	s4 =	sshrl.u32 s21, $0x2;
	s23 =	sadd.s32 $0x4000, s16;
	s18 =	sadd.s32 $0x8000, s16  }
0xb: {  	s20 =	sadd.s32 $0xC000, s16;
	s0 =	ssub.s32 s22, s11;
	s11 =	sshll.u32 s12, $0x1  }
0xc: {  	s12 =	sadd.s32 s4, s1;
	s13 =	sadd.s32 s23, s1;
	s14 =	sadd.s32 s18, s1  }
0xd: {  	s15 =	sadd.s32 s20, s1;
	s21 =	sadd.s32 s16, s19;
	s4 =	sadd.s32 s19, s23  }
0xe: {  	s22 =	sadd.s32 $0x10000, s16;
	s24 =	sadd.s32 s19, s18;
	s25 =	sadd.s32 s19, s20  }
0xf: {  	s23 =	simm.s32 $0x100;
	s21 =	sshrl.u32 s21, $0x3;
	s4 =	sshrl.u32 s4, $0x3  }
0x10: {  	s16 =	sadd.s32 s22, s1;
	s19 =	sadd.s32 s19, s22;
	s18 =	sshrl.u32 s25, $0x3  }
.Ltmp0:
0x11: {  	s22 =	smax.u32 s0, $0x1;
	s25 =	simm.s32 $0x3;
	(pc) =	sbr.rel .LBB2_1-.Ltmp0, $4  }
0x12: {  	s21 =	sadd.s32 s17, s21;
	s4 =	sadd.s32 s17, s4;
	s26 =	sshrl.u32 s19, $0x3  }
0x13: {  	s20 =	sadd.s32 s17, s18;
	[dreg:$0x4] =	wrdreg s4;
	s4 =	sshrl.u32 s24, $0x3  }
0x14: {  	[dreg:$0x3] =	wrdreg s21;
	s21 =	sadd.s32 s17, s26;
	s4 =	sadd.s32 s17, s4  }
0x15: {  	v0 =	vimm.f32 $0.0e+00;
	s24 =	simm.s32 $0x2;
	s26 =	simm.s32 $0x80;
	[dreg:$0x5] =	wrdreg s4  }
.LBB2_9:
0x16: {  	[bflag:$0x0] =	sbarrier.arrive $0xFFFF  }
0x17: {  	[tilespmem:s23], [sflag:$0x2] =	stream.linear.gather [spmem:s12], $0x4000, $0x38;
	[tilespmem:$0x1F9C0] =	vst v63  }
0x18: {  	_ =	swait.ge [sflag:s24], $0x4000  }
0x19: {  	[sflag:s24] =	ssyncset.done $0x0  }
0x1a: {  	s0 =	rddreg [dreg:$0x3];
	[sflag:s24] =	ssyncadd.s32 $0xFFFFC000  }
0x1b: {  	[hbm4b:s0+s2] =	stream.linear.scatter [tilespmem:s23], [sflag:$0x2], $0x4000, $0x38;
	[tilespmem:$0x1F9C0] =	vst v63  }
0x1c: {  	_ =	swait.ge [sflag:s24], $0x4000  }
0x1d: {  	[sflag:s24] =	ssyncset.done $0x0  }
0x1e: {  	[sflag:s24] =	ssyncadd.s32 $0xFFFFC000  }
0x1f: {  	[tilespmem:s23], [sflag:$0x2] =	stream.linear.gather [spmem:s13], $0x4000, $0x38;
	[tilespmem:$0x1F9C0] =	vst v63  }
0x20: {  	_ =	swait.ge [sflag:s24], $0x4000  }
0x21: {  	[sflag:s24] =	ssyncset.done $0x0  }
0x22: {  	s18 =	rddreg [dreg:$0x4];
	[sflag:s24] =	ssyncadd.s32 $0xFFFFC000  }
0x23: {  	[hbm4b:s18+s2] =	stream.linear.scatter [tilespmem:s23], [sflag:$0x2], $0x4000, $0x38;
	[tilespmem:$0x1F9C0] =	vst v63  }
0x24: {  	_ =	swait.ge [sflag:s24], $0x4000  }
0x25: {  	[sflag:s24] =	ssyncset.done $0x0  }
0x26: {  	[sflag:s24] =	ssyncadd.s32 $0xFFFFC000  }
0x27: {  	[tilespmem:s23], [sflag:$0x2] =	stream.linear.gather [spmem:s14], $0x4000, $0x38;
	[tilespmem:$0x1F9C0] =	vst v63  }
0x28: {  	_ =	swait.ge [sflag:s24], $0x4000  }
0x29: {  	[sflag:s24] =	ssyncset.done $0x0  }
0x2a: {  	s19 =	rddreg [dreg:$0x5];
	[sflag:s24] =	ssyncadd.s32 $0xFFFFC000  }
0x2b: {  	[hbm4b:s19+s2] =	stream.linear.scatter [tilespmem:s23], [sflag:$0x2], $0x4000, $0x38;
	[tilespmem:$0x1F9C0] =	vst v63  }
0x2c: {  	_ =	swait.ge [sflag:s24], $0x4000  }
0x2d: {  	[sflag:s24] =	ssyncset.done $0x0  }
0x2e: {  	[sflag:s24] =	ssyncadd.s32 $0xFFFFC000  }
0x2f: {  	[tilespmem:s23], [sflag:$0x2] =	stream.linear.gather [spmem:s15], $0x4000, $0x38;
	[tilespmem:$0x1F9C0] =	vst v63  }
0x30: {  	_ =	swait.ge [sflag:s24], $0x4000  }
0x31: {  	[sflag:s24] =	ssyncset.done $0x0  }
0x32: {  	[sflag:s24] =	ssyncadd.s32 $0xFFFFC000  }
0x33: {  	[hbm4b:s20+s2] =	stream.linear.scatter [tilespmem:s23], [sflag:$0x2], $0x4000, $0x38;
	[tilespmem:$0x1F9C0] =	vst v63  }
0x34: {  	_ =	swait.ge [sflag:s24], $0x4000  }
0x35: {  	[sflag:s24] =	ssyncset.done $0x0  }
0x36: {  	[sflag:s24] =	ssyncadd.s32 $0xFFFFC000  }
0x37: {  	[tilespmem:s23], [sflag:$0x2] =	stream.linear.gather [spmem:s16], $0x4000, $0x38;
	[tilespmem:$0x1F9C0] =	vst v63  }
0x38: {  	s31 =	sadd.s32 $0x1, s31;
	_ =	swait.ge [sflag:s24], $0x4000  }
0x39: {  	p0 =	sne.s32 s31, s22;
	[sflag:s24] =	ssyncset.done $0x0  }
.Ltmp1:
0x3a: {  	[sflag:s24] =	ssyncadd.s32 $0xFFFFC000;
	(pc) =	sbr.rel @!p0 .LBB2_10-.Ltmp1, $4  }
0x3b: {  	[hbm4b:s21+s2] =	stream.linear.scatter [tilespmem:s23], [sflag:$0x2], $0x4000, $0x38;
	[tilespmem:$0x1F9C0] =	vst v63  }
0x3c: {  	_ =	swait.ge [sflag:s24], $0x4000  }
0x3d: {  	[sflag:s24] =	ssyncset.done $0x0  }
0x3e: {  	[sflag:s24] =	ssyncadd.s32 $0xFFFFC000  }
.LBB2_1:
0x3f: {  	s0 =	simm.s32 $0x0;
	s4 =	simm.s32 $0x200  }
.LBB2_2:
0x40: {  	p0 =	sne.s32 s4, $0xFE00;
	[tilespmem:s0+$0x170] =	vst v0  }
0x41: {  	[tilespmem:s0+$0x100] =	vst v0  }
0x42: {  	[tilespmem:s0+$0x110] =	vst v0  }
.Ltmp2:
0x43: {  	[tilespmem:s0+$0x120] =	vst v0;
	(pc) =	sbr.rel @p0 .LBB2_2-.Ltmp2, $4  }
0x44: {  	[tilespmem:s0+$0x130] =	vst v0  }
0x45: {  	[tilespmem:s0+$0x140] =	vst v0  }
0x46: {  	[tilespmem:s0+$0x150] =	vst v0  }
0x47: {  	[tilespmem:s0+$0x160] =	vst v0;
	s0 =	sshra.s32 s4, $0x2;
	s4 =	sadd.s32 $0x200, s4  }
0x48: {  	[tilespmem:s0+$0x170] =	vst v0  }
0x49: {  	[tilespmem:s0+$0x100] =	vst v0  }
0x4a: {  	[tilespmem:s0+$0x110] =	vst v0  }
0x4b: {  	[tilespmem:s0+$0x120] =	vst v0  }
0x4c: {  	[tilespmem:s0+$0x130] =	vst v0  }
0x4d: {  	[tilespmem:s0+$0x140] =	vst v0  }
0x4e: {  	[tilespmem:s0+$0x150] =	vst v0  }
0x4f: {  	[tilespmem:s0+$0x160] =	vst v0  }
0x50: {  	[spmem:s12] =	stream.linear.scatter [tilespmem:s23], [sflag:$0x2], $0x4000, $0x38;
	[tilespmem:$0x1F9C0] =	vst v63  }
0x51: {  	_ =	swait.ge [sflag:s24], $0x4000  }
0x52: {  	[sflag:s24] =	ssyncset.done $0x0  }
0x53: {  	[sflag:s24] =	ssyncadd.s32 $0xFFFFC000  }
0x54: {  	[spmem:s13] =	stream.linear.scatter [tilespmem:s23], [sflag:$0x2], $0x4000, $0x38;
	[tilespmem:$0x1F9C0] =	vst v63  }
0x55: {  	_ =	swait.ge [sflag:s24], $0x4000  }
0x56: {  	[sflag:s24] =	ssyncset.done $0x0  }
0x57: {  	[sflag:s24] =	ssyncadd.s32 $0xFFFFC000  }
0x58: {  	[spmem:s14] =	stream.linear.scatter [tilespmem:s23], [sflag:$0x2], $0x4000, $0x38;
	[tilespmem:$0x1F9C0] =	vst v63  }
0x59: {  	_ =	swait.ge [sflag:s24], $0x4000  }
0x5a: {  	[sflag:s24] =	ssyncset.done $0x0  }
0x5b: {  	[sflag:s24] =	ssyncadd.s32 $0xFFFFC000  }
0x5c: {  	[spmem:s15] =	stream.linear.scatter [tilespmem:s23], [sflag:$0x2], $0x4000, $0x38;
	[tilespmem:$0x1F9C0] =	vst v63  }
0x5d: {  	_ =	swait.ge [sflag:s24], $0x4000  }
0x5e: {  	[sflag:s24] =	ssyncset.done $0x0  }
0x5f: {  	[sflag:s24] =	ssyncadd.s32 $0xFFFFC000  }
0x60: {  	[spmem:s16] =	stream.linear.scatter [tilespmem:s23], [sflag:$0x2], $0x4000, $0x38;
	[tilespmem:$0x1F9C0] =	vst v63  }
.Ltmp3:
0x61: {  	_ =	swait.ge [sflag:s24], $0x4000;
	(pc) =	sbr.rel .LBB2_4-.Ltmp3, $4  }
0x62: {  	[sflag:s24] =	ssyncset.done $0x0  }
0x63: {  	[sflag:s24] =	ssyncadd.s32 $0xFFFFC000  }
0x64: {  	[bflag:$0x0] =	sbarrier.arrive $0xFFFF  }
0x65: {  	s0 =	simm.s32 $0x0  }
.LBB2_8:
0x66: {  	s0 =	sadd.s32 $0x1, s0  }
0x67: {  	p0 =	sne.s32 s0, $0x4F  }
.Ltmp4:
0x68: {  	_ = 	snop;
	(pc) =	sbr.rel @!p0 .LBB2_9-.Ltmp4, $1  }
0x69: {  	_ =	sdelay $0x3  }
.LBB2_4:
0x6a: {  	s4 =	sshll.u32 s0, $0x5  }
0x6b: {  	s4 =	sor.u32 s11, s4  }
0x6c: {  	p0 =	sgt.u32 s4, $0x9C3  }
.Ltmp5:
0x6d: {  	_ = 	snop;
	(pc) =	sbr.rel @p0 .LBB2_8-.Ltmp5, $1  }
0x6e: {  	_ =	sdelay $0x3  }
0x6f: {  	s4 =	sor.u32 s9, s4  }
0x70: {  	s17 =	sshll.u32 s4, $0x4  }
0x71: {  	s19 =	simm.s32 $0x0;
	s18 =	sadd.s32 s7, s17  }
0x72: {  	[tilespmem:s19], [sflag:$0x3] =	stream.linear.gather [hbm4b:s18+s19], $0x80, $0x38;
	[tilespmem:$0x1F9C0] =	vst v63  }
0x73: {  	_ =	swait.ge [sflag:s25], $0x80  }
0x74: {  	[sflag:s25] =	ssyncset.done $0x0  }
0x75: {  	s17 =	sadd.s32 s8, s17;
	[sflag:s25] =	ssyncadd.s32 $0xFFFFFF80  }
0x76: {  	[tilespmem:s26], [sflag:$0x3] =	stream.linear.gather [hbm4b:s17+s19], $0x80, $0x38;
	[tilespmem:$0x1F9C0] =	vst v63  }
0x77: {  	_ =	swait.ge [sflag:s25], $0x80  }
0x78: {  	[sflag:s25] =	ssyncset.done $0x0  }
0x79: {  	[sflag:s25] =	ssyncadd.s32 $0xFFFFFF80  }
0x7a: {  	[tilespmem:s23], [sflag:$0x1] =	stream.indirect.gather [hbm4b:s3+s26], $0x80, s19, s26, $0xb8;
	[tilespmem:$0x1F9C0] =	vst v63  }
0x7b: {  	s4 =	sshll.u32 s4, $0xB  }
0x7c: {  	[tilespmem:s28], [sflag:$0x1] =	stream.indirect.gather [hbm4b:s5+s26], $0x80, s26, s26, $0xb8;
	[tilespmem:$0x1F9C0] =	vst v63  }
0x7d: {  	s18 =	sadd.s32 s6, s4  }
0x7e: {  	[tilespmem:s29], [sflag:$0x1] =	stream.linear.gather [hbm4b:s18+s19], $0x4000, $0x38;
	[tilespmem:$0x1F9C0] =	vst v63  }
0x7f: {  	_ =	swait.ge [sflag:s30], $0x4000  }
0x80: {  	[sflag:s30] =	ssyncset.done $0x0  }
0x81: {  	[sflag:s30] =	ssyncadd.s32 $0xFFFFC000  }
0x82: {  	_ =	swait.ge [sflag:s30], $0x4000  }
0x83: {  	[sflag:s30] =	ssyncset.done $0x0  }
0x84: {  	[sflag:s30] =	ssyncadd.s32 $0xFFFFC000  }
0x85: {  	_ =	swait.ge [sflag:s30], $0x4000  }
0x86: {  	[sflag:s30] =	ssyncset.done $0x0  }
0x87: {  	s17 =	simm.s32 $0x0;
	[sflag:s30] =	ssyncadd.s32 $0xFFFFC000  }
0x88: {  	v4 =	vld [tilespmem:s17+$0x4100]  }
0x89: {  	v3 =	vld [tilespmem:s17+$0x4110]  }
0x8a: {  	v2 =	vld [tilespmem:s17+$0x4120]  }
0x8b: {  	v1 =	vld [tilespmem:s17+$0x4130]  }
0x8c: {  	v6 =	vld [tilespmem:s17+$0x100]  }
0x8d: {  	v7 =	vld [tilespmem:s17+$0x110]  }
0x8e: {  	v8 =	vld [tilespmem:s17+$0x8100]  }
0x8f: {  	v9 =	vld [tilespmem:s17+$0x8110]  }
0x90: {  	s18 =	simm.s32 $0x200;
	v5 =	vld [tilespmem:s17+$0x120]  }
.LBB2_6:
0x91: {  	p0 =	sne.s32 s18, $0xFE00;
	v4 =	vadd.f32 v4, v6;
	v6 =	vld [tilespmem:s17+$0x130]  }
0x92: {  	v3 =	vadd.f32 v3, v7;
	v7 =	vld [tilespmem:s17+$0x8120]  }
0x93: {  	v4 =	vadd.f32 v8, v4;
	v8 =	vld [tilespmem:s17+$0x8130]  }
0x94: {  	v3 =	vadd.f32 v9, v3  }
0x95: {  	[tilespmem:s17+$0x8100] =	vst v4;
	v4 =	vsub.f32 $0.0e+00, v4;
	v2 =	vadd.f32 v2, v5  }
0x96: {  	[tilespmem:s17+$0x8110] =	vst v3;
	v3 =	vsub.f32 $0.0e+00, v3;
	v1 =	vadd.f32 v1, v6  }
0x97: {  	v4 =	vmul.f32 $1.442695020e+00, v4;
	v2 =	vadd.f32 v7, v2  }
0x98: {  	v3 =	vmul.f32 $1.442695020e+00, v3;
	v1 =	vadd.f32 v8, v1  }
0x99: {  	[tilespmem:s17+$0x8120] =	vst v2;
	v2 =	vsub.f32 $0.0e+00, v2;
	(erf) = vpow2.f32 v4  }
0x9a: {  	[tilespmem:s17+$0x8130] =	vst v1;
	v1 =	vsub.f32 $0.0e+00, v1;
	(erf) = vpow2.f32 v3  }
0x9b: {  	v2 =	vmul.f32 $1.442695020e+00, v2  }
0x9c: {  	v1 =	vmul.f32 $1.442695020e+00, v1  }
0x9d: {  	(erf) = vpow2.f32 v2  }
0x9e: {  	(erf) = vpow2.f32 v1;
	_ =	sdelay $0x3  }
0x9f: {  	v1 =	vpop (erf)  }
0xa0: {  	v3 =	vadd.f32 $1.000000000e+00, v1;
	v2 =	vpop (erf)  }
0xa1: {  	v4 =	vadd.f32 $1.000000000e+00, v2  }
0xa2: {  	(erf) = vrcp.f32 v3  }
0xa3: {  	(erf) = vrcp.f32 v4;
	v1 =	vpop (erf)  }
0xa4: {  	v1 =	vadd.f32 $1.000000000e+00, v1;
	v2 =	vpop (erf)  }
0xa5: {  	v2 =	vadd.f32 $1.000000000e+00, v2  }
0xa6: {  	(erf) = vrcp.f32 v1  }
0xa7: {  	v1 =	vld [tilespmem:s17+$0x140];
	(erf) = vrcp.f32 v2  }
0xa8: {  	s19 =	sshra.s32 s18, $0x2;
	v5 =	vld [tilespmem:s17+$0x150]  }
0xa9: {  	v4 =	vld [tilespmem:s19+$0x4100]  }
0xaa: {  	v3 =	vld [tilespmem:s19+$0x4110]  }
0xab: {  	v8 =	vld [tilespmem:s17+$0x160];
	v2 =	vpop (erf)  }
0xac: {  	[tilespmem:s17+$0x140] =	vst v2;
	v6 =	vmul.f32 v2, v1;
	v9 =	vld [tilespmem:s17+$0x170];
	v1 =	vpop (erf)  }
0xad: {  	v2 =	vld [tilespmem:s19+$0x4120];
	[tilespmem:s17+$0x150] =	vst v1;
	v7 =	vmul.f32 v1, v5  }
0xae: {  	v1 =	vld [tilespmem:s19+$0x4130];
	[tilespmem:s17+$0x100] =	vst v6  }
.Ltmp6:
0xaf: {  	v6 =	vld [tilespmem:s19+$0x100];
	[tilespmem:s17+$0x110] =	vst v7;
	v5 =	vpop (erf);
	(pc) =	sbr.rel @p0 .LBB2_6-.Ltmp6, $4  }
0xb0: {  	v7 =	vld [tilespmem:s19+$0x110];
	[tilespmem:s17+$0x160] =	vst v5;
	v5 =	vmul.f32 v5, v8;
	v10 =	vpop (erf)  }
0xb1: {  	v8 =	vld [tilespmem:s19+$0x8100];
	[tilespmem:s17+$0x170] =	vst v10;
	v10 =	vmul.f32 v10, v9  }
0xb2: {  	v9 =	vld [tilespmem:s19+$0x8110];
	[tilespmem:s17+$0x120] =	vst v5  }
0xb3: {  	s18 =	sadd.s32 $0x200, s18;
	v5 =	vld [tilespmem:s19+$0x120];
	[tilespmem:s17+$0x130] =	vst v10;
	s17 =	smov.u32 s19  }
0xb4: {  	v4 =	vadd.f32 v4, v6  }
0xb5: {  	v47 =	vld [tilespmem:s17+$0x130];
	v3 =	vadd.f32 v3, v7  }
0xb6: {  	v48 =	vld [tilespmem:s17+$0x8120];
	v4 =	vadd.f32 v8, v4  }
0xb7: {  	v49 =	vld [tilespmem:s17+$0x8130];
	v3 =	vadd.f32 v9, v3  }
0xb8: {  	v50 =	vsub.f32 $0.0e+00, v4  }
0xb9: {  	v2 =	vadd.f32 v2, v5;
	v51 =	vsub.f32 $0.0e+00, v3  }
0xba: {  	v1 =	vadd.f32 v1, v47;
	v52 =	vmul.f32 $1.442695020e+00, v50  }
0xbb: {  	v2 =	vadd.f32 v48, v2;
	v5 =	vmul.f32 $1.442695020e+00, v51  }
0xbc: {  	v1 =	vadd.f32 v49, v1;
	(erf) = vpow2.f32 v52  }
0xbd: {  	v53 =	vsub.f32 $0.0e+00, v2;
	(erf) = vpow2.f32 v5  }
0xbe: {  	v54 =	vsub.f32 $0.0e+00, v1  }
0xbf: {  	v55 =	vmul.f32 $1.442695020e+00, v53  }
0xc0: {  	v56 =	vmul.f32 $1.442695020e+00, v54  }
0xc1: {  	(erf) = vpow2.f32 v55  }
0xc2: {  	(erf) = vpow2.f32 v56;
	_ =	sdelay $0x2  }
0xc3: {  	v57 =	vpop (erf)  }
0xc4: {  	v5 =	vadd.f32 $1.000000000e+00, v57;
	v58 =	vpop (erf)  }
0xc5: {  	v6 =	vadd.f32 $1.000000000e+00, v58  }
0xc6: {  	(erf) = vrcp.f32 v5  }
0xc7: {  	(erf) = vrcp.f32 v6  }
0xc8: {  	v59 =	vpop (erf)  }
0xc9: {  	[tilespmem:s17+$0x8110] =	vst v3;
	v3 =	vadd.f32 $1.000000000e+00, v59;
	v60 =	vpop (erf)  }
0xca: {  	[tilespmem:s17+$0x8120] =	vst v2;
	v2 =	vadd.f32 $1.000000000e+00, v60  }
0xcb: {  	[tilespmem:s17+$0x8130] =	vst v1;
	v1 =	vld [tilespmem:s17+$0x140];
	(erf) = vrcp.f32 v3  }
0xcc: {  	(erf) = vrcp.f32 v2;
	v2 =	vld [tilespmem:s17+$0x150];
	_ =	sdelay $0x2  }
0xcd: {  	v61 =	vpop (erf)  }
0xce: {  	[tilespmem:s17+$0x8100] =	vst v4;
	v3 =	vld [tilespmem:s17+$0x160];
	v1 =	vmul.f32 v61, v1;
	v63 =	vpop (erf)  }
0xcf: {  	v62 =	vld [tilespmem:s17+$0x170];
	[tilespmem:s17+$0x140] =	vst v61;
	v2 =	vmul.f32 v63, v2  }
0xd0: {  	[tilespmem:s17+$0x150] =	vst v63  }
0xd1: {  	[tilespmem:s17+$0x100] =	vst v1  }
0xd2: {  	[tilespmem:s17+$0x110] =	vst v2;
	v1 =	vpop (erf)  }
0xd3: {  	[tilespmem:s17+$0x160] =	vst v1;
	v1 =	vmul.f32 v1, v3;
	v2 =	vpop (erf)  }
0xd4: {  	[tilespmem:s17+$0x170] =	vst v2;
	v2 =	vmul.f32 v2, v62  }
0xd5: {  	[tilespmem:s17+$0x120] =	vst v1  }
0xd6: {  	s4 =	sadd.s32 s10, s4;
	[tilespmem:s17+$0x130] =	vst v2  }
0xd7: {  	[hbm4b:s4+s2] =	stream.linear.scatter [tilespmem:s29], [sflag:$0x3], $0x4000, $0x38;
	[tilespmem:$0x1F9C0] =	vst v63  }
0xd8: {  	_ =	swait.ge [sflag:s25], $0x4000  }
0xd9: {  	[sflag:s25] =	ssyncset.done $0x0  }
.Ltmp7:
0xda: {  	[sflag:s25] =	ssyncadd.s32 $0xFFFFC000;
	(pc) =	sbr.rel .LBB2_8-.Ltmp7, $4  }
0xdb: {  	[spmem:s1] =	stream.indirect.scatter.add.f32 [tilespmem:s23], [sflag:$0x2], $0x80, s26, s26, $0xb8;
	[tilespmem:$0x1F9C0] =	vst v63  }
0xdc: {  	_ =	swait.ge [sflag:s24], $0x4000  }
0xdd: {  	[sflag:s24] =	ssyncset.done $0x0  }
0xde: {  	[sflag:s24] =	ssyncadd.s32 $0xFFFFC000  }
.LBB2_10:
0xdf: {  	_ =	sfence.sel $0x180000  }
0xe0: {  	[bflag:$0x0] =	sbarrier.arrive $0xFFFF  }
0xe1: {  	_ =	strace $0x90000047  }
0xe2: {  	s0 =	stileid.u32;
	[bflag:$0x2] =	sbarrier.arrive $0xFFFF  }
0xe3: {  	p0 =	sne.s32 s0, $0x0;
	s0 =	rddreg [dreg:$0x2]  }
0xe4: {  	s0 =	sadd.s32 @!p0 $0x100000, s0  }
0xe5: {  	[sflag:s0] =	ssyncadd.tile.s32 @!p0 $0x1;
	_ =	shalt  }
.Lfunc_end2:
_tile_overlayer_lowered:
.L_overlay_start_2:
0xe6: {  	(tag) =	ssettag $0x2  }
0xe7: {  	s0 =	rddreg [dreg:$0x0];
	s2 =	stileid.u32  }
0xe8: {  	s1 =	rddreg [dreg:$0x1];
	p0 =	sne.s32 s2, $0x0  }
0xe9: {  	s3 =	rddreg [dreg:$0x2];
	[bflag:$0x3] =	sbarrier.arrive $0xFFFF;
	s2 =	simm.s32 @!p0 $0x1C02  }
0xea: {  	[timem:s3], [sflag:s2] =	dma.local @!p0 [hbm:s0], s1  }
0xeb: {  	s0 =	simm.s32 @!p0 $0x2  }
0xec: {  	_ =	swait.ge @!p0 [sflag:s0], s1  }
0xed: {  	s1 =	ssub.s32 @!p0 $0x0, s1;
	[sflag:s0] =	ssyncset.done @!p0 $0x0  }
0xee: {  	[sflag:s0] =	ssyncadd.s32 @!p0 s1  }
0xef: {  	[bflag:$0x3] =	sbarrier.arrive $0xFFFF  }
0xf0: {  	_ =	shalt  }

// kernel: kernel.9.cloned.1.call-start
scs
__scs_entry_jumppad:
0x0: {  	(pc) =	sbr.rel $0x88, $3  }
0x1: {  	(tag) =	ssettag $0x0;
	lr =	simm.s32 $0x1  }
0x2: {  	[smem:$0x3F85] =	sst lr;
	_ =	strace $0xD0000000  }
0x3: {  	_ = 	snop  }
0x4: {  	_ = 	snop  }
0x5: {  	_ = 	snop  }
0x6: {  	_ = 	snop  }
0x7: {  	_ = 	snop  }
__scs_overlays_trampoline_lowered:
0x8: {  	[smem:$0x3F94] =	sst s0  }
0x9: {  	[smem:$0x3F95] =	sst s1  }
0xa: {  	[smem:$0x3F96] =	sst s2  }
0xb: {  	[smem:$0x3F97] =	sst s3  }
0xc: {  	[smem:$0x3F98] =	sst s4  }
0xd: {  	[smem:$0x3F99] =	sst s5  }
0xe: {  	[smem:$0x3F9A] =	sst s6  }
0xf: {  	[smem:$0x3F9B] =	sst s7  }
0x10: {  	[smem:$0x3F9C] =	sst s8  }
0x11: {  	[smem:$0x3F9D] =	sst s9;
	s0 =	simm.s32 @!p0 $0x0  }
0x12: {  	s1 =	sld [smem:$0x3F83];
	s0 =	simm.s32 @p0 $0x1  }
0x13: {  	[smem:$0x3F9E] =	sst s0;
	s0 =	simm.s32 @!p1 $0x0  }
0x14: {  	s2 =	sld [smem:$0x3F82];
	s0 =	simm.s32 @p1 $0x1  }
0x15: {  	[smem:$0x3F9F] =	sst s0;
	s0 =	simm.s32 @!p2 $0x0  }
0x16: {  	s3 =	sld [smem:$0x3FDB];
	s0 =	simm.s32 @p2 $0x1  }
0x17: {  	s4 =	simm.s32 $0x1BF5;
	[smem:$0x3FA1] =	sst s0  }
0x18: {  	s0 =	sld [smem:$0x3F84];
	_ =	swait.ge [sflag:s4], $0x0  }
0x19: {  	s7 =	sld [smem:$0x3F85]  }
0x1a: {  	s8 =	sadd.s32 $0xFFFFE003, lr  }
0x1b: {  	s9 =	sadd.s32 $0xFFFFFEF7, lr;
	s5 =	simm.s32 $0xFFFFFFFF;
	p2 =	slt.u32 s8, $0xFFFFF086  }
0x1c: {  	p1 =	slt.u32 s9, $0xF7A;
	s5 =	simm.s32 @!p2 $0x0  }
0x1d: {  	s5 =	simm.s32 @p1 $0x1;
	p0 =	seq.s32 s7, s2  }
0x1e: {  	s7 =	smul.u32 @!p0 $0xF7A, s2;
	p2 =	seq.s32 @!p0 s5, $0x0  }
0x1f: {  	s9 =	smul.u32 $0xF7A, s1;
	s8 =	simm.s32 @!p0 $0x1BF5;
	p2 =	por !p2, p0  }
0x20: {  	[sflag:s8] =	ssyncset.s32 @!p0 $0xFFFFF086;
	s6 =	sadd.s32 @!p0 s3, s7;
	s7 =	simm.s32 @!p0 $0x108  }
0x21: {  	s3 =	sadd.s32 s3, s9;
	s6 =	sadd.s32 @!p0 $0x88, s6;
	s7 =	simm.s32 @p2 $0x1082  }
0x22: {  	[simem:s7], [sflag:s8] =	dma.local @!p0 [hbm:s6], $0xF7A  }
0x23: {  	s9 =	sor.u32 $0xD0000000, s2;
	s6 =	simm.s32 $0x108;
	_ =	swait.ge @!p0 [sflag:s8], $0x0  }
0x24: {  	s3 =	sadd.s32 $0x88, s3;
	s6 =	simm.s32 @!p1 $0x1082;
	[sflag:s4] =	ssyncset.s32 $0xFFFFF086  }
0x25: {  	[simem:s6], [sflag:s4] =	dma.local [hbm:s3], $0xF7A  }
0x26: {  	[smem:$0x3F85] =	sst s1;
	(tag) =	ssettag s2;
	_ =	strace s9  }
0x27: {  	s1 =	sld [smem:$0x3F95]  }
0x28: {  	s2 =	sld [smem:$0x3F96]  }
0x29: {  	s4 =	sld [smem:$0x3F98]  }
0x2a: {  	p0 =	seq.s32 s5, $0x0;
	s5 =	sld [smem:$0x3F99]  }
0x2b: {  	s6 =	sld [smem:$0x3F9A]  }
0x2c: {  	s7 =	sld [smem:$0x3F9B]  }
0x2d: {  	s3 =	simm.s32 $0x108;
	s8 =	sld [smem:$0x3F9C]  }
0x2e: {  	s3 =	simm.s32 @!p0 $0x1082;
	s9 =	sld [smem:$0x3F9D]  }
0x2f: {  	lr =	sadd.s32 s0, s3;
	s0 =	sld [smem:$0x3F94]  }
0x30: {  	s3 =	sld [smem:$0x3F97]  }
0x31: {  	[smem:$0x3FA0] =	sst s10  }
0x32: {  	s10 =	sld [smem:$0x3F9E];
	_ =	sdelay $0x3  }
0x33: {  	p0 =	seq.s32 s10, $0x1;
	s10 =	sld [smem:$0x3FA0];
	_ =	sdelay $0x3  }
0x34: {  	[smem:$0x3FA0] =	sst s10  }
0x35: {  	s10 =	sld [smem:$0x3F9F];
	_ =	sdelay $0x3  }
0x36: {  	p1 =	seq.s32 s10, $0x1;
	s10 =	sld [smem:$0x3FA0];
	_ =	sdelay $0x3  }
0x37: {  	[smem:$0x3FA0] =	sst s10  }
0x38: {  	s10 =	sld [smem:$0x3FA1]  }
0x39: {  	_ = 	snop;
	(pc) =	sbr.ind lr, $3  }
0x3a: {  	_ = 	snop  }
0x3b: {  	_ = 	snop  }
0x3c: {  	p2 =	seq.s32 s10, $0x1;
	s10 =	sld [smem:$0x3FA0]  }
0x3d: {  	_ =	shalt  }
0x3e: {  	_ =	shalt  }
0x3f: {  	_ =	shalt  }
0x40: {  	_ =	shalt  }
0x41: {  	_ =	shalt  }
0x42: {  	_ =	shalt  }
0x43: {  	_ =	shalt  }
0x44: {  	_ =	shalt  }
0x45: {  	_ =	shalt  }
0x46: {  	_ =	shalt  }
0x47: {  	_ =	shalt  }
0x48: {  	_ =	shalt  }
0x49: {  	_ =	shalt  }
0x4a: {  	_ =	shalt  }
0x4b: {  	_ =	shalt  }
0x4c: {  	_ =	shalt  }
0x4d: {  	_ =	shalt  }
0x4e: {  	_ =	shalt  }
0x4f: {  	_ =	shalt  }
0x50: {  	_ =	shalt  }
0x51: {  	_ =	shalt  }
0x52: {  	_ =	shalt  }
0x53: {  	_ =	shalt  }
0x54: {  	_ =	shalt  }
0x55: {  	_ =	shalt  }
0x56: {  	_ =	shalt  }
0x57: {  	_ =	shalt  }
0x58: {  	_ =	shalt  }
0x59: {  	_ =	shalt  }
0x5a: {  	_ =	shalt  }
0x5b: {  	_ =	shalt  }
0x5c: {  	_ =	shalt  }
0x5d: {  	_ =	shalt  }
0x5e: {  	_ =	shalt  }
0x5f: {  	_ =	shalt  }
0x60: {  	_ =	shalt  }
0x61: {  	_ =	shalt  }
0x62: {  	_ =	shalt  }
0x63: {  	_ =	shalt  }
0x64: {  	_ =	shalt  }
0x65: {  	_ =	shalt  }
0x66: {  	_ =	shalt  }
0x67: {  	_ =	shalt  }
0x68: {  	_ =	shalt  }
0x69: {  	_ =	shalt  }
0x6a: {  	_ =	shalt  }
0x6b: {  	_ =	shalt  }
0x6c: {  	_ =	shalt  }
0x6d: {  	_ =	shalt  }
0x6e: {  	_ =	shalt  }
0x6f: {  	_ =	shalt  }
0x70: {  	_ =	shalt  }
0x71: {  	_ =	shalt  }
0x72: {  	_ =	shalt  }
0x73: {  	_ =	shalt  }
0x74: {  	_ =	shalt  }
0x75: {  	_ =	shalt  }
0x76: {  	_ =	shalt  }
0x77: {  	_ =	shalt  }
0x78: {  	_ =	shalt  }
0x79: {  	_ =	shalt  }
0x7a: {  	_ =	shalt  }
0x7b: {  	_ =	shalt  }
0x7c: {  	_ =	shalt  }
0x7d: {  	_ =	shalt  }
0x7e: {  	_ =	shalt  }
0x7f: {  	_ =	shalt  }
0x80: {  	_ =	shalt  }
0x81: {  	_ =	shalt  }
0x82: {  	_ =	shalt  }
0x83: {  	_ =	shalt  }
0x84: {  	_ =	shalt  }
0x85: {  	_ =	shalt  }
0x86: {  	_ =	shalt  }
0x87: {  	_ =	shalt  }
.Lfunc_end0:
.L_simem_size_0:
called_computation.1_lowered:
.L_overlay_start_0:
0x88: {  	s2 =	sld [smem:$0x3FD9]  }
0x89: {  	s3 =	sld [smem:$0x3FFE];
	_ =	sdelay $0x1  }
0x8a: {  	s1 =	srdreg.scid  }
0x8b: {  	s0 =	sand.u32 $0x1, s1  }
0x8c: {  	s16 =	sshll.u32 s0, $0xA;
	s2 =	sadd.s32 s3, s2  }
0x8d: {  	s2 =	sadd.s32 s2, s16  }
0x8e: {  	[smem:$0x3FAC] =	sst s2  }
0x8f: {  	_ = 	snop  }
0x90: {  	(tm) =	ssettm $0x1  }
0x91: {  	s17 =	sld [smem:$0x3FFB];
	_ =	sdelay $0x3  }
0x92: {  	_ =	strace s17  }
0x93: {  	s2 =	sld [smem:$0x3FFC];
	_ =	sdelay $0x3  }
0x94: {  	_ =	strace s2  }
0x95: {  	s2 =	sld [smem:$0x3FFD];
	_ =	sdelay $0x3  }
0x96: {  	_ =	strace s2  }
0x97: {  	_ =	strace $0x8FFFFFFF  }
0x98: {  	s18 =	sld [smem:$0x3FDB];
	_ =	sdelay $0x1  }
0x99: {  	s19 =	simm.s32 $_scs_section_size  }
0x9a: {  	s4 =	simm.s32 $_size__tile_overlayer_lowered;
	s5 =	simm.s32 $_tile_overlayer_lowered  }
0x9b: {  	s22 =	simm.s32 $0x1BFF;
	s21 =	sshll.u32 s5, $0x1;
	s2 =	sadd.s32 s19, s18  }
0x9c: {  	s6 =	simm.s32 $0x0;
	s20 =	sshll.u32 s4, $0x1;
	s4 =	sadd.s32 s21, s2  }
0x9d: {  	[timem:s6], [sflag:s22] =	dma.local [hbm:s4], s20  }
0x9e: {  	_ =	swait.ge [sflag:s22], s20  }
0x9f: {  	s3 =	ssub.s32 $0x0, s20;
	[sflag:s22] =	ssyncset.done $0x0  }
0xa0: {  	[sflag:s22] =	ssyncadd.s32 s3;
	_ =	sdelay $0x1  }
0xa1: {  	s23 =	simm.s32 $0x1B8B  }
0xa2: {  	_ =	swait.ge [sflag:s23], $0x1  }
0xa3: {  	[sflag:s23] =	ssyncset.done $0x0  }
0xa4: {  	s25 =	simm.s32 $0x1B8E;
	s24 =	sld [smem:$0x3FFE];
	[sflag:s23] =	ssyncadd.s32 $0xFFFFFFFF  }
0xa5: {  	s26 =	simm.s32 $execute0_lowered;
	[smem:$0x3FD2] =	sst s25  }
0xa6: {  	s4 =	sshll.u32 s26, $0x1;
	_ =	strace $0x80000049;
	[dreg:$0x1] =	wrdreg $0xFFFFFFFF  }
0xa7: {  	s28 =	simm.s32 $_size_execute0_lowered;
	s2 =	sadd.s32 s2, s4;
	[dreg:$0x0] =	wrdreg $0x0  }
0xa8: {  	s4 =	sshll.u32 s28, $0x1;
	[dreg:$0x2] =	wrdreg s2  }
0xa9: {  	[dreg:$0x3] =	wrdreg s4  }
0xaa: {  	[dreg:$0x4] =	wrdreg $0xC0  }
0xab: {  	_ =	task [dreg:s6], $0x5FFFF  }
0xac: {  	[dreg:$0x1] =	wrdreg $0xFFFFFFFF  }
0xad: {  	[dreg:$0x0] =	wrdreg $0x60  }
0xae: {  	[dreg:$0x2] =	wrdreg s24  }
0xaf: {  	[dreg:$0x3] =	wrdreg $0xC1000  }
0xb0: {  	[dreg:$0x4] =	wrdreg $0x9  }
0xb1: {  	_ =	task.clear_ibuf [dreg:s6], $0x5FFFF;
	_ =	strace $0x90000049  }
0xb2: {  	s29 =	simm.s32 $0x9;
	_ =	strace $0x8000004B  }
0xb3: {  	_ =	swait.ge [sflag:s29], $0x1  }
0xb4: {  	[sflag:s29] =	ssyncadd.s32 $0xFFFFFFFF  }
0xb5: {  	_ =	strace $0x9000004B  }
0xb6: {  	_ =	sfence  }
0xb7: {  	s30 =	sld [smem:$0x0];
	_ =	sdelay $0x2  }
0xb8: {  	s31 =	sshll.u32 s1, $0xD;
	s1 =	sshrl.u32 s1, $0x2  }
0xb9: {  	s3 =	sand.u32 $0x4000, s31;
	s1 =	sadd.s32 s1, s30  }
0xba: {  	s0 =	sor.u32 s3, s0;
	s1 =	sshll.u32 s1, $0x11  }
0xbb: {  	s0 =	sor.u32 s1, s0  }
0xbc: {  	s0 =	sadd.s32 $0x8F2B, s0  }
0xbd: {  	[sflag:s0] =	ssyncadd.remote.s32 $0x1  }
0xbe: {  	_ =	sfence.sel $0xFFFF  }
0xbf: {  	[dreg:$0x0] =	wrdreg $0xFFFFFFFF;
	(pc) =	sbr.abs _section_cstart, $3  }
0xc0: {  	[dreg:$0x1] =	wrdreg $0xFFFFFFFF  }
0xc1: {  	_ =	task.clear_ibuf [dreg:s6], $0x2FFFF;
	_ =	strace $0x9FFFFFFF  }
0xc2: {  	(tm) =	ssettm $0x7FFFFFFF  }
0xc3: {  	_ =	shalt  }
tec
execute0_lowered:
.L_overlay_start_1:
0x0: {  	(tag) =	ssettag $0x1  }
0x1: {  	s0 =	rddreg [dreg:$0x0]  }
0x2: {  	s1 =	rddreg [dreg:$0x1]  }
0x3: {  	s2 =	simm.s32 $0x0;
	s3 =	srdreg.scid;
	s12 =	stileid.u32  }
0x4: {  	s23 =	simm.s32 $0x2;
	s28 =	simm.s32 $0x8100;
	s29 =	simm.s32 $0x1  }
0x5: {  	s30 =	simm.s32 $0x0;
	[smem:$0x7FF] =	sst s2;
	s4 =	sadd.s32 $0x56B600, s0  }
0x6: {  	s17 =	simm.s32 $0x0;
	s5 =	sadd.s32 $0x5B9A00, s0;
	s6 =	sadd.s32 $0x5E0C00, s0  }
0x7: {  	s7 =	sadd.s32 $0x58600, s0;
	s8 =	sand.u32 $0x1, s3;
	s24 =	smul.u32 $0x4E000, s12  }
0x8: {  	s9 =	sadd.s32 $0x4E800, s0;
	s0 =	sadd.s32 $0xAC2C00, s0;
	s15 =	smul.u32 $0x13800, s12  }
0x9: {  	_ =	strace $0x8000004A;
	s10 =	ssub.s32 $0x2, s8;
	s19 =	smul.u32 $0x138800, s8  }
0xa: {  	s11 =	sshrl.u32 s10, $0x1;
	s3 =	sshrl.u32 s24, $0x2;
	s25 =	sadd.s32 $0x4000, s15  }
0xb: {  	s18 =	sadd.s32 $0x8000, s15;
	s20 =	sadd.s32 $0xC000, s15;
	s22 =	sadd.s32 $0x10000, s15  }
0xc: {  	s24 =	simm.s32 $0x3;
	s21 =	ssub.s32 s10, s11;
	s10 =	sshll.u32 s12, $0x1  }
0xd: {  	s11 =	sadd.s32 s3, s1;
	s12 =	sadd.s32 s25, s1;
	s13 =	sadd.s32 s18, s1  }
0xe: {  	s14 =	sadd.s32 s20, s1;
	s16 =	sadd.s32 s15, s19;
	s3 =	sadd.s32 s19, s25  }
0xf: {  	s15 =	sadd.s32 s22, s1;
	s26 =	sadd.s32 s19, s18;
	s31 =	sadd.s32 s19, s20  }
0x10: {  	s19 =	sadd.s32 s19, s22;
	s25 =	simm.s32 $0x80;
	s16 =	sshrl.u32 s16, $0x3  }
.Ltmp0:
0x11: {  	s3 =	sshrl.u32 s3, $0x3;
	s20 =	sshrl.u32 s31, $0x3;
	(pc) =	sbr.rel .LBB2_1-.Ltmp0, $4  }
0x12: {  	s22 =	sshrl.u32 s19, $0x3;
	s21 =	smax.u32 s21, $0x1;
	s16 =	sadd.s32 s0, s16  }
0x13: {  	s3 =	sadd.s32 s0, s3;
	s19 =	sadd.s32 s0, s20;
	s20 =	sadd.s32 s0, s22  }
0x14: {  	s22 =	simm.s32 $0x100;
	[dreg:$0x4] =	wrdreg s3;
	s3 =	sshrl.u32 s26, $0x3  }
0x15: {  	v0 =	vimm.f32 $0.0e+00;
	[dreg:$0x3] =	wrdreg s16;
	s26 =	simm.s32 $0x4100;
	s18 =	sadd.s32 s0, s3  }
.LBB2_9:
0x16: {  	[bflag:$0x0] =	sbarrier.arrive $0xFFFF  }
0x17: {  	[tilespmem:s22], [sflag:$0x2] =	stream.linear.gather [spmem:s11], $0x4000, $0x38;
	[tilespmem:$0x1F9C0] =	vst v63  }
0x18: {  	_ =	swait.ge [sflag:s23], $0x4000  }
0x19: {  	[sflag:s23] =	ssyncset.done $0x0  }
0x1a: {  	s0 =	rddreg [dreg:$0x3];
	[sflag:s23] =	ssyncadd.s32 $0xFFFFC000  }
0x1b: {  	[hbm4b:s0+s2] =	stream.linear.scatter [tilespmem:s22], [sflag:$0x2], $0x4000, $0x38;
	[tilespmem:$0x1F9C0] =	vst v63  }
0x1c: {  	_ =	swait.ge [sflag:s23], $0x4000  }
0x1d: {  	[sflag:s23] =	ssyncset.done $0x0  }
0x1e: {  	[sflag:s23] =	ssyncadd.s32 $0xFFFFC000  }
0x1f: {  	[tilespmem:s22], [sflag:$0x2] =	stream.linear.gather [spmem:s12], $0x4000, $0x38;
	[tilespmem:$0x1F9C0] =	vst v63  }
0x20: {  	_ =	swait.ge [sflag:s23], $0x4000  }
0x21: {  	[sflag:s23] =	ssyncset.done $0x0  }
0x22: {  	s31 =	rddreg [dreg:$0x4];
	[sflag:s23] =	ssyncadd.s32 $0xFFFFC000  }
0x23: {  	[hbm4b:s31+s2] =	stream.linear.scatter [tilespmem:s22], [sflag:$0x2], $0x4000, $0x38;
	[tilespmem:$0x1F9C0] =	vst v63  }
0x24: {  	_ =	swait.ge [sflag:s23], $0x4000  }
0x25: {  	[sflag:s23] =	ssyncset.done $0x0  }
0x26: {  	[sflag:s23] =	ssyncadd.s32 $0xFFFFC000  }
0x27: {  	[tilespmem:s22], [sflag:$0x2] =	stream.linear.gather [spmem:s13], $0x4000, $0x38;
	[tilespmem:$0x1F9C0] =	vst v63  }
0x28: {  	_ =	swait.ge [sflag:s23], $0x4000  }
0x29: {  	[sflag:s23] =	ssyncset.done $0x0  }
0x2a: {  	[sflag:s23] =	ssyncadd.s32 $0xFFFFC000  }
0x2b: {  	[hbm4b:s18+s2] =	stream.linear.scatter [tilespmem:s22], [sflag:$0x2], $0x4000, $0x38;
	[tilespmem:$0x1F9C0] =	vst v63  }
0x2c: {  	_ =	swait.ge [sflag:s23], $0x4000  }
0x2d: {  	[sflag:s23] =	ssyncset.done $0x0  }
0x2e: {  	[sflag:s23] =	ssyncadd.s32 $0xFFFFC000  }
0x2f: {  	[tilespmem:s22], [sflag:$0x2] =	stream.linear.gather [spmem:s14], $0x4000, $0x38;
	[tilespmem:$0x1F9C0] =	vst v63  }
0x30: {  	_ =	swait.ge [sflag:s23], $0x4000  }
0x31: {  	[sflag:s23] =	ssyncset.done $0x0  }
0x32: {  	[sflag:s23] =	ssyncadd.s32 $0xFFFFC000  }
0x33: {  	[hbm4b:s19+s2] =	stream.linear.scatter [tilespmem:s22], [sflag:$0x2], $0x4000, $0x38;
	[tilespmem:$0x1F9C0] =	vst v63  }
0x34: {  	_ =	swait.ge [sflag:s23], $0x4000  }
0x35: {  	[sflag:s23] =	ssyncset.done $0x0  }
0x36: {  	[sflag:s23] =	ssyncadd.s32 $0xFFFFC000  }
0x37: {  	[tilespmem:s22], [sflag:$0x2] =	stream.linear.gather [spmem:s15], $0x4000, $0x38;
	[tilespmem:$0x1F9C0] =	vst v63  }
0x38: {  	s30 =	sadd.s32 $0x1, s30;
	_ =	swait.ge [sflag:s23], $0x4000  }
0x39: {  	p0 =	sne.s32 s30, s21;
	[sflag:s23] =	ssyncset.done $0x0  }
.Ltmp1:
0x3a: {  	[sflag:s23] =	ssyncadd.s32 $0xFFFFC000;
	(pc) =	sbr.rel @!p0 .LBB2_10-.Ltmp1, $4  }
0x3b: {  	[hbm4b:s20+s2] =	stream.linear.scatter [tilespmem:s22], [sflag:$0x2], $0x4000, $0x38;
	[tilespmem:$0x1F9C0] =	vst v63  }
0x3c: {  	_ =	swait.ge [sflag:s23], $0x4000  }
0x3d: {  	[sflag:s23] =	ssyncset.done $0x0  }
0x3e: {  	[sflag:s23] =	ssyncadd.s32 $0xFFFFC000  }
.LBB2_1:
0x3f: {  	s0 =	simm.s32 $0x0;
	s3 =	simm.s32 $0x200  }
.LBB2_2:
0x40: {  	p0 =	sne.s32 s3, $0xFE00;
	[tilespmem:s0+$0x170] =	vst v0  }
0x41: {  	[tilespmem:s0+$0x100] =	vst v0  }
0x42: {  	[tilespmem:s0+$0x110] =	vst v0  }
.Ltmp2:
0x43: {  	[tilespmem:s0+$0x120] =	vst v0;
	(pc) =	sbr.rel @p0 .LBB2_2-.Ltmp2, $4  }
0x44: {  	[tilespmem:s0+$0x130] =	vst v0  }
0x45: {  	[tilespmem:s0+$0x140] =	vst v0  }
0x46: {  	[tilespmem:s0+$0x150] =	vst v0  }
0x47: {  	[tilespmem:s0+$0x160] =	vst v0;
	s0 =	sshra.s32 s3, $0x2;
	s3 =	sadd.s32 $0x200, s3  }
0x48: {  	[tilespmem:s0+$0x170] =	vst v0  }
0x49: {  	[tilespmem:s0+$0x100] =	vst v0  }
0x4a: {  	[tilespmem:s0+$0x110] =	vst v0  }
0x4b: {  	[tilespmem:s0+$0x120] =	vst v0  }
0x4c: {  	[tilespmem:s0+$0x130] =	vst v0  }
0x4d: {  	[tilespmem:s0+$0x140] =	vst v0  }
0x4e: {  	[tilespmem:s0+$0x150] =	vst v0  }
0x4f: {  	[tilespmem:s0+$0x160] =	vst v0  }
0x50: {  	[spmem:s11] =	stream.linear.scatter [tilespmem:s22], [sflag:$0x2], $0x4000, $0x38;
	[tilespmem:$0x1F9C0] =	vst v63  }
0x51: {  	_ =	swait.ge [sflag:s23], $0x4000  }
0x52: {  	[sflag:s23] =	ssyncset.done $0x0  }
0x53: {  	[sflag:s23] =	ssyncadd.s32 $0xFFFFC000  }
0x54: {  	[spmem:s12] =	stream.linear.scatter [tilespmem:s22], [sflag:$0x2], $0x4000, $0x38;
	[tilespmem:$0x1F9C0] =	vst v63  }
0x55: {  	_ =	swait.ge [sflag:s23], $0x4000  }
0x56: {  	[sflag:s23] =	ssyncset.done $0x0  }
0x57: {  	[sflag:s23] =	ssyncadd.s32 $0xFFFFC000  }
0x58: {  	[spmem:s13] =	stream.linear.scatter [tilespmem:s22], [sflag:$0x2], $0x4000, $0x38;
	[tilespmem:$0x1F9C0] =	vst v63  }
0x59: {  	_ =	swait.ge [sflag:s23], $0x4000  }
0x5a: {  	[sflag:s23] =	ssyncset.done $0x0  }
0x5b: {  	[sflag:s23] =	ssyncadd.s32 $0xFFFFC000  }
0x5c: {  	[spmem:s14] =	stream.linear.scatter [tilespmem:s22], [sflag:$0x2], $0x4000, $0x38;
	[tilespmem:$0x1F9C0] =	vst v63  }
0x5d: {  	_ =	swait.ge [sflag:s23], $0x4000  }
0x5e: {  	[sflag:s23] =	ssyncset.done $0x0  }
0x5f: {  	[sflag:s23] =	ssyncadd.s32 $0xFFFFC000  }
0x60: {  	[spmem:s15] =	stream.linear.scatter [tilespmem:s22], [sflag:$0x2], $0x4000, $0x38;
	[tilespmem:$0x1F9C0] =	vst v63  }
.Ltmp3:
0x61: {  	_ =	swait.ge [sflag:s23], $0x4000;
	(pc) =	sbr.rel .LBB2_4-.Ltmp3, $4  }
0x62: {  	[sflag:s23] =	ssyncset.done $0x0  }
0x63: {  	[sflag:s23] =	ssyncadd.s32 $0xFFFFC000  }
0x64: {  	[bflag:$0x0] =	sbarrier.arrive $0xFFFF  }
0x65: {  	s31 =	simm.s32 $0x0  }
.LBB2_8:
0x66: {  	s31 =	sadd.s32 $0x1, s31  }
0x67: {  	p0 =	sne.s32 s31, $0x4F  }
.Ltmp4:
0x68: {  	_ = 	snop;
	(pc) =	sbr.rel @!p0 .LBB2_9-.Ltmp4, $1  }
0x69: {  	_ =	sdelay $0x3  }
.LBB2_4:
0x6a: {  	s0 =	sshll.u32 s31, $0x5  }
0x6b: {  	s0 =	sor.u32 s10, s0  }
0x6c: {  	p0 =	sgt.u32 s0, $0x9C3  }
.Ltmp5:
0x6d: {  	_ = 	snop;
	(pc) =	sbr.rel @p0 .LBB2_8-.Ltmp5, $1  }
0x6e: {  	_ =	sdelay $0x3  }
0x6f: {  	s0 =	sor.u32 s8, s0  }
0x70: {  	s3 =	sshll.u32 s0, $0x4  }
0x71: {  	s16 =	sadd.s32 s7, s3  }
0x72: {  	[tilespmem:s17], [sflag:$0x3] =	stream.linear.gather [hbm4b:s16+s17], $0x80, $0x38;
	[tilespmem:$0x1F9C0] =	vst v63  }
0x73: {  	_ =	swait.ge [sflag:s24], $0x80  }
0x74: {  	[sflag:s24] =	ssyncset.done $0x0  }
0x75: {  	s3 =	sadd.s32 s9, s3;
	[sflag:s24] =	ssyncadd.s32 $0xFFFFFF80  }
0x76: {  	[tilespmem:s25], [sflag:$0x3] =	stream.linear.gather [hbm4b:s3+s17], $0x80, $0x38;
	[tilespmem:$0x1F9C0] =	vst v63  }
0x77: {  	_ =	swait.ge [sflag:s24], $0x80  }
0x78: {  	[sflag:s24] =	ssyncset.done $0x0  }
0x79: {  	[sflag:s24] =	ssyncadd.s32 $0xFFFFFF80  }
0x7a: {  	[tilespmem:s22], [sflag:$0x1] =	stream.indirect.gather [hbm4b:s4+s25], $0x80, s17, s25, $0xb8;
	[tilespmem:$0x1F9C0] =	vst v63  }
0x7b: {  	s0 =	sshll.u32 s0, $0xB  }
0x7c: {  	[tilespmem:s26], [sflag:$0x1] =	stream.indirect.gather [hbm4b:s5+s25], $0x80, s25, s25, $0xb8;
	[tilespmem:$0x1F9C0] =	vst v63  }
0x7d: {  	s0 =	sadd.s32 s6, s0  }
0x7e: {  	[tilespmem:s28], [sflag:$0x1] =	stream.linear.gather [hbm4b:s0+s17], $0x4000, $0x38;
	[tilespmem:$0x1F9C0] =	vst v63  }
0x7f: {  	_ =	swait.ge [sflag:s29], $0x4000  }
0x80: {  	[sflag:s29] =	ssyncset.done $0x0  }
0x81: {  	[sflag:s29] =	ssyncadd.s32 $0xFFFFC000  }
0x82: {  	_ =	swait.ge [sflag:s29], $0x4000  }
0x83: {  	[sflag:s29] =	ssyncset.done $0x0  }
0x84: {  	[sflag:s29] =	ssyncadd.s32 $0xFFFFC000  }
0x85: {  	_ =	swait.ge [sflag:s29], $0x4000  }
0x86: {  	[sflag:s29] =	ssyncset.done $0x0  }
0x87: {  	s0 =	simm.s32 $0x0;
	[sflag:s29] =	ssyncadd.s32 $0xFFFFC000  }
0x88: {  	v2 =	vld [tilespmem:s0+$0x8100]  }
0x89: {  	v1 =	vld [tilespmem:s0+$0x8110]  }
0x8a: {  	v3 =	vld [tilespmem:s0+$0x4100]  }
0x8b: {  	v4 =	vld [tilespmem:s0+$0x4110]  }
0x8c: {  	v7 =	vld [tilespmem:s0+$0x100]  }
0x8d: {  	v8 =	vld [tilespmem:s0+$0x110]  }
0x8e: {  	v5 =	vld [tilespmem:s0+$0x4120]  }
0x8f: {  	v6 =	vld [tilespmem:s0+$0x4130]  }
0x90: {  	s3 =	simm.s32 $0x200;
	v9 =	vld [tilespmem:s0+$0x120]  }
.LBB2_6:
0x91: {  	p0 =	sne.s32 s3, $0xFE00;
	v3 =	vadd.f32 v3, v7;
	v7 =	vld [tilespmem:s0+$0x130]  }
0x92: {  	v4 =	vadd.f32 v4, v8;
	v8 =	vld [tilespmem:s0+$0x8120]  }
0x93: {  	v2 =	vadd.f32 v2, v3;
	v3 =	vld [tilespmem:s0+$0x8130]  }
0x94: {  	v1 =	vadd.f32 v1, v4  }
0x95: {  	v2 =	vsub.f32 $0.0e+00, v2;
	v4 =	vadd.f32 v5, v9  }
0x96: {  	v1 =	vsub.f32 $0.0e+00, v1;
	v5 =	vadd.f32 v6, v7  }
0x97: {  	v2 =	vmul.f32 $1.442695020e+00, v2;
	v4 =	vadd.f32 v8, v4  }
0x98: {  	v1 =	vmul.f32 $1.442695020e+00, v1;
	v3 =	vadd.f32 v3, v5  }
0x99: {  	v4 =	vsub.f32 $0.0e+00, v4;
	(erf) = vpow2.f32 v2  }
0x9a: {  	v2 =	vsub.f32 $0.0e+00, v3;
	(erf) = vpow2.f32 v1  }
0x9b: {  	v1 =	vmul.f32 $1.442695020e+00, v4  }
0x9c: {  	v2 =	vmul.f32 $1.442695020e+00, v2  }
0x9d: {  	(erf) = vpow2.f32 v1  }
0x9e: {  	(erf) = vpow2.f32 v2;
	_ =	sdelay $0x3  }
0x9f: {  	v1 =	vpop (erf)  }
0xa0: {  	v3 =	vadd.f32 $1.000000000e+00, v1;
	v2 =	vpop (erf)  }
0xa1: {  	v4 =	vadd.f32 $1.000000000e+00, v2  }
0xa2: {  	(erf) = vrcp.f32 v3  }
0xa3: {  	(erf) = vrcp.f32 v4;
	v1 =	vpop (erf)  }
0xa4: {  	v1 =	vadd.f32 $1.000000000e+00, v1;
	v2 =	vpop (erf)  }
0xa5: {  	v2 =	vadd.f32 $1.000000000e+00, v2  }
0xa6: {  	(erf) = vrcp.f32 v1  }
0xa7: {  	v3 =	vld [tilespmem:s0+$0x140];
	(erf) = vrcp.f32 v2  }
0xa8: {  	s16 =	sshra.s32 s3, $0x2;
	v4 =	vld [tilespmem:s0+$0x150]  }
0xa9: {  	v2 =	vld [tilespmem:s16+$0x8100]  }
0xaa: {  	v1 =	vld [tilespmem:s16+$0x8110]  }
0xab: {  	v5 =	vld [tilespmem:s0+$0x160];
	v6 =	vpop (erf)  }
0xac: {  	[tilespmem:s0+$0x140] =	vst v6;
	v10 =	vmul.f32 v6, v3;
	v9 =	vld [tilespmem:s0+$0x170];
	v7 =	vpop (erf)  }
0xad: {  	v3 =	vld [tilespmem:s16+$0x4100];
	[tilespmem:s0+$0x150] =	vst v7;
	v8 =	vmul.f32 v7, v4  }
0xae: {  	v4 =	vld [tilespmem:s16+$0x4110];
	[tilespmem:s0+$0x100] =	vst v10  }
.Ltmp6:
0xaf: {  	v7 =	vld [tilespmem:s16+$0x100];
	[tilespmem:s0+$0x110] =	vst v8;
	v6 =	vpop (erf);
	(pc) =	sbr.rel @p0 .LBB2_6-.Ltmp6, $4  }
0xb0: {  	v8 =	vld [tilespmem:s16+$0x110];
	[tilespmem:s0+$0x160] =	vst v6;
	v10 =	vmul.f32 v6, v5;
	v6 =	vpop (erf)  }
0xb1: {  	v5 =	vld [tilespmem:s16+$0x4120];
	[tilespmem:s0+$0x170] =	vst v6;
	v11 =	vmul.f32 v6, v9  }
0xb2: {  	v6 =	vld [tilespmem:s16+$0x4130];
	[tilespmem:s0+$0x120] =	vst v10  }
0xb3: {  	s3 =	sadd.s32 $0x200, s3;
	v9 =	vld [tilespmem:s16+$0x120];
	[tilespmem:s0+$0x130] =	vst v11;
	s0 =	smov.u32 s16  }
0xb4: {  	v3 =	vadd.f32 v3, v7  }
0xb5: {  	v57 =	vld [tilespmem:s0+$0x130];
	v4 =	vadd.f32 v4, v8  }
0xb6: {  	v58 =	vld [tilespmem:s0+$0x8120];
	v2 =	vadd.f32 v2, v3  }
0xb7: {  	v3 =	vld [tilespmem:s0+$0x8130];
	v1 =	vadd.f32 v1, v4  }
0xb8: {  	v2 =	vsub.f32 $0.0e+00, v2  }
0xb9: {  	v59 =	vadd.f32 v5, v9;
	v1 =	vsub.f32 $0.0e+00, v1  }
0xba: {  	v60 =	vadd.f32 v6, v57;
	v2 =	vmul.f32 $1.442695020e+00, v2  }
0xbb: {  	v4 =	vadd.f32 v58, v59;
	v1 =	vmul.f32 $1.442695020e+00, v1  }
0xbc: {  	v3 =	vadd.f32 v3, v60;
	(erf) = vpow2.f32 v2  }
0xbd: {  	v2 =	vsub.f32 $0.0e+00, v4;
	(erf) = vpow2.f32 v1  }
0xbe: {  	v3 =	vsub.f32 $0.0e+00, v3  }
0xbf: {  	v1 =	vmul.f32 $1.442695020e+00, v2  }
0xc0: {  	v2 =	vmul.f32 $1.442695020e+00, v3  }
0xc1: {  	(erf) = vpow2.f32 v1  }
0xc2: {  	(erf) = vpow2.f32 v2;
	_ =	sdelay $0x2  }
0xc3: {  	v1 =	vpop (erf)  }
0xc4: {  	v1 =	vadd.f32 $1.000000000e+00, v1;
	v2 =	vpop (erf)  }
0xc5: {  	v2 =	vadd.f32 $1.000000000e+00, v2  }
0xc6: {  	(erf) = vrcp.f32 v1  }
0xc7: {  	(erf) = vrcp.f32 v2  }
0xc8: {  	v1 =	vpop (erf)  }
0xc9: {  	v1 =	vadd.f32 $1.000000000e+00, v1;
	v2 =	vpop (erf)  }
0xca: {  	v2 =	vadd.f32 $1.000000000e+00, v2  }
0xcb: {  	(erf) = vrcp.f32 v1;
	v1 =	vld [tilespmem:s0+$0x140]  }
0xcc: {  	(erf) = vrcp.f32 v2;
	v2 =	vld [tilespmem:s0+$0x150];
	_ =	sdelay $0x2  }
0xcd: {  	v61 =	vpop (erf)  }
0xce: {  	v3 =	vld [tilespmem:s0+$0x160];
	v1 =	vmul.f32 v61, v1;
	v63 =	vpop (erf)  }
0xcf: {  	v62 =	vld [tilespmem:s0+$0x170];
	[tilespmem:s0+$0x140] =	vst v61;
	v2 =	vmul.f32 v63, v2  }
0xd0: {  	[tilespmem:s0+$0x150] =	vst v63  }
0xd1: {  	[tilespmem:s0+$0x100] =	vst v1  }
0xd2: {  	[tilespmem:s0+$0x110] =	vst v2;
	v1 =	vpop (erf)  }
0xd3: {  	[tilespmem:s0+$0x160] =	vst v1;
	v1 =	vmul.f32 v1, v3;
	v2 =	vpop (erf)  }
0xd4: {  	[tilespmem:s0+$0x170] =	vst v2;
	v2 =	vmul.f32 v2, v62  }
0xd5: {  	[tilespmem:s0+$0x120] =	vst v1  }
.Ltmp7:
0xd6: {  	[tilespmem:s0+$0x130] =	vst v2;
	(pc) =	sbr.rel .LBB2_8-.Ltmp7, $4  }
0xd7: {  	[spmem:s1] =	stream.indirect.scatter.add.f32 [tilespmem:s22], [sflag:$0x2], $0x80, s25, s25, $0xb8;
	[tilespmem:$0x1F9C0] =	vst v63  }
0xd8: {  	_ =	swait.ge [sflag:s23], $0x4000  }
0xd9: {  	[sflag:s23] =	ssyncset.done $0x0  }
0xda: {  	[sflag:s23] =	ssyncadd.s32 $0xFFFFC000  }
.LBB2_10:
0xdb: {  	_ =	sfence.sel $0x180000  }
0xdc: {  	[bflag:$0x0] =	sbarrier.arrive $0xFFFF  }
0xdd: {  	_ =	strace $0x9000004A  }
0xde: {  	s0 =	stileid.u32;
	[bflag:$0x2] =	sbarrier.arrive $0xFFFF  }
0xdf: {  	p0 =	sne.s32 s0, $0x0;
	s0 =	rddreg [dreg:$0x2]  }
0xe0: {  	s0 =	sadd.s32 @!p0 $0x100000, s0  }
0xe1: {  	[sflag:s0] =	ssyncadd.tile.s32 @!p0 $0x1;
	_ =	shalt  }
.Lfunc_end2:
_tile_overlayer_lowered:
.L_overlay_start_2:
0xe2: {  	(tag) =	ssettag $0x2  }
0xe3: {  	s0 =	rddreg [dreg:$0x0];
	s2 =	stileid.u32  }
0xe4: {  	s1 =	rddreg [dreg:$0x1];
	p0 =	sne.s32 s2, $0x0  }
0xe5: {  	s3 =	rddreg [dreg:$0x2];
	[bflag:$0x3] =	sbarrier.arrive $0xFFFF;
	s2 =	simm.s32 @!p0 $0x1C02  }
0xe6: {  	[timem:s3], [sflag:s2] =	dma.local @!p0 [hbm:s0], s1  }
0xe7: {  	s0 =	simm.s32 @!p0 $0x2  }
0xe8: {  	_ =	swait.ge @!p0 [sflag:s0], s1  }
0xe9: {  	s1 =	ssub.s32 @!p0 $0x0, s1;
	[sflag:s0] =	ssyncset.done @!p0 $0x0  }
0xea: {  	[sflag:s0] =	ssyncadd.s32 @!p0 s1  }
0xeb: {  	[bflag:$0x3] =	sbarrier.arrive $0xFFFF  }
0xec: {  	_ =	shalt  }

</sc_bundles>
